<compile_context>
chip_gen: v7x
topology: tpu7x:2x2x1
jax: 0.10.2.dev20260603
libtpu: 0.0.44.dev20260713+nightly
codegen_flags: <defaults>
</compile_context>

<pallas_src>
import functools

import jax
import jax.numpy as jnp
from jax import lax
from jax.experimental import pallas as pl
from jax.experimental.pallas import tpu as pltpu
from jax.experimental.pallas import tpu_sc as plsc

N = 10000
E = 320000
F = 128
G = 16
EPS = 1e-5

NC = 2
NS = 16
NW = NC * NS
C = 80
EPW = E // NW
NCH = EPW // C
RPT = 624
RTAIL = N - NS * RPT

@functools.cache
def _mesh():
    return plsc.VectorSubcoreMesh(core_axis_name="c", subcore_axis_name="s",
                                  num_cores=NC, num_subcores=NS)


def _deg_body(dst_hbm, ones_hbm, zeros_hbm, out0, out1, ones_v, idx_v, deg_sh):
    c = lax.axis_index("c")
    s = lax.axis_index("s")
    wid = s * NC + c

    @pl.when(s == 0)
    def _zero():
        pltpu.sync_copy(zeros_hbm, deg_sh)

    pltpu.sync_copy(ones_hbm, ones_v)
    plsc.subcore_barrier()

    def chunk(ch, carry):
        off = wid * EPW + ch * C
        pltpu.sync_copy(dst_hbm.at[pl.ds(off, C)], idx_v)
        pltpu.sync_copy(ones_v, deg_sh.at[idx_v], add=True)
        return carry

    lax.fori_loop(0, NCH, chunk, 0)
    plsc.subcore_barrier()

    @pl.when(jnp.logical_and(s == 0, c == 0))
    def _wb0():
        pltpu.sync_copy(deg_sh, out0)

    @pl.when(jnp.logical_and(s == 0, c == 1))
    def _wb1():
        pltpu.sync_copy(deg_sh, out1)


@functools.cache
def _deg_call():
    return pl.kernel(
        _deg_body,
        out_type=(jax.ShapeDtypeStruct((N,), jnp.float32),
                  jax.ShapeDtypeStruct((N,), jnp.float32)),
        mesh=_mesh(),
        scratch_types=[
            pltpu.VMEM((C,), jnp.float32),
            pltpu.VMEM((C,), jnp.int32),
            pltpu.VMEM_SHARED((N,), jnp.float32),
        ],
    )


def _conv_body(g_hbm, src_hbm, dst_hbm, zeros_hbm, out_hbm,
               sidx, didx, rows, acc_sh, sem_g, sem_d, sem_s):
    c = lax.axis_index("c")
    s = lax.axis_index("s")
    wid = s * NC + c

    pltpu.sync_copy(zeros_hbm.at[pl.ds(s * RPT, RPT)],
                    acc_sh.at[pl.ds(s * RPT, RPT)])

    @pl.when(s == NS - 1)
    def _zero_tail():
        pltpu.sync_copy(zeros_hbm.at[pl.ds(NS * RPT, RTAIL)],
                        acc_sh.at[pl.ds(NS * RPT, RTAIL)])

    pltpu.sync_copy(src_hbm.at[pl.ds(wid * EPW, EPW)], sidx)
    plsc.subcore_barrier()

    def gather_d(ch, b):
        return pltpu.make_async_copy(
            g_hbm.at[sidx.at[pl.ds(ch * C, C)]], rows.at[b], sem_g.at[b])

    def didx_d(ch, b):
        return pltpu.make_async_copy(
            dst_hbm.at[pl.ds(wid * EPW + ch * C, C)], didx.at[b],
            sem_d.at[b])

    def scatter_start(b):
        pltpu.async_copy(rows.at[b], acc_sh.at[didx.at[b]], sem_s.at[b],
                         add=True)

    def scatter_wait(b):
        pltpu.make_async_copy(rows.at[b], acc_sh.at[didx.at[b]],
                              sem_s.at[b]).wait()

    didx_d(0, 0).start()
    gather_d(0, 0).start()

    def step(ch, b, skip_scatter_wait=False):
        nb = 1 - b
        gather_d(ch, b).wait()
        if not skip_scatter_wait:
            scatter_wait(nb)
        gather_d(ch + 1, nb).start()
        didx_d(ch + 1, nb).start()
        didx_d(ch, b).wait()
        scatter_start(b)

    def pair(k, carry):
        @pl.when(k == 0)
        def _first():
            step(0, 0, skip_scatter_wait=True)

        @pl.when(k > 0)
        def _steady():
            step(2 * k, 0)

        step(2 * k + 1, 1)
        return carry

    assert NCH % 2 == 1
    lax.fori_loop(0, (NCH - 1) // 2, pair, 0)
    gather_d(NCH - 1, 0).wait()
    scatter_wait(1)
    didx_d(NCH - 1, 0).wait()
    scatter_start(0)
    scatter_wait(0)
    plsc.subcore_barrier()
    pltpu.sync_copy(acc_sh.at[pl.ds(s * RPT, RPT)],
                    out_hbm.at[c, pl.ds(s * RPT, RPT)])

    @pl.when(s == NS - 1)
    def _wb_tail():
        pltpu.sync_copy(acc_sh.at[pl.ds(NS * RPT, RTAIL)],
                        out_hbm.at[c, pl.ds(NS * RPT, RTAIL)])


@functools.cache
def _conv_call():
    return pl.kernel(
        _conv_body,
        out_type=jax.ShapeDtypeStruct((NC, N, F), jnp.float32),
        mesh=_mesh(),
        scratch_types=[
            pltpu.VMEM((EPW,), jnp.int32),
            pltpu.VMEM((2, C), jnp.int32),
            pltpu.VMEM((2, C, F), jnp.float32),
            pltpu.VMEM_SHARED((N, F), jnp.float32),
            pltpu.SemaphoreType.DMA((2,)),
            pltpu.SemaphoreType.DMA((2,)),
            pltpu.SemaphoreType.DMA((2,)),
        ],
    )


def _bn_relu(h, gamma, beta):
    mean = jnp.mean(h, axis=0, keepdims=True)
    var = jnp.mean((h - mean) ** 2, axis=0, keepdims=True)
    return jnp.maximum(gamma * (h - mean) / jnp.sqrt(var + EPS) + beta, 0.0)


def _dinv(dp0, dp1):
    return lax.rsqrt(dp0 + dp1 + 1.0)


def _front_body(x, W1a, b1a, g1, be1, W1b, b1b, g2, be2, Wc0, dp0, dp1, g_out):
    h = jnp.dot(x[...], W1a[...], preferred_element_type=jnp.float32) + b1a[...]
    h = _bn_relu(h, g1[...], be1[...])
    h = jnp.dot(h, W1b[...], preferred_element_type=jnp.float32) + b1b[...]
    h = _bn_relu(h, g2[...], be2[...])
    h2 = jnp.dot(h, Wc0[...], preferred_element_type=jnp.float32)
    g_out[...] = h2 * _dinv(dp0[...], dp1[...])


def _mid_body(acc, g, dp0, dp1, bc0, Wc1, g2_out):
    dinv = _dinv(dp0[...], dp1[...])
    a = acc[...]
    h = jnp.maximum(dinv * (a[0] + a[1] + g[...]) + bc0[...], 0.0)
    h2 = jnp.dot(h, Wc1[...], preferred_element_type=jnp.float32)
    g2_out[...] = h2 * dinv


def _final_body(acc, g, dp0, dp1, bc1, batch, W2a, b2a, g3, be3, W2b, b2b,
                out):
    dinv = _dinv(dp0[...], dp1[...])
    a = acc[...]
    h = jnp.maximum(dinv * (a[0] + a[1] + g[...]) + bc1[...], 0.0)
    b = batch[...]

    row_ids = lax.broadcasted_iota(jnp.int32, (G, 1), 0)

    def seg_row(seg, acc_p):
        row = jnp.max(jnp.where(b == seg, h, -jnp.inf), axis=0, keepdims=True)
        return jnp.where(row_ids == seg, jnp.broadcast_to(row, (G, F)), acc_p)

    pooled = lax.fori_loop(0, G, seg_row, jnp.full((G, F), -jnp.inf,
                                                   jnp.float32))
    p = jnp.dot(pooled, W2a[...], preferred_element_type=jnp.float32) + b2a[...]
    p = _bn_relu(p, g3[...], be3[...])
    out[...] = jnp.dot(p, W2b[...], preferred_element_type=jnp.float32) + b2b[...]


def _tc_call(body, out_shape):
    return pl.pallas_call(body, out_shape=out_shape)


_front_call = _tc_call(_front_body, jax.ShapeDtypeStruct((N, F), jnp.float32))
_mid_call = _tc_call(_mid_body, jax.ShapeDtypeStruct((N, F), jnp.float32))
_final_call = _tc_call(_final_body, jax.ShapeDtypeStruct((G, 1), jnp.float32))


def kernel(x, edge_index, edge_attr, batch, W1a, b1a, g1, be1, W1b, b1b, g2,
           be2, Wc0, bc0, Wc1, bc1, W2a, b2a, g3, be3, W2b, b2b):
    del edge_attr
    src = edge_index[0]
    dst = edge_index[1]
    ones_c = jnp.ones((C,), jnp.float32)
    zeros_n = jnp.zeros((N,), jnp.float32)
    zeros_nf = jnp.zeros((N, F), jnp.float32)

    dp0, dp1 = _deg_call()(dst, ones_c, zeros_n)
    dp0 = dp0.reshape(N, 1)
    dp1 = dp1.reshape(N, 1)

    r = lambda v: v.reshape(1, -1)
    g1v = _front_call(x, W1a, r(b1a), r(g1), r(be1), W1b, r(b1b), r(g2),
                      r(be2), Wc0, dp0, dp1)
    acc1 = _conv_call()(g1v, src, dst, zeros_nf)
    g2v = _mid_call(acc1, g1v, dp0, dp1, r(bc0), Wc1)
    acc2 = _conv_call()(g2v, src, dst, zeros_nf)
    out = _final_call(acc2, g2v, dp0, dp1, r(bc1), batch.reshape(N, 1),
                      W2a, r(b2a), r(g3), r(be3), W2b, r(b2b))
    return out.reshape(G)

# --- scband reference (transcript-rebuilt; emitter-appended) ---
"""Pipeline reference for scband-gcn-33775622816037 (READ-ONLY COPY).

The authoritative reference and input builder live on the scoring server;
editing this copy changes nothing except your own understanding.
"""

import jax, jax.numpy as jnp
import numpy as np

N = 10000
E = 320000
F_IN = 128
W_DIM = 128
G = 16
EPS = 1e-5


def batchnorm(h, gamma, beta):
    mean = h.mean(axis=0)
    var = h.var(axis=0)
    return gamma * (h - mean) / jnp.sqrt(var + EPS) + beta


def gcn_conv(x, edge_index, W, b):
    # PyG GCNConv: add self loops, symmetric deg^-1/2 normalization, then linear
    n = x.shape[0]
    loop = jnp.arange(n, dtype=edge_index.dtype)
    src = jnp.concatenate([edge_index[0], loop])
    dst = jnp.concatenate([edge_index[1], loop])
    deg = jnp.zeros((n,), dtype=x.dtype).at[dst].add(1.0)
    dinv = jnp.where(deg > 0, 1.0 / jnp.sqrt(deg), 0.0)
    norm = dinv[src] * dinv[dst]
    h = x @ W
    msg = h[src] * norm[:, None]
    out = jnp.zeros_like(h).at[dst].add(msg)
    return out + b


def setup_inputs(seed: int = 0):
    key = jax.random.key(seed)
    ks = jax.random.split(key, 26)
    inp = {}
    inp['x'] = jax.random.normal(ks[0], (N, F_IN), dtype=jnp.float32)
    inp['edge_index'] = jax.random.randint(ks[1], (2, E), 0, N, dtype=jnp.int32)
    inp['edge_attr'] = jax.random.normal(ks[2], (E, 4), dtype=jnp.float32)
    inp['batch'] = jnp.sort(jax.random.randint(ks[3], (N,), 0, G, dtype=jnp.int32))
    s = 0.05
    inp['W1a'] = jax.random.normal(ks[4], (F_IN, W_DIM), dtype=jnp.float32) * s
    inp['b1a'] = jnp.zeros((W_DIM,), dtype=jnp.float32)
    inp['g1'] = jnp.ones((W_DIM,), dtype=jnp.float32)
    inp['be1'] = jnp.zeros((W_DIM,), dtype=jnp.float32)
    inp['W1b'] = jax.random.normal(ks[5], (W_DIM, W_DIM), dtype=jnp.float32) * s
    inp['b1b'] = jnp.zeros((W_DIM,), dtype=jnp.float32)
    inp['g2'] = jnp.ones((W_DIM,), dtype=jnp.float32)
    inp['be2'] = jnp.zeros((W_DIM,), dtype=jnp.float32)
    inp['Wc0'] = jax.random.normal(ks[6], (W_DIM, W_DIM), dtype=jnp.float32) * s
    inp['bc0'] = jnp.zeros((W_DIM,), dtype=jnp.float32)
    inp['Wc1'] = jax.random.normal(ks[7], (W_DIM, W_DIM), dtype=jnp.float32) * s
    inp['bc1'] = jnp.zeros((W_DIM,), dtype=jnp.float32)
    inp['W2a'] = jax.random.normal(ks[8], (W_DIM, W_DIM // 2), dtype=jnp.float32) * s
    inp['b2a'] = jnp.zeros((W_DIM // 2,), dtype=jnp.float32)
    inp['g3'] = jnp.ones((W_DIM // 2,), dtype=jnp.float32)
    inp['be3'] = jnp.zeros((W_DIM // 2,), dtype=jnp.float32)
    inp['W2b'] = jax.random.normal(ks[9], (W_DIM // 2, 1), dtype=jnp.float32) * s
    inp['b2b'] = jnp.zeros((1,), dtype=jnp.float32)
    return inp


def reference(x, edge_index, edge_attr, batch, W1a, b1a, g1, be1, W1b, b1b, g2, be2, Wc0, bc0, Wc1, bc1, W2a, b2a, g3, be3, W2b, b2b):
    ea = edge_attr.astype(jnp.float32)  # cast per original forward; unused downstream
    h = jnp.maximum(batchnorm(x @ W1a + b1a, g1, be1), 0.0)
    h = jnp.maximum(batchnorm(h @ W1b + b1b, g2, be2), 0.0)
    h = jnp.maximum(gcn_conv(h, edge_index, Wc0, bc0), 0.0)
    h = jnp.maximum(gcn_conv(h, edge_index, Wc1, bc1), 0.0)
    h = jnp.maximum(h, 0.0)
    pooled = jax.ops.segment_max(h, batch, num_segments=G)
    out = jnp.maximum(batchnorm(pooled @ W2a + b2a, g3, be3), 0.0)
    out = out @ W2b + b2b
    return out[:, 0]

if __name__ == "__main__":
    import jax
    _d = setup_inputs()
    print(jax.jit(kernel)(*tuple(_d.values())))

</pallas_src>

<mosaic_0001>
#map = affine_map<(d0, d1) -> (0, 0)>
#map1 = affine_map<(d0, d1) -> (0)>
#map2 = affine_map<(d0, d1) -> (0, 0, 0)>
module attributes {stable_mosaic.version = 14 : i64} {
  func.func @_conv_body(%arg0: i32, %arg1: i32, %arg2: memref<10000x128xf32, #tpu.memory_space<hbm>>, %arg3: memref<320000xi32, #tpu.memory_space<hbm>>, %arg4: memref<320000xi32, #tpu.memory_space<hbm>>, %arg5: memref<10000x128xf32, #tpu.memory_space<hbm>>, %arg6: memref<2x10000x128xf32, #tpu.memory_space<hbm>>, %arg7: memref<10000xi32, #tpu.memory_space<vmem>>, %arg8: memref<2x80xi32, #tpu.memory_space<vmem>>, %arg9: memref<2x80x128xf32, #tpu.memory_space<vmem>>, %arg10: memref<10000x128xf32, #tpu.memory_space<vmem_shared>>, %arg11: memref<2x!tpu.dma_semaphore, #tpu.memory_space<semaphore_mem>>, %arg12: memref<2x!tpu.dma_semaphore, #tpu.memory_space<semaphore_mem>>, %arg13: memref<2x!tpu.dma_semaphore, #tpu.memory_space<semaphore_mem>>) attributes {dimension_semantics = [#tpu.dimension_semantics<core_parallel>, #tpu.dimension_semantics<subcore_parallel>], iteration_bounds = array<i64: 2, 16>, scalar_prefetch = 0 : i64, scratch_operands = 7 : i64, tpu.core_type = #tpu.core_type<sc_vector_subcore>, window_params = [{transform_indices = #map}, {transform_indices = #map1}, {transform_indices = #map1}, {transform_indices = #map}, {transform_indices = #map2}]} {
    %mul3A = arith.constant 2 : i32
    %mul3A_0 = arith.muli %arg1, %mul3A : i32
    %add3A = arith.addi %mul3A_0, %arg0 : i32
    %mul3A_1 = arith.constant 624 : i32
    %mul3A_2 = arith.muli %arg1, %mul3A_1 : i32
    %mul3A_3 = arith.constant 624 : i32
    %mul3A_4 = arith.muli %arg1, %mul3A_3 : i32
    "tpu.region"() ({
      %run_scoped3A = tpu.sem_alloc : memref<!tpu.dma_semaphore, #tpu.memory_space<semaphore_mem>>
      %dma_start3A_125 = arith.constant 0 : i32
      %dma_start3A_126 = tpu.memref_slice %arg10[%mul3A_4, %dma_start3A_125] : memref<10000x128xf32, #tpu.memory_space<vmem_shared>> -> memref<624x128xf32, #tpu.memory_space<vmem_shared>>
      %dma_start3A_127 = arith.constant 0 : i32
      %dma_start3A_128 = tpu.memref_slice %arg5[%mul3A_2, %dma_start3A_127] : memref<10000x128xf32, #tpu.memory_space<hbm>> -> memref<624x128xf32, #tpu.memory_space<hbm>>
      tpu.enqueue_dma source(%dma_start3A_128 : memref<624x128xf32, #tpu.memory_space<hbm>>) target(%dma_start3A_126 : memref<624x128xf32, #tpu.memory_space<vmem_shared>>) target_semaphore(%run_scoped3A : memref<!tpu.dma_semaphore, #tpu.memory_space<semaphore_mem>>)
      %dma_wait3A_129 = arith.constant 0 : i32
      %dma_wait3A_130 = tpu.memref_slice %arg10[%mul3A_4, %dma_wait3A_129] : memref<10000x128xf32, #tpu.memory_space<vmem_shared>> -> memref<624x128xf32, #tpu.memory_space<vmem_shared>>
      %dma_wait3A_131 = arith.constant 0 : i32
      %dma_wait3A_132 = tpu.memref_slice %arg5[%mul3A_2, %dma_wait3A_131] : memref<10000x128xf32, #tpu.memory_space<hbm>> -> memref<624x128xf32, #tpu.memory_space<hbm>>
      tpu.wait_dma2 semaphore(%run_scoped3A : memref<!tpu.dma_semaphore, #tpu.memory_space<semaphore_mem>>) src(%dma_wait3A_132 : memref<624x128xf32, #tpu.memory_space<hbm>>) dst(%dma_wait3A_130 : memref<624x128xf32, #tpu.memory_space<vmem_shared>>)
      tpu.yield
    }) : () -> ()
    %eq3A = arith.constant 15 : i32
    %eq3A_5 = arith.cmpi eq, %arg1, %eq3A : i32
    %convert_element_type3A = arith.extui %eq3A_5 : i1 to i32
    %cond3A = arith.constant 0 : i32
    %cond3A_6 = arith.cmpi ne, %convert_element_type3A, %cond3A : i32
    scf.if %cond3A_6 {
      "tpu.region"() ({
        %run_scoped3A = tpu.sem_alloc : memref<!tpu.dma_semaphore, #tpu.memory_space<semaphore_mem>>
        %dma_start3A_125 = arith.constant 9984 : i32
        %dma_start3A_126 = arith.constant 0 : i32
        %dma_start3A_127 = tpu.memref_slice %arg10[%dma_start3A_125, %dma_start3A_126] : memref<10000x128xf32, #tpu.memory_space<vmem_shared>> -> memref<16x128xf32, #tpu.memory_space<vmem_shared>>
        %dma_start3A_128 = arith.constant 9984 : i32
        %dma_start3A_129 = arith.constant 0 : i32
        %dma_start3A_130 = tpu.memref_slice %arg5[%dma_start3A_128, %dma_start3A_129] : memref<10000x128xf32, #tpu.memory_space<hbm>> -> memref<16x128xf32, #tpu.memory_space<hbm>>
        tpu.enqueue_dma source(%dma_start3A_130 : memref<16x128xf32, #tpu.memory_space<hbm>>) target(%dma_start3A_127 : memref<16x128xf32, #tpu.memory_space<vmem_shared>>) target_semaphore(%run_scoped3A : memref<!tpu.dma_semaphore, #tpu.memory_space<semaphore_mem>>)
        %dma_wait3A_131 = arith.constant 9984 : i32
        %dma_wait3A_132 = arith.constant 0 : i32
        %dma_wait3A_133 = tpu.memref_slice %arg10[%dma_wait3A_131, %dma_wait3A_132] : memref<10000x128xf32, #tpu.memory_space<vmem_shared>> -> memref<16x128xf32, #tpu.memory_space<vmem_shared>>
        %dma_wait3A_134 = arith.constant 9984 : i32
        %dma_wait3A_135 = arith.constant 0 : i32
        %dma_wait3A_136 = tpu.memref_slice %arg5[%dma_wait3A_134, %dma_wait3A_135] : memref<10000x128xf32, #tpu.memory_space<hbm>> -> memref<16x128xf32, #tpu.memory_space<hbm>>
        tpu.wait_dma2 semaphore(%run_scoped3A : memref<!tpu.dma_semaphore, #tpu.memory_space<semaphore_mem>>) src(%dma_wait3A_136 : memref<16x128xf32, #tpu.memory_space<hbm>>) dst(%dma_wait3A_133 : memref<16x128xf32, #tpu.memory_space<vmem_shared>>)
        tpu.yield
      }) : () -> ()
    } else {
    }
    %mul3A_7 = arith.constant 10000 : i32
    %mul3A_8 = arith.muli %add3A, %mul3A_7 : i32
    "tpu.region"() ({
      %run_scoped3A = tpu.sem_alloc : memref<!tpu.dma_semaphore, #tpu.memory_space<semaphore_mem>>
      %dma_start3A_125 = tpu.memref_slice %arg3[%mul3A_8] : memref<320000xi32, #tpu.memory_space<hbm>> -> memref<10000xi32, #tpu.memory_space<hbm>>
      %dma_start3A_126 = tpu.memref_slice %arg3[%mul3A_8] : memref<320000xi32, #tpu.memory_space<hbm>> -> memref<10000xi32, #tpu.memory_space<hbm>>
      tpu.enqueue_dma source(%dma_start3A_126 : memref<10000xi32, #tpu.memory_space<hbm>>) target(%arg7 : memref<10000xi32, #tpu.memory_space<vmem>>) target_semaphore(%run_scoped3A : memref<!tpu.dma_semaphore, #tpu.memory_space<semaphore_mem>>)
      %dma_wait3A_127 = tpu.memref_slice %arg3[%mul3A_8] : memref<320000xi32, #tpu.memory_space<hbm>> -> memref<10000xi32, #tpu.memory_space<hbm>>
      %dma_wait3A_128 = tpu.memref_slice %arg3[%mul3A_8] : memref<320000xi32, #tpu.memory_space<hbm>> -> memref<10000xi32, #tpu.memory_space<hbm>>
      tpu.wait_dma2 semaphore(%run_scoped3A : memref<!tpu.dma_semaphore, #tpu.memory_space<semaphore_mem>>) src(%dma_wait3A_128 : memref<10000xi32, #tpu.memory_space<hbm>>) dst(%arg7 : memref<10000xi32, #tpu.memory_space<vmem>>)
      tpu.yield
    }) : () -> ()
    %barrier3A = arith.constant 0 : index
    tpu.barrier barrier_id(%barrier3A)
    %mul3A_9 = arith.constant 10000 : i32
    %mul3A_10 = arith.muli %add3A, %mul3A_9 : i32
    %add3A_11 = arith.constant 0 : i32
    %add3A_12 = arith.addi %mul3A_10, %add3A_11 : i32
    %dma_start3A = arith.constant 0 : i32
    %dma_start3A_13 = arith.constant 0 : i32
    %dma_start3A_14 = arith.constant 0 : i32
    %dma_start3A_15 = tpu.memref_slice %arg8[%dma_start3A, %dma_start3A_14] : memref<2x80xi32, #tpu.memory_space<vmem>> -> memref<1x80xi32, #tpu.memory_space<vmem>>
    %dma_start3A_16 = tpu.memref_squeeze %dma_start3A_15 : memref<1x80xi32, #tpu.memory_space<vmem>> -> memref<80xi32, #tpu.memory_space<vmem>>
    %dma_start3A_17 = tpu.memref_slice %arg4[%add3A_12] : memref<320000xi32, #tpu.memory_space<hbm>> -> memref<80xi32, #tpu.memory_space<hbm>>
    %dma_start3A_18 = tpu.memref_slice %arg12[%dma_start3A_13] : memref<2x!tpu.dma_semaphore, #tpu.memory_space<semaphore_mem>> -> memref<1x!tpu.dma_semaphore, #tpu.memory_space<semaphore_mem>>
    %dma_start3A_19 = tpu.memref_squeeze %dma_start3A_18 : memref<1x!tpu.dma_semaphore, #tpu.memory_space<semaphore_mem>> -> memref<!tpu.dma_semaphore, #tpu.memory_space<semaphore_mem>>
    %dma_start3A_20 = arith.constant 0 : i32
    %dma_start3A_21 = tpu.memref_slice %arg8[%dma_start3A, %dma_start3A_20] : memref<2x80xi32, #tpu.memory_space<vmem>> -> memref<1x80xi32, #tpu.memory_space<vmem>>
    %dma_start3A_22 = tpu.memref_squeeze %dma_start3A_21 : memref<1x80xi32, #tpu.memory_space<vmem>> -> memref<80xi32, #tpu.memory_space<vmem>>
    %dma_start3A_23 = tpu.memref_slice %arg4[%add3A_12] : memref<320000xi32, #tpu.memory_space<hbm>> -> memref<80xi32, #tpu.memory_space<hbm>>
    tpu.enqueue_dma source(%dma_start3A_23 : memref<80xi32, #tpu.memory_space<hbm>>) target(%dma_start3A_22 : memref<80xi32, #tpu.memory_space<vmem>>) target_semaphore(%dma_start3A_19 : memref<!tpu.dma_semaphore, #tpu.memory_space<semaphore_mem>>)
    %dma_start3A_24 = arith.constant 0 : i32
    %dma_start3A_25 = arith.constant 0 : i32
    %dma_start3A_26 = arith.constant 0 : i32
    %dma_start3A_27 = arith.constant 0 : i32
    %dma_start3A_28 = tpu.memref_slice %arg9[%dma_start3A_24, %dma_start3A_26, %dma_start3A_27] : memref<2x80x128xf32, #tpu.memory_space<vmem>> -> memref<1x80x128xf32, #tpu.memory_space<vmem>>
    %dma_start3A_29 = tpu.memref_squeeze %dma_start3A_28 : memref<1x80x128xf32, #tpu.memory_space<vmem>> -> memref<80x128xf32, #tpu.memory_space<vmem>>
    %dma_start3A_30 = arith.constant 0 : i32
    %dma_start3A_31 = tpu.memref_slice %arg7[%dma_start3A_30] : memref<10000xi32, #tpu.memory_space<vmem>> -> memref<80xi32, #tpu.memory_space<vmem>>
    %dma_start3A_32 = arith.constant 0 : i32
    %dma_start3A_33 = arith.constant 0 : i32
    %dma_start3A_34 = tpu.memref_slice %arg2[%dma_start3A_32, %dma_start3A_33] : memref<10000x128xf32, #tpu.memory_space<hbm>> -> memref<10000x128xf32, #tpu.memory_space<hbm>>
    %dma_start3A_35 = tpu.memref_slice %arg11[%dma_start3A_25] : memref<2x!tpu.dma_semaphore, #tpu.memory_space<semaphore_mem>> -> memref<1x!tpu.dma_semaphore, #tpu.memory_space<semaphore_mem>>
    %dma_start3A_36 = tpu.memref_squeeze %dma_start3A_35 : memref<1x!tpu.dma_semaphore, #tpu.memory_space<semaphore_mem>> -> memref<!tpu.dma_semaphore, #tpu.memory_space<semaphore_mem>>
    tpu.enqueue_indirect_dma source(%dma_start3A_34 : memref<10000x128xf32, #tpu.memory_space<hbm>>) target(%dma_start3A_29 : memref<80x128xf32, #tpu.memory_space<vmem>>) offsets(%dma_start3A_31 : memref<80xi32, #tpu.memory_space<vmem>>) semaphore(%dma_start3A_36 : memref<!tpu.dma_semaphore, #tpu.memory_space<semaphore_mem>>)
    %scan3A = arith.constant 0 : i32
    %scan3A_37 = arith.constant 0 : i32
    %scan3A_38 = arith.constant 62 : i32
    %scan3A_39 = arith.addi %scan3A_37, %scan3A_38 : i32
    %scan3A_40 = arith.constant 1 : i32
    scf.for %scan3A_125 = %scan3A_37 to %scan3A_39 step %scan3A_40  : i32 {
      %eq3A_126 = arith.constant 0 : i32
      %eq3A_127 = arith.cmpi eq, %scan3A_125, %eq3A_126 : i32
      %convert_element_type3A_128 = arith.extui %eq3A_127 : i1 to i32
      %cond3A_129 = arith.constant 0 : i32
      %cond3A_130 = arith.cmpi ne, %convert_element_type3A_128, %cond3A_129 : i32
      scf.if %cond3A_130 {
        %dma_wait3A_235 = arith.constant 0 : i32
        %dma_wait3A_236 = arith.constant 0 : i32
        %dma_wait3A_237 = arith.constant 0 : i32
        %dma_wait3A_238 = arith.constant 0 : i32
        %dma_wait3A_239 = tpu.memref_slice %arg9[%dma_wait3A_235, %dma_wait3A_237, %dma_wait3A_238] : memref<2x80x128xf32, #tpu.memory_space<vmem>> -> memref<1x80x128xf32, #tpu.memory_space<vmem>>
        %dma_wait3A_240 = tpu.memref_squeeze %dma_wait3A_239 : memref<1x80x128xf32, #tpu.memory_space<vmem>> -> memref<80x128xf32, #tpu.memory_space<vmem>>
        %dma_wait3A_241 = arith.constant 0 : i32
        %dma_wait3A_242 = tpu.memref_slice %arg7[%dma_wait3A_241] : memref<10000xi32, #tpu.memory_space<vmem>> -> memref<80xi32, #tpu.memory_space<vmem>>
        %dma_wait3A_243 = arith.constant 0 : i32
        %dma_wait3A_244 = arith.constant 0 : i32
        %dma_wait3A_245 = tpu.memref_slice %arg2[%dma_wait3A_243, %dma_wait3A_244] : memref<10000x128xf32, #tpu.memory_space<hbm>> -> memref<10000x128xf32, #tpu.memory_space<hbm>>
        %dma_wait3A_246 = tpu.memref_slice %arg11[%dma_wait3A_236] : memref<2x!tpu.dma_semaphore, #tpu.memory_space<semaphore_mem>> -> memref<1x!tpu.dma_semaphore, #tpu.memory_space<semaphore_mem>>
        %dma_wait3A_247 = tpu.memref_squeeze %dma_wait3A_246 : memref<1x!tpu.dma_semaphore, #tpu.memory_space<semaphore_mem>> -> memref<!tpu.dma_semaphore, #tpu.memory_space<semaphore_mem>>
        tpu.wait_indirect_dma semaphore(%dma_wait3A_247 : memref<!tpu.dma_semaphore, #tpu.memory_space<semaphore_mem>>) src(%dma_wait3A_245 : memref<10000x128xf32, #tpu.memory_space<hbm>>) dst(%dma_wait3A_240 : memref<80x128xf32, #tpu.memory_space<vmem>>)
        %dma_start3A_248 = arith.constant 1 : i32
        %dma_start3A_249 = arith.constant 1 : i32
        %dma_start3A_250 = arith.constant 0 : i32
        %dma_start3A_251 = arith.constant 0 : i32
        %dma_start3A_252 = tpu.memref_slice %arg9[%dma_start3A_248, %dma_start3A_250, %dma_start3A_251] : memref<2x80x128xf32, #tpu.memory_space<vmem>> -> memref<1x80x128xf32, #tpu.memory_space<vmem>>
        %dma_start3A_253 = tpu.memref_squeeze %dma_start3A_252 : memref<1x80x128xf32, #tpu.memory_space<vmem>> -> memref<80x128xf32, #tpu.memory_space<vmem>>
        %dma_start3A_254 = arith.constant 80 : i32
        %dma_start3A_255 = tpu.memref_slice %arg7[%dma_start3A_254] : memref<10000xi32, #tpu.memory_space<vmem>> -> memref<80xi32, #tpu.memory_space<vmem>>
        %dma_start3A_256 = arith.constant 0 : i32
        %dma_start3A_257 = arith.constant 0 : i32
        %dma_start3A_258 = tpu.memref_slice %arg2[%dma_start3A_256, %dma_start3A_257] : memref<10000x128xf32, #tpu.memory_space<hbm>> -> memref<10000x128xf32, #tpu.memory_space<hbm>>
        %dma_start3A_259 = tpu.memref_slice %arg11[%dma_start3A_249] : memref<2x!tpu.dma_semaphore, #tpu.memory_space<semaphore_mem>> -> memref<1x!tpu.dma_semaphore, #tpu.memory_space<semaphore_mem>>
        %dma_start3A_260 = tpu.memref_squeeze %dma_start3A_259 : memref<1x!tpu.dma_semaphore, #tpu.memory_space<semaphore_mem>> -> memref<!tpu.dma_semaphore, #tpu.memory_space<semaphore_mem>>
        tpu.enqueue_indirect_dma source(%dma_start3A_258 : memref<10000x128xf32, #tpu.memory_space<hbm>>) target(%dma_start3A_253 : memref<80x128xf32, #tpu.memory_space<vmem>>) offsets(%dma_start3A_255 : memref<80xi32, #tpu.memory_space<vmem>>) semaphore(%dma_start3A_260 : memref<!tpu.dma_semaphore, #tpu.memory_space<semaphore_mem>>)
        %mul3A_261 = arith.constant 10000 : i32
        %mul3A_262 = arith.muli %add3A, %mul3A_261 : i32
        %add3A_263 = arith.constant 80 : i32
        %add3A_264 = arith.addi %mul3A_262, %add3A_263 : i32
        %dma_start3A_265 = arith.constant 1 : i32
        %dma_start3A_266 = arith.constant 1 : i32
        %dma_start3A_267 = arith.constant 0 : i32
        %dma_start3A_268 = tpu.memref_slice %arg8[%dma_start3A_265, %dma_start3A_267] : memref<2x80xi32, #tpu.memory_space<vmem>> -> memref<1x80xi32, #tpu.memory_space<vmem>>
        %dma_start3A_269 = tpu.memref_squeeze %dma_start3A_268 : memref<1x80xi32, #tpu.memory_space<vmem>> -> memref<80xi32, #tpu.memory_space<vmem>>
        %dma_start3A_270 = tpu.memref_slice %arg4[%add3A_264] : memref<320000xi32, #tpu.memory_space<hbm>> -> memref<80xi32, #tpu.memory_space<hbm>>
        %dma_start3A_271 = tpu.memref_slice %arg12[%dma_start3A_266] : memref<2x!tpu.dma_semaphore, #tpu.memory_space<semaphore_mem>> -> memref<1x!tpu.dma_semaphore, #tpu.memory_space<semaphore_mem>>
        %dma_start3A_272 = tpu.memref_squeeze %dma_start3A_271 : memref<1x!tpu.dma_semaphore, #tpu.memory_space<semaphore_mem>> -> memref<!tpu.dma_semaphore, #tpu.memory_space<semaphore_mem>>
        %dma_start3A_273 = arith.constant 0 : i32
        %dma_start3A_274 = tpu.memref_slice %arg8[%dma_start3A_265, %dma_start3A_273] : memref<2x80xi32, #tpu.memory_space<vmem>> -> memref<1x80xi32, #tpu.memory_space<vmem>>
        %dma_start3A_275 = tpu.memref_squeeze %dma_start3A_274 : memref<1x80xi32, #tpu.memory_space<vmem>> -> memref<80xi32, #tpu.memory_space<vmem>>
        %dma_start3A_276 = tpu.memref_slice %arg4[%add3A_264] : memref<320000xi32, #tpu.memory_space<hbm>> -> memref<80xi32, #tpu.memory_space<hbm>>
        tpu.enqueue_dma source(%dma_start3A_276 : memref<80xi32, #tpu.memory_space<hbm>>) target(%dma_start3A_275 : memref<80xi32, #tpu.memory_space<vmem>>) target_semaphore(%dma_start3A_272 : memref<!tpu.dma_semaphore, #tpu.memory_space<semaphore_mem>>)
        %mul3A_277 = arith.constant 10000 : i32
        %mul3A_278 = arith.muli %add3A, %mul3A_277 : i32
        %add3A_279 = arith.constant 0 : i32
        %add3A_280 = arith.addi %mul3A_278, %add3A_279 : i32
        %dma_wait3A_281 = arith.constant 0 : i32
        %dma_wait3A_282 = arith.constant 0 : i32
        %dma_wait3A_283 = arith.constant 0 : i32
        %dma_wait3A_284 = tpu.memref_slice %arg8[%dma_wait3A_281, %dma_wait3A_283] : memref<2x80xi32, #tpu.memory_space<vmem>> -> memref<1x80xi32, #tpu.memory_space<vmem>>
        %dma_wait3A_285 = tpu.memref_squeeze %dma_wait3A_284 : memref<1x80xi32, #tpu.memory_space<vmem>> -> memref<80xi32, #tpu.memory_space<vmem>>
        %dma_wait3A_286 = tpu.memref_slice %arg4[%add3A_280] : memref<320000xi32, #tpu.memory_space<hbm>> -> memref<80xi32, #tpu.memory_space<hbm>>
        %dma_wait3A_287 = tpu.memref_slice %arg12[%dma_wait3A_282] : memref<2x!tpu.dma_semaphore, #tpu.memory_space<semaphore_mem>> -> memref<1x!tpu.dma_semaphore, #tpu.memory_space<semaphore_mem>>
        %dma_wait3A_288 = tpu.memref_squeeze %dma_wait3A_287 : memref<1x!tpu.dma_semaphore, #tpu.memory_space<semaphore_mem>> -> memref<!tpu.dma_semaphore, #tpu.memory_space<semaphore_mem>>
        %dma_wait3A_289 = arith.constant 0 : i32
        %dma_wait3A_290 = tpu.memref_slice %arg8[%dma_wait3A_281, %dma_wait3A_289] : memref<2x80xi32, #tpu.memory_space<vmem>> -> memref<1x80xi32, #tpu.memory_space<vmem>>
        %dma_wait3A_291 = tpu.memref_squeeze %dma_wait3A_290 : memref<1x80xi32, #tpu.memory_space<vmem>> -> memref<80xi32, #tpu.memory_space<vmem>>
        %dma_wait3A_292 = tpu.memref_slice %arg4[%add3A_280] : memref<320000xi32, #tpu.memory_space<hbm>> -> memref<80xi32, #tpu.memory_space<hbm>>
        tpu.wait_dma2 semaphore(%dma_wait3A_288 : memref<!tpu.dma_semaphore, #tpu.memory_space<semaphore_mem>>) src(%dma_wait3A_292 : memref<80xi32, #tpu.memory_space<hbm>>) dst(%dma_wait3A_291 : memref<80xi32, #tpu.memory_space<vmem>>)
        %dma_start3A_293 = arith.constant 0 : i32
        %dma_start3A_294 = arith.constant 0 : i32
        %dma_start3A_295 = arith.constant 0 : i32
        %dma_start3A_296 = arith.constant 0 : i32
        %dma_start3A_297 = arith.constant 0 : i32
        %dma_start3A_298 = tpu.memref_slice %arg9[%dma_start3A_293, %dma_start3A_296, %dma_start3A_297] : memref<2x80x128xf32, #tpu.memory_space<vmem>> -> memref<1x80x128xf32, #tpu.memory_space<vmem>>
        %dma_start3A_299 = tpu.memref_squeeze %dma_start3A_298 : memref<1x80x128xf32, #tpu.memory_space<vmem>> -> memref<80x128xf32, #tpu.memory_space<vmem>>
        %dma_start3A_300 = arith.constant 0 : i32
        %dma_start3A_301 = tpu.memref_slice %arg8[%dma_start3A_294, %dma_start3A_300] : memref<2x80xi32, #tpu.memory_space<vmem>> -> memref<1x80xi32, #tpu.memory_space<vmem>>
        %dma_start3A_302 = tpu.memref_squeeze %dma_start3A_301 : memref<1x80xi32, #tpu.memory_space<vmem>> -> memref<80xi32, #tpu.memory_space<vmem>>
        %dma_start3A_303 = arith.constant 0 : i32
        %dma_start3A_304 = arith.constant 0 : i32
        %dma_start3A_305 = tpu.memref_slice %arg10[%dma_start3A_303, %dma_start3A_304] : memref<10000x128xf32, #tpu.memory_space<vmem_shared>> -> memref<10000x128xf32, #tpu.memory_space<vmem_shared>>
        %dma_start3A_306 = tpu.memref_slice %arg13[%dma_start3A_295] : memref<2x!tpu.dma_semaphore, #tpu.memory_space<semaphore_mem>> -> memref<1x!tpu.dma_semaphore, #tpu.memory_space<semaphore_mem>>
        %dma_start3A_307 = tpu.memref_squeeze %dma_start3A_306 : memref<1x!tpu.dma_semaphore, #tpu.memory_space<semaphore_mem>> -> memref<!tpu.dma_semaphore, #tpu.memory_space<semaphore_mem>>
        tpu.enqueue_indirect_dma source(%dma_start3A_299 : memref<80x128xf32, #tpu.memory_space<vmem>>) target(%dma_start3A_305 : memref<10000x128xf32, #tpu.memory_space<vmem_shared>>) offsets(%dma_start3A_302 : memref<80xi32, #tpu.memory_space<vmem>>) semaphore(%dma_start3A_307 : memref<!tpu.dma_semaphore, #tpu.memory_space<semaphore_mem>>) {add = true}
      } else {
      }
      %gt3A = arith.constant 0 : i32
      %gt3A_131 = arith.cmpi sgt, %scan3A_125, %gt3A : i32
      %convert_element_type3A_132 = arith.extui %gt3A_131 : i1 to i32
      %cond3A_133 = arith.constant 0 : i32
      %cond3A_134 = arith.cmpi ne, %convert_element_type3A_132, %cond3A_133 : i32
      scf.if %cond3A_134 {
        %mul3A_235 = arith.constant 2 : i32
        %mul3A_236 = arith.muli %mul3A_235, %scan3A_125 : i32
        %mul3A_237 = arith.constant 80 : i32
        %mul3A_238 = arith.muli %mul3A_236, %mul3A_237 : i32
        %dma_wait3A_239 = arith.constant 0 : i32
        %dma_wait3A_240 = arith.constant 0 : i32
        %dma_wait3A_241 = arith.constant 0 : i32
        %dma_wait3A_242 = arith.constant 0 : i32
        %dma_wait3A_243 = tpu.memref_slice %arg9[%dma_wait3A_239, %dma_wait3A_241, %dma_wait3A_242] : memref<2x80x128xf32, #tpu.memory_space<vmem>> -> memref<1x80x128xf32, #tpu.memory_space<vmem>>
        %dma_wait3A_244 = tpu.memref_squeeze %dma_wait3A_243 : memref<1x80x128xf32, #tpu.memory_space<vmem>> -> memref<80x128xf32, #tpu.memory_space<vmem>>
        %dma_wait3A_245 = tpu.memref_slice %arg7[%mul3A_238] : memref<10000xi32, #tpu.memory_space<vmem>> -> memref<80xi32, #tpu.memory_space<vmem>>
        %dma_wait3A_246 = arith.constant 0 : i32
        %dma_wait3A_247 = arith.constant 0 : i32
        %dma_wait3A_248 = tpu.memref_slice %arg2[%dma_wait3A_246, %dma_wait3A_247] : memref<10000x128xf32, #tpu.memory_space<hbm>> -> memref<10000x128xf32, #tpu.memory_space<hbm>>
        %dma_wait3A_249 = tpu.memref_slice %arg11[%dma_wait3A_240] : memref<2x!tpu.dma_semaphore, #tpu.memory_space<semaphore_mem>> -> memref<1x!tpu.dma_semaphore, #tpu.memory_space<semaphore_mem>>
        %dma_wait3A_250 = tpu.memref_squeeze %dma_wait3A_249 : memref<1x!tpu.dma_semaphore, #tpu.memory_space<semaphore_mem>> -> memref<!tpu.dma_semaphore, #tpu.memory_space<semaphore_mem>>
        tpu.wait_indirect_dma semaphore(%dma_wait3A_250 : memref<!tpu.dma_semaphore, #tpu.memory_space<semaphore_mem>>) src(%dma_wait3A_248 : memref<10000x128xf32, #tpu.memory_space<hbm>>) dst(%dma_wait3A_244 : memref<80x128xf32, #tpu.memory_space<vmem>>)
        %dma_wait3A_251 = arith.constant 1 : i32
        %dma_wait3A_252 = arith.constant 1 : i32
        %dma_wait3A_253 = arith.constant 1 : i32
        %dma_wait3A_254 = arith.constant 0 : i32
        %dma_wait3A_255 = arith.constant 0 : i32
        %dma_wait3A_256 = tpu.memref_slice %arg9[%dma_wait3A_251, %dma_wait3A_254, %dma_wait3A_255] : memref<2x80x128xf32, #tpu.memory_space<vmem>> -> memref<1x80x128xf32, #tpu.memory_space<vmem>>
        %dma_wait3A_257 = tpu.memref_squeeze %dma_wait3A_256 : memref<1x80x128xf32, #tpu.memory_space<vmem>> -> memref<80x128xf32, #tpu.memory_space<vmem>>
        %dma_wait3A_258 = arith.constant 0 : i32
        %dma_wait3A_259 = tpu.memref_slice %arg8[%dma_wait3A_252, %dma_wait3A_258] : memref<2x80xi32, #tpu.memory_space<vmem>> -> memref<1x80xi32, #tpu.memory_space<vmem>>
        %dma_wait3A_260 = tpu.memref_squeeze %dma_wait3A_259 : memref<1x80xi32, #tpu.memory_space<vmem>> -> memref<80xi32, #tpu.memory_space<vmem>>
        %dma_wait3A_261 = arith.constant 0 : i32
        %dma_wait3A_262 = arith.constant 0 : i32
        %dma_wait3A_263 = tpu.memref_slice %arg10[%dma_wait3A_261, %dma_wait3A_262] : memref<10000x128xf32, #tpu.memory_space<vmem_shared>> -> memref<10000x128xf32, #tpu.memory_space<vmem_shared>>
        %dma_wait3A_264 = tpu.memref_slice %arg13[%dma_wait3A_253] : memref<2x!tpu.dma_semaphore, #tpu.memory_space<semaphore_mem>> -> memref<1x!tpu.dma_semaphore, #tpu.memory_space<semaphore_mem>>
        %dma_wait3A_265 = tpu.memref_squeeze %dma_wait3A_264 : memref<1x!tpu.dma_semaphore, #tpu.memory_space<semaphore_mem>> -> memref<!tpu.dma_semaphore, #tpu.memory_space<semaphore_mem>>
        tpu.wait_indirect_dma semaphore(%dma_wait3A_265 : memref<!tpu.dma_semaphore, #tpu.memory_space<semaphore_mem>>) src(%dma_wait3A_257 : memref<80x128xf32, #tpu.memory_space<vmem>>) dst(%dma_wait3A_263 : memref<10000x128xf32, #tpu.memory_space<vmem_shared>>)
        %add3A_266 = arith.constant 1 : i32
        %add3A_267 = arith.addi %mul3A_236, %add3A_266 : i32
        %mul3A_268 = arith.constant 80 : i32
        %mul3A_269 = arith.muli %add3A_267, %mul3A_268 : i32
        %dma_start3A_270 = arith.constant 1 : i32
        %dma_start3A_271 = arith.constant 1 : i32
        %dma_start3A_272 = arith.constant 0 : i32
        %dma_start3A_273 = arith.constant 0 : i32
        %dma_start3A_274 = tpu.memref_slice %arg9[%dma_start3A_270, %dma_start3A_272, %dma_start3A_273] : memref<2x80x128xf32, #tpu.memory_space<vmem>> -> memref<1x80x128xf32, #tpu.memory_space<vmem>>
        %dma_start3A_275 = tpu.memref_squeeze %dma_start3A_274 : memref<1x80x128xf32, #tpu.memory_space<vmem>> -> memref<80x128xf32, #tpu.memory_space<vmem>>
        %dma_start3A_276 = tpu.memref_slice %arg7[%mul3A_269] : memref<10000xi32, #tpu.memory_space<vmem>> -> memref<80xi32, #tpu.memory_space<vmem>>
        %dma_start3A_277 = arith.constant 0 : i32
        %dma_start3A_278 = arith.constant 0 : i32
        %dma_start3A_279 = tpu.memref_slice %arg2[%dma_start3A_277, %dma_start3A_278] : memref<10000x128xf32, #tpu.memory_space<hbm>> -> memref<10000x128xf32, #tpu.memory_space<hbm>>
        %dma_start3A_280 = tpu.memref_slice %arg11[%dma_start3A_271] : memref<2x!tpu.dma_semaphore, #tpu.memory_space<semaphore_mem>> -> memref<1x!tpu.dma_semaphore, #tpu.memory_space<semaphore_mem>>
        %dma_start3A_281 = tpu.memref_squeeze %dma_start3A_280 : memref<1x!tpu.dma_semaphore, #tpu.memory_space<semaphore_mem>> -> memref<!tpu.dma_semaphore, #tpu.memory_space<semaphore_mem>>
        tpu.enqueue_indirect_dma source(%dma_start3A_279 : memref<10000x128xf32, #tpu.memory_space<hbm>>) target(%dma_start3A_275 : memref<80x128xf32, #tpu.memory_space<vmem>>) offsets(%dma_start3A_276 : memref<80xi32, #tpu.memory_space<vmem>>) semaphore(%dma_start3A_281 : memref<!tpu.dma_semaphore, #tpu.memory_space<semaphore_mem>>)
        %add3A_282 = arith.constant 1 : i32
        %add3A_283 = arith.addi %mul3A_236, %add3A_282 : i32
        %mul3A_284 = arith.constant 10000 : i32
        %mul3A_285 = arith.muli %add3A, %mul3A_284 : i32
        %mul3A_286 = arith.constant 80 : i32
        %mul3A_287 = arith.muli %add3A_283, %mul3A_286 : i32
        %add3A_288 = arith.addi %mul3A_285, %mul3A_287 : i32
        %dma_start3A_289 = arith.constant 1 : i32
        %dma_start3A_290 = arith.constant 1 : i32
        %dma_start3A_291 = arith.constant 0 : i32
        %dma_start3A_292 = tpu.memref_slice %arg8[%dma_start3A_289, %dma_start3A_291] : memref<2x80xi32, #tpu.memory_space<vmem>> -> memref<1x80xi32, #tpu.memory_space<vmem>>
        %dma_start3A_293 = tpu.memref_squeeze %dma_start3A_292 : memref<1x80xi32, #tpu.memory_space<vmem>> -> memref<80xi32, #tpu.memory_space<vmem>>
        %dma_start3A_294 = tpu.memref_slice %arg4[%add3A_288] : memref<320000xi32, #tpu.memory_space<hbm>> -> memref<80xi32, #tpu.memory_space<hbm>>
        %dma_start3A_295 = tpu.memref_slice %arg12[%dma_start3A_290] : memref<2x!tpu.dma_semaphore, #tpu.memory_space<semaphore_mem>> -> memref<1x!tpu.dma_semaphore, #tpu.memory_space<semaphore_mem>>
        %dma_start3A_296 = tpu.memref_squeeze %dma_start3A_295 : memref<1x!tpu.dma_semaphore, #tpu.memory_space<semaphore_mem>> -> memref<!tpu.dma_semaphore, #tpu.memory_space<semaphore_mem>>
        %dma_start3A_297 = arith.constant 0 : i32
        %dma_start3A_298 = tpu.memref_slice %arg8[%dma_start3A_289, %dma_start3A_297] : memref<2x80xi32, #tpu.memory_space<vmem>> -> memref<1x80xi32, #tpu.memory_space<vmem>>
        %dma_start3A_299 = tpu.memref_squeeze %dma_start3A_298 : memref<1x80xi32, #tpu.memory_space<vmem>> -> memref<80xi32, #tpu.memory_space<vmem>>
        %dma_start3A_300 = tpu.memref_slice %arg4[%add3A_288] : memref<320000xi32, #tpu.memory_space<hbm>> -> memref<80xi32, #tpu.memory_space<hbm>>
        tpu.enqueue_dma source(%dma_start3A_300 : memref<80xi32, #tpu.memory_space<hbm>>) target(%dma_start3A_299 : memref<80xi32, #tpu.memory_space<vmem>>) target_semaphore(%dma_start3A_296 : memref<!tpu.dma_semaphore, #tpu.memory_space<semaphore_mem>>)
        %mul3A_301 = arith.constant 10000 : i32
        %mul3A_302 = arith.muli %add3A, %mul3A_301 : i32
        %mul3A_303 = arith.constant 80 : i32
        %mul3A_304 = arith.muli %mul3A_236, %mul3A_303 : i32
        %add3A_305 = arith.addi %mul3A_302, %mul3A_304 : i32
        %dma_wait3A_306 = arith.constant 0 : i32
        %dma_wait3A_307 = arith.constant 0 : i32
        %dma_wait3A_308 = arith.constant 0 : i32
        %dma_wait3A_309 = tpu.memref_slice %arg8[%dma_wait3A_306, %dma_wait3A_308] : memref<2x80xi32, #tpu.memory_space<vmem>> -> memref<1x80xi32, #tpu.memory_space<vmem>>
        %dma_wait3A_310 = tpu.memref_squeeze %dma_wait3A_309 : memref<1x80xi32, #tpu.memory_space<vmem>> -> memref<80xi32, #tpu.memory_space<vmem>>
        %dma_wait3A_311 = tpu.memref_slice %arg4[%add3A_305] : memref<320000xi32, #tpu.memory_space<hbm>> -> memref<80xi32, #tpu.memory_space<hbm>>
        %dma_wait3A_312 = tpu.memref_slice %arg12[%dma_wait3A_307] : memref<2x!tpu.dma_semaphore, #tpu.memory_space<semaphore_mem>> -> memref<1x!tpu.dma_semaphore, #tpu.memory_space<semaphore_mem>>
        %dma_wait3A_313 = tpu.memref_squeeze %dma_wait3A_312 : memref<1x!tpu.dma_semaphore, #tpu.memory_space<semaphore_mem>> -> memref<!tpu.dma_semaphore, #tpu.memory_space<semaphore_mem>>
        %dma_wait3A_314 = arith.constant 0 : i32
        %dma_wait3A_315 = tpu.memref_slice %arg8[%dma_wait3A_306, %dma_wait3A_314] : memref<2x80xi32, #tpu.memory_space<vmem>> -> memref<1x80xi32, #tpu.memory_space<vmem>>
        %dma_wait3A_316 = tpu.memref_squeeze %dma_wait3A_315 : memref<1x80xi32, #tpu.memory_space<vmem>> -> memref<80xi32, #tpu.memory_space<vmem>>
        %dma_wait3A_317 = tpu.memref_slice %arg4[%add3A_305] : memref<320000xi32, #tpu.memory_space<hbm>> -> memref<80xi32, #tpu.memory_space<hbm>>
        tpu.wait_dma2 semaphore(%dma_wait3A_313 : memref<!tpu.dma_semaphore, #tpu.memory_space<semaphore_mem>>) src(%dma_wait3A_317 : memref<80xi32, #tpu.memory_space<hbm>>) dst(%dma_wait3A_316 : memref<80xi32, #tpu.memory_space<vmem>>)
        %dma_start3A_318 = arith.constant 0 : i32
        %dma_start3A_319 = arith.constant 0 : i32
        %dma_start3A_320 = arith.constant 0 : i32
        %dma_start3A_321 = arith.constant 0 : i32
        %dma_start3A_322 = arith.constant 0 : i32
        %dma_start3A_323 = tpu.memref_slice %arg9[%dma_start3A_318, %dma_start3A_321, %dma_start3A_322] : memref<2x80x128xf32, #tpu.memory_space<vmem>> -> memref<1x80x128xf32, #tpu.memory_space<vmem>>
        %dma_start3A_324 = tpu.memref_squeeze %dma_start3A_323 : memref<1x80x128xf32, #tpu.memory_space<vmem>> -> memref<80x128xf32, #tpu.memory_space<vmem>>
        %dma_start3A_325 = arith.constant 0 : i32
        %dma_start3A_326 = tpu.memref_slice %arg8[%dma_start3A_319, %dma_start3A_325] : memref<2x80xi32, #tpu.memory_space<vmem>> -> memref<1x80xi32, #tpu.memory_space<vmem>>
        %dma_start3A_327 = tpu.memref_squeeze %dma_start3A_326 : memref<1x80xi32, #tpu.memory_space<vmem>> -> memref<80xi32, #tpu.memory_space<vmem>>
        %dma_start3A_328 = arith.constant 0 : i32
        %dma_start3A_329 = arith.constant 0 : i32
        %dma_start3A_330 = tpu.memref_slice %arg10[%dma_start3A_328, %dma_start3A_329] : memref<10000x128xf32, #tpu.memory_space<vmem_shared>> -> memref<10000x128xf32, #tpu.memory_space<vmem_shared>>
        %dma_start3A_331 = tpu.memref_slice %arg13[%dma_start3A_320] : memref<2x!tpu.dma_semaphore, #tpu.memory_space<semaphore_mem>> -> memref<1x!tpu.dma_semaphore, #tpu.memory_space<semaphore_mem>>
        %dma_start3A_332 = tpu.memref_squeeze %dma_start3A_331 : memref<1x!tpu.dma_semaphore, #tpu.memory_space<semaphore_mem>> -> memref<!tpu.dma_semaphore, #tpu.memory_space<semaphore_mem>>
        tpu.enqueue_indirect_dma source(%dma_start3A_324 : memref<80x128xf32, #tpu.memory_space<vmem>>) target(%dma_start3A_330 : memref<10000x128xf32, #tpu.memory_space<vmem_shared>>) offsets(%dma_start3A_327 : memref<80xi32, #tpu.memory_space<vmem>>) semaphore(%dma_start3A_332 : memref<!tpu.dma_semaphore, #tpu.memory_space<semaphore_mem>>) {add = true}
      } else {
      }
      %mul3A_135 = arith.constant 2 : i32
      %mul3A_136 = arith.muli %mul3A_135, %scan3A_125 : i32
      %add3A_137 = arith.constant 1 : i32
      %add3A_138 = arith.addi %mul3A_136, %add3A_137 : i32
      %mul3A_139 = arith.constant 80 : i32
      %mul3A_140 = arith.muli %add3A_138, %mul3A_139 : i32
      %dma_wait3A_141 = arith.constant 1 : i32
      %dma_wait3A_142 = arith.constant 1 : i32
      %dma_wait3A_143 = arith.constant 0 : i32
      %dma_wait3A_144 = arith.constant 0 : i32
      %dma_wait3A_145 = tpu.memref_slice %arg9[%dma_wait3A_141, %dma_wait3A_143, %dma_wait3A_144] : memref<2x80x128xf32, #tpu.memory_space<vmem>> -> memref<1x80x128xf32, #tpu.memory_space<vmem>>
      %dma_wait3A_146 = tpu.memref_squeeze %dma_wait3A_145 : memref<1x80x128xf32, #tpu.memory_space<vmem>> -> memref<80x128xf32, #tpu.memory_space<vmem>>
      %dma_wait3A_147 = tpu.memref_slice %arg7[%mul3A_140] : memref<10000xi32, #tpu.memory_space<vmem>> -> memref<80xi32, #tpu.memory_space<vmem>>
      %dma_wait3A_148 = arith.constant 0 : i32
      %dma_wait3A_149 = arith.constant 0 : i32
      %dma_wait3A_150 = tpu.memref_slice %arg2[%dma_wait3A_148, %dma_wait3A_149] : memref<10000x128xf32, #tpu.memory_space<hbm>> -> memref<10000x128xf32, #tpu.memory_space<hbm>>
      %dma_wait3A_151 = tpu.memref_slice %arg11[%dma_wait3A_142] : memref<2x!tpu.dma_semaphore, #tpu.memory_space<semaphore_mem>> -> memref<1x!tpu.dma_semaphore, #tpu.memory_space<semaphore_mem>>
      %dma_wait3A_152 = tpu.memref_squeeze %dma_wait3A_151 : memref<1x!tpu.dma_semaphore, #tpu.memory_space<semaphore_mem>> -> memref<!tpu.dma_semaphore, #tpu.memory_space<semaphore_mem>>
      tpu.wait_indirect_dma semaphore(%dma_wait3A_152 : memref<!tpu.dma_semaphore, #tpu.memory_space<semaphore_mem>>) src(%dma_wait3A_150 : memref<10000x128xf32, #tpu.memory_space<hbm>>) dst(%dma_wait3A_146 : memref<80x128xf32, #tpu.memory_space<vmem>>)
      %dma_wait3A_153 = arith.constant 0 : i32
      %dma_wait3A_154 = arith.constant 0 : i32
      %dma_wait3A_155 = arith.constant 0 : i32
      %dma_wait3A_156 = arith.constant 0 : i32
      %dma_wait3A_157 = arith.constant 0 : i32
      %dma_wait3A_158 = tpu.memref_slice %arg9[%dma_wait3A_153, %dma_wait3A_156, %dma_wait3A_157] : memref<2x80x128xf32, #tpu.memory_space<vmem>> -> memref<1x80x128xf32, #tpu.memory_space<vmem>>
      %dma_wait3A_159 = tpu.memref_squeeze %dma_wait3A_158 : memref<1x80x128xf32, #tpu.memory_space<vmem>> -> memref<80x128xf32, #tpu.memory_space<vmem>>
      %dma_wait3A_160 = arith.constant 0 : i32
      %dma_wait3A_161 = tpu.memref_slice %arg8[%dma_wait3A_154, %dma_wait3A_160] : memref<2x80xi32, #tpu.memory_space<vmem>> -> memref<1x80xi32, #tpu.memory_space<vmem>>
      %dma_wait3A_162 = tpu.memref_squeeze %dma_wait3A_161 : memref<1x80xi32, #tpu.memory_space<vmem>> -> memref<80xi32, #tpu.memory_space<vmem>>
      %dma_wait3A_163 = arith.constant 0 : i32
      %dma_wait3A_164 = arith.constant 0 : i32
      %dma_wait3A_165 = tpu.memref_slice %arg10[%dma_wait3A_163, %dma_wait3A_164] : memref<10000x128xf32, #tpu.memory_space<vmem_shared>> -> memref<10000x128xf32, #tpu.memory_space<vmem_shared>>
      %dma_wait3A_166 = tpu.memref_slice %arg13[%dma_wait3A_155] : memref<2x!tpu.dma_semaphore, #tpu.memory_space<semaphore_mem>> -> memref<1x!tpu.dma_semaphore, #tpu.memory_space<semaphore_mem>>
      %dma_wait3A_167 = tpu.memref_squeeze %dma_wait3A_166 : memref<1x!tpu.dma_semaphore, #tpu.memory_space<semaphore_mem>> -> memref<!tpu.dma_semaphore, #tpu.memory_space<semaphore_mem>>
      tpu.wait_indirect_dma semaphore(%dma_wait3A_167 : memref<!tpu.dma_semaphore, #tpu.memory_space<semaphore_mem>>) src(%dma_wait3A_159 : memref<80x128xf32, #tpu.memory_space<vmem>>) dst(%dma_wait3A_165 : memref<10000x128xf32, #tpu.memory_space<vmem_shared>>)
      %add3A_168 = arith.constant 1 : i32
      %add3A_169 = arith.addi %add3A_138, %add3A_168 : i32
      %mul3A_170 = arith.constant 80 : i32
      %mul3A_171 = arith.muli %add3A_169, %mul3A_170 : i32
      %dma_start3A_172 = arith.constant 0 : i32
      %dma_start3A_173 = arith.constant 0 : i32
      %dma_start3A_174 = arith.constant 0 : i32
      %dma_start3A_175 = arith.constant 0 : i32
      %dma_start3A_176 = tpu.memref_slice %arg9[%dma_start3A_172, %dma_start3A_174, %dma_start3A_175] : memref<2x80x128xf32, #tpu.memory_space<vmem>> -> memref<1x80x128xf32, #tpu.memory_space<vmem>>
      %dma_start3A_177 = tpu.memref_squeeze %dma_start3A_176 : memref<1x80x128xf32, #tpu.memory_space<vmem>> -> memref<80x128xf32, #tpu.memory_space<vmem>>
      %dma_start3A_178 = tpu.memref_slice %arg7[%mul3A_171] : memref<10000xi32, #tpu.memory_space<vmem>> -> memref<80xi32, #tpu.memory_space<vmem>>
      %dma_start3A_179 = arith.constant 0 : i32
      %dma_start3A_180 = arith.constant 0 : i32
      %dma_start3A_181 = tpu.memref_slice %arg2[%dma_start3A_179, %dma_start3A_180] : memref<10000x128xf32, #tpu.memory_space<hbm>> -> memref<10000x128xf32, #tpu.memory_space<hbm>>
      %dma_start3A_182 = tpu.memref_slice %arg11[%dma_start3A_173] : memref<2x!tpu.dma_semaphore, #tpu.memory_space<semaphore_mem>> -> memref<1x!tpu.dma_semaphore, #tpu.memory_space<semaphore_mem>>
      %dma_start3A_183 = tpu.memref_squeeze %dma_start3A_182 : memref<1x!tpu.dma_semaphore, #tpu.memory_space<semaphore_mem>> -> memref<!tpu.dma_semaphore, #tpu.memory_space<semaphore_mem>>
      tpu.enqueue_indirect_dma source(%dma_start3A_181 : memref<10000x128xf32, #tpu.memory_space<hbm>>) target(%dma_start3A_177 : memref<80x128xf32, #tpu.memory_space<vmem>>) offsets(%dma_start3A_178 : memref<80xi32, #tpu.memory_space<vmem>>) semaphore(%dma_start3A_183 : memref<!tpu.dma_semaphore, #tpu.memory_space<semaphore_mem>>)
      %add3A_184 = arith.constant 1 : i32
      %add3A_185 = arith.addi %add3A_138, %add3A_184 : i32
      %mul3A_186 = arith.constant 10000 : i32
      %mul3A_187 = arith.muli %add3A, %mul3A_186 : i32
      %mul3A_188 = arith.constant 80 : i32
      %mul3A_189 = arith.muli %add3A_185, %mul3A_188 : i32
      %add3A_190 = arith.addi %mul3A_187, %mul3A_189 : i32
      %dma_start3A_191 = arith.constant 0 : i32
      %dma_start3A_192 = arith.constant 0 : i32
      %dma_start3A_193 = arith.constant 0 : i32
      %dma_start3A_194 = tpu.memref_slice %arg8[%dma_start3A_191, %dma_start3A_193] : memref<2x80xi32, #tpu.memory_space<vmem>> -> memref<1x80xi32, #tpu.memory_space<vmem>>
      %dma_start3A_195 = tpu.memref_squeeze %dma_start3A_194 : memref<1x80xi32, #tpu.memory_space<vmem>> -> memref<80xi32, #tpu.memory_space<vmem>>
      %dma_start3A_196 = tpu.memref_slice %arg4[%add3A_190] : memref<320000xi32, #tpu.memory_space<hbm>> -> memref<80xi32, #tpu.memory_space<hbm>>
      %dma_start3A_197 = tpu.memref_slice %arg12[%dma_start3A_192] : memref<2x!tpu.dma_semaphore, #tpu.memory_space<semaphore_mem>> -> memref<1x!tpu.dma_semaphore, #tpu.memory_space<semaphore_mem>>
      %dma_start3A_198 = tpu.memref_squeeze %dma_start3A_197 : memref<1x!tpu.dma_semaphore, #tpu.memory_space<semaphore_mem>> -> memref<!tpu.dma_semaphore, #tpu.memory_space<semaphore_mem>>
      %dma_start3A_199 = arith.constant 0 : i32
      %dma_start3A_200 = tpu.memref_slice %arg8[%dma_start3A_191, %dma_start3A_199] : memref<2x80xi32, #tpu.memory_space<vmem>> -> memref<1x80xi32, #tpu.memory_space<vmem>>
      %dma_start3A_201 = tpu.memref_squeeze %dma_start3A_200 : memref<1x80xi32, #tpu.memory_space<vmem>> -> memref<80xi32, #tpu.memory_space<vmem>>
      %dma_start3A_202 = tpu.memref_slice %arg4[%add3A_190] : memref<320000xi32, #tpu.memory_space<hbm>> -> memref<80xi32, #tpu.memory_space<hbm>>
      tpu.enqueue_dma source(%dma_start3A_202 : memref<80xi32, #tpu.memory_space<hbm>>) target(%dma_start3A_201 : memref<80xi32, #tpu.memory_space<vmem>>) target_semaphore(%dma_start3A_198 : memref<!tpu.dma_semaphore, #tpu.memory_space<semaphore_mem>>)
      %mul3A_203 = arith.constant 10000 : i32
      %mul3A_204 = arith.muli %add3A, %mul3A_203 : i32
      %mul3A_205 = arith.constant 80 : i32
      %mul3A_206 = arith.muli %add3A_138, %mul3A_205 : i32
      %add3A_207 = arith.addi %mul3A_204, %mul3A_206 : i32
      %dma_wait3A_208 = arith.constant 1 : i32
      %dma_wait3A_209 = arith.constant 1 : i32
      %dma_wait3A_210 = arith.constant 0 : i32
      %dma_wait3A_211 = tpu.memref_slice %arg8[%dma_wait3A_208, %dma_wait3A_210] : memref<2x80xi32, #tpu.memory_space<vmem>> -> memref<1x80xi32, #tpu.memory_space<vmem>>
      %dma_wait3A_212 = tpu.memref_squeeze %dma_wait3A_211 : memref<1x80xi32, #tpu.memory_space<vmem>> -> memref<80xi32, #tpu.memory_space<vmem>>
      %dma_wait3A_213 = tpu.memref_slice %arg4[%add3A_207] : memref<320000xi32, #tpu.memory_space<hbm>> -> memref<80xi32, #tpu.memory_space<hbm>>
      %dma_wait3A_214 = tpu.memref_slice %arg12[%dma_wait3A_209] : memref<2x!tpu.dma_semaphore, #tpu.memory_space<semaphore_mem>> -> memref<1x!tpu.dma_semaphore, #tpu.memory_space<semaphore_mem>>
      %dma_wait3A_215 = tpu.memref_squeeze %dma_wait3A_214 : memref<1x!tpu.dma_semaphore, #tpu.memory_space<semaphore_mem>> -> memref<!tpu.dma_semaphore, #tpu.memory_space<semaphore_mem>>
      %dma_wait3A_216 = arith.constant 0 : i32
      %dma_wait3A_217 = tpu.memref_slice %arg8[%dma_wait3A_208, %dma_wait3A_216] : memref<2x80xi32, #tpu.memory_space<vmem>> -> memref<1x80xi32, #tpu.memory_space<vmem>>
      %dma_wait3A_218 = tpu.memref_squeeze %dma_wait3A_217 : memref<1x80xi32, #tpu.memory_space<vmem>> -> memref<80xi32, #tpu.memory_space<vmem>>
      %dma_wait3A_219 = tpu.memref_slice %arg4[%add3A_207] : memref<320000xi32, #tpu.memory_space<hbm>> -> memref<80xi32, #tpu.memory_space<hbm>>
      tpu.wait_dma2 semaphore(%dma_wait3A_215 : memref<!tpu.dma_semaphore, #tpu.memory_space<semaphore_mem>>) src(%dma_wait3A_219 : memref<80xi32, #tpu.memory_space<hbm>>) dst(%dma_wait3A_218 : memref<80xi32, #tpu.memory_space<vmem>>)
      %dma_start3A_220 = arith.constant 1 : i32
      %dma_start3A_221 = arith.constant 1 : i32
      %dma_start3A_222 = arith.constant 1 : i32
      %dma_start3A_223 = arith.constant 0 : i32
      %dma_start3A_224 = arith.constant 0 : i32
      %dma_start3A_225 = tpu.memref_slice %arg9[%dma_start3A_220, %dma_start3A_223, %dma_start3A_224] : memref<2x80x128xf32, #tpu.memory_space<vmem>> -> memref<1x80x128xf32, #tpu.memory_space<vmem>>
      %dma_start3A_226 = tpu.memref_squeeze %dma_start3A_225 : memref<1x80x128xf32, #tpu.memory_space<vmem>> -> memref<80x128xf32, #tpu.memory_space<vmem>>
      %dma_start3A_227 = arith.constant 0 : i32
      %dma_start3A_228 = tpu.memref_slice %arg8[%dma_start3A_221, %dma_start3A_227] : memref<2x80xi32, #tpu.memory_space<vmem>> -> memref<1x80xi32, #tpu.memory_space<vmem>>
      %dma_start3A_229 = tpu.memref_squeeze %dma_start3A_228 : memref<1x80xi32, #tpu.memory_space<vmem>> -> memref<80xi32, #tpu.memory_space<vmem>>
      %dma_start3A_230 = arith.constant 0 : i32
      %dma_start3A_231 = arith.constant 0 : i32
      %dma_start3A_232 = tpu.memref_slice %arg10[%dma_start3A_230, %dma_start3A_231] : memref<10000x128xf32, #tpu.memory_space<vmem_shared>> -> memref<10000x128xf32, #tpu.memory_space<vmem_shared>>
      %dma_start3A_233 = tpu.memref_slice %arg13[%dma_start3A_222] : memref<2x!tpu.dma_semaphore, #tpu.memory_space<semaphore_mem>> -> memref<1x!tpu.dma_semaphore, #tpu.memory_space<semaphore_mem>>
      %dma_start3A_234 = tpu.memref_squeeze %dma_start3A_233 : memref<1x!tpu.dma_semaphore, #tpu.memory_space<semaphore_mem>> -> memref<!tpu.dma_semaphore, #tpu.memory_space<semaphore_mem>>
      tpu.enqueue_indirect_dma source(%dma_start3A_226 : memref<80x128xf32, #tpu.memory_space<vmem>>) target(%dma_start3A_232 : memref<10000x128xf32, #tpu.memory_space<vmem_shared>>) offsets(%dma_start3A_229 : memref<80xi32, #tpu.memory_space<vmem>>) semaphore(%dma_start3A_234 : memref<!tpu.dma_semaphore, #tpu.memory_space<semaphore_mem>>) {add = true}
    }
    %scan3A_41 = arith.constant 62 : i32
    %dma_wait3A = arith.constant 0 : i32
    %dma_wait3A_42 = arith.constant 0 : i32
    %dma_wait3A_43 = arith.constant 0 : i32
    %dma_wait3A_44 = arith.constant 0 : i32
    %dma_wait3A_45 = tpu.memref_slice %arg9[%dma_wait3A, %dma_wait3A_43, %dma_wait3A_44] : memref<2x80x128xf32, #tpu.memory_space<vmem>> -> memref<1x80x128xf32, #tpu.memory_space<vmem>>
    %dma_wait3A_46 = tpu.memref_squeeze %dma_wait3A_45 : memref<1x80x128xf32, #tpu.memory_space<vmem>> -> memref<80x128xf32, #tpu.memory_space<vmem>>
    %dma_wait3A_47 = arith.constant 9920 : i32
    %dma_wait3A_48 = tpu.memref_slice %arg7[%dma_wait3A_47] : memref<10000xi32, #tpu.memory_space<vmem>> -> memref<80xi32, #tpu.memory_space<vmem>>
    %dma_wait3A_49 = arith.constant 0 : i32
    %dma_wait3A_50 = arith.constant 0 : i32
    %dma_wait3A_51 = tpu.memref_slice %arg2[%dma_wait3A_49, %dma_wait3A_50] : memref<10000x128xf32, #tpu.memory_space<hbm>> -> memref<10000x128xf32, #tpu.memory_space<hbm>>
    %dma_wait3A_52 = tpu.memref_slice %arg11[%dma_wait3A_42] : memref<2x!tpu.dma_semaphore, #tpu.memory_space<semaphore_mem>> -> memref<1x!tpu.dma_semaphore, #tpu.memory_space<semaphore_mem>>
    %dma_wait3A_53 = tpu.memref_squeeze %dma_wait3A_52 : memref<1x!tpu.dma_semaphore, #tpu.memory_space<semaphore_mem>> -> memref<!tpu.dma_semaphore, #tpu.memory_space<semaphore_mem>>
    tpu.wait_indirect_dma semaphore(%dma_wait3A_53 : memref<!tpu.dma_semaphore, #tpu.memory_space<semaphore_mem>>) src(%dma_wait3A_51 : memref<10000x128xf32, #tpu.memory_space<hbm>>) dst(%dma_wait3A_46 : memref<80x128xf32, #tpu.memory_space<vmem>>)
    %dma_wait3A_54 = arith.constant 1 : i32
    %dma_wait3A_55 = arith.constant 1 : i32
    %dma_wait3A_56 = arith.constant 1 : i32
    %dma_wait3A_57 = arith.constant 0 : i32
    %dma_wait3A_58 = arith.constant 0 : i32
    %dma_wait3A_59 = tpu.memref_slice %arg9[%dma_wait3A_54, %dma_wait3A_57, %dma_wait3A_58] : memref<2x80x128xf32, #tpu.memory_space<vmem>> -> memref<1x80x128xf32, #tpu.memory_space<vmem>>
    %dma_wait3A_60 = tpu.memref_squeeze %dma_wait3A_59 : memref<1x80x128xf32, #tpu.memory_space<vmem>> -> memref<80x128xf32, #tpu.memory_space<vmem>>
    %dma_wait3A_61 = arith.constant 0 : i32
    %dma_wait3A_62 = tpu.memref_slice %arg8[%dma_wait3A_55, %dma_wait3A_61] : memref<2x80xi32, #tpu.memory_space<vmem>> -> memref<1x80xi32, #tpu.memory_space<vmem>>
    %dma_wait3A_63 = tpu.memref_squeeze %dma_wait3A_62 : memref<1x80xi32, #tpu.memory_space<vmem>> -> memref<80xi32, #tpu.memory_space<vmem>>
    %dma_wait3A_64 = arith.constant 0 : i32
    %dma_wait3A_65 = arith.constant 0 : i32
    %dma_wait3A_66 = tpu.memref_slice %arg10[%dma_wait3A_64, %dma_wait3A_65] : memref<10000x128xf32, #tpu.memory_space<vmem_shared>> -> memref<10000x128xf32, #tpu.memory_space<vmem_shared>>
    %dma_wait3A_67 = tpu.memref_slice %arg13[%dma_wait3A_56] : memref<2x!tpu.dma_semaphore, #tpu.memory_space<semaphore_mem>> -> memref<1x!tpu.dma_semaphore, #tpu.memory_space<semaphore_mem>>
    %dma_wait3A_68 = tpu.memref_squeeze %dma_wait3A_67 : memref<1x!tpu.dma_semaphore, #tpu.memory_space<semaphore_mem>> -> memref<!tpu.dma_semaphore, #tpu.memory_space<semaphore_mem>>
    tpu.wait_indirect_dma semaphore(%dma_wait3A_68 : memref<!tpu.dma_semaphore, #tpu.memory_space<semaphore_mem>>) src(%dma_wait3A_60 : memref<80x128xf32, #tpu.memory_space<vmem>>) dst(%dma_wait3A_66 : memref<10000x128xf32, #tpu.memory_space<vmem_shared>>)
    %mul3A_69 = arith.constant 10000 : i32
    %mul3A_70 = arith.muli %add3A, %mul3A_69 : i32
    %add3A_71 = arith.constant 9920 : i32
    %add3A_72 = arith.addi %mul3A_70, %add3A_71 : i32
    %dma_wait3A_73 = arith.constant 0 : i32
    %dma_wait3A_74 = arith.constant 0 : i32
    %dma_wait3A_75 = arith.constant 0 : i32
    %dma_wait3A_76 = tpu.memref_slice %arg8[%dma_wait3A_73, %dma_wait3A_75] : memref<2x80xi32, #tpu.memory_space<vmem>> -> memref<1x80xi32, #tpu.memory_space<vmem>>
    %dma_wait3A_77 = tpu.memref_squeeze %dma_wait3A_76 : memref<1x80xi32, #tpu.memory_space<vmem>> -> memref<80xi32, #tpu.memory_space<vmem>>
    %dma_wait3A_78 = tpu.memref_slice %arg4[%add3A_72] : memref<320000xi32, #tpu.memory_space<hbm>> -> memref<80xi32, #tpu.memory_space<hbm>>
    %dma_wait3A_79 = tpu.memref_slice %arg12[%dma_wait3A_74] : memref<2x!tpu.dma_semaphore, #tpu.memory_space<semaphore_mem>> -> memref<1x!tpu.dma_semaphore, #tpu.memory_space<semaphore_mem>>
    %dma_wait3A_80 = tpu.memref_squeeze %dma_wait3A_79 : memref<1x!tpu.dma_semaphore, #tpu.memory_space<semaphore_mem>> -> memref<!tpu.dma_semaphore, #tpu.memory_space<semaphore_mem>>
    %dma_wait3A_81 = arith.constant 0 : i32
    %dma_wait3A_82 = tpu.memref_slice %arg8[%dma_wait3A_73, %dma_wait3A_81] : memref<2x80xi32, #tpu.memory_space<vmem>> -> memref<1x80xi32, #tpu.memory_space<vmem>>
    %dma_wait3A_83 = tpu.memref_squeeze %dma_wait3A_82 : memref<1x80xi32, #tpu.memory_space<vmem>> -> memref<80xi32, #tpu.memory_space<vmem>>
    %dma_wait3A_84 = tpu.memref_slice %arg4[%add3A_72] : memref<320000xi32, #tpu.memory_space<hbm>> -> memref<80xi32, #tpu.memory_space<hbm>>
    tpu.wait_dma2 semaphore(%dma_wait3A_80 : memref<!tpu.dma_semaphore, #tpu.memory_space<semaphore_mem>>) src(%dma_wait3A_84 : memref<80xi32, #tpu.memory_space<hbm>>) dst(%dma_wait3A_83 : memref<80xi32, #tpu.memory_space<vmem>>)
    %dma_start3A_85 = arith.constant 0 : i32
    %dma_start3A_86 = arith.constant 0 : i32
    %dma_start3A_87 = arith.constant 0 : i32
    %dma_start3A_88 = arith.constant 0 : i32
    %dma_start3A_89 = arith.constant 0 : i32
    %dma_start3A_90 = tpu.memref_slice %arg9[%dma_start3A_85, %dma_start3A_88, %dma_start3A_89] : memref<2x80x128xf32, #tpu.memory_space<vmem>> -> memref<1x80x128xf32, #tpu.memory_space<vmem>>
    %dma_start3A_91 = tpu.memref_squeeze %dma_start3A_90 : memref<1x80x128xf32, #tpu.memory_space<vmem>> -> memref<80x128xf32, #tpu.memory_space<vmem>>
    %dma_start3A_92 = arith.constant 0 : i32
    %dma_start3A_93 = tpu.memref_slice %arg8[%dma_start3A_86, %dma_start3A_92] : memref<2x80xi32, #tpu.memory_space<vmem>> -> memref<1x80xi32, #tpu.memory_space<vmem>>
    %dma_start3A_94 = tpu.memref_squeeze %dma_start3A_93 : memref<1x80xi32, #tpu.memory_space<vmem>> -> memref<80xi32, #tpu.memory_space<vmem>>
    %dma_start3A_95 = arith.constant 0 : i32
    %dma_start3A_96 = arith.constant 0 : i32
    %dma_start3A_97 = tpu.memref_slice %arg10[%dma_start3A_95, %dma_start3A_96] : memref<10000x128xf32, #tpu.memory_space<vmem_shared>> -> memref<10000x128xf32, #tpu.memory_space<vmem_shared>>
    %dma_start3A_98 = tpu.memref_slice %arg13[%dma_start3A_87] : memref<2x!tpu.dma_semaphore, #tpu.memory_space<semaphore_mem>> -> memref<1x!tpu.dma_semaphore, #tpu.memory_space<semaphore_mem>>
    %dma_start3A_99 = tpu.memref_squeeze %dma_start3A_98 : memref<1x!tpu.dma_semaphore, #tpu.memory_space<semaphore_mem>> -> memref<!tpu.dma_semaphore, #tpu.memory_space<semaphore_mem>>
    tpu.enqueue_indirect_dma source(%dma_start3A_91 : memref<80x128xf32, #tpu.memory_space<vmem>>) target(%dma_start3A_97 : memref<10000x128xf32, #tpu.memory_space<vmem_shared>>) offsets(%dma_start3A_94 : memref<80xi32, #tpu.memory_space<vmem>>) semaphore(%dma_start3A_99 : memref<!tpu.dma_semaphore, #tpu.memory_space<semaphore_mem>>) {add = true}
    %dma_wait3A_100 = arith.constant 0 : i32
    %dma_wait3A_101 = arith.constant 0 : i32
    %dma_wait3A_102 = arith.constant 0 : i32
    %dma_wait3A_103 = arith.constant 0 : i32
    %dma_wait3A_104 = arith.constant 0 : i32
    %dma_wait3A_105 = tpu.memref_slice %arg9[%dma_wait3A_100, %dma_wait3A_103, %dma_wait3A_104] : memref<2x80x128xf32, #tpu.memory_space<vmem>> -> memref<1x80x128xf32, #tpu.memory_space<vmem>>
    %dma_wait3A_106 = tpu.memref_squeeze %dma_wait3A_105 : memref<1x80x128xf32, #tpu.memory_space<vmem>> -> memref<80x128xf32, #tpu.memory_space<vmem>>
    %dma_wait3A_107 = arith.constant 0 : i32
    %dma_wait3A_108 = tpu.memref_slice %arg8[%dma_wait3A_101, %dma_wait3A_107] : memref<2x80xi32, #tpu.memory_space<vmem>> -> memref<1x80xi32, #tpu.memory_space<vmem>>
    %dma_wait3A_109 = tpu.memref_squeeze %dma_wait3A_108 : memref<1x80xi32, #tpu.memory_space<vmem>> -> memref<80xi32, #tpu.memory_space<vmem>>
    %dma_wait3A_110 = arith.constant 0 : i32
    %dma_wait3A_111 = arith.constant 0 : i32
    %dma_wait3A_112 = tpu.memref_slice %arg10[%dma_wait3A_110, %dma_wait3A_111] : memref<10000x128xf32, #tpu.memory_space<vmem_shared>> -> memref<10000x128xf32, #tpu.memory_space<vmem_shared>>
    %dma_wait3A_113 = tpu.memref_slice %arg13[%dma_wait3A_102] : memref<2x!tpu.dma_semaphore, #tpu.memory_space<semaphore_mem>> -> memref<1x!tpu.dma_semaphore, #tpu.memory_space<semaphore_mem>>
    %dma_wait3A_114 = tpu.memref_squeeze %dma_wait3A_113 : memref<1x!tpu.dma_semaphore, #tpu.memory_space<semaphore_mem>> -> memref<!tpu.dma_semaphore, #tpu.memory_space<semaphore_mem>>
    tpu.wait_indirect_dma semaphore(%dma_wait3A_114 : memref<!tpu.dma_semaphore, #tpu.memory_space<semaphore_mem>>) src(%dma_wait3A_106 : memref<80x128xf32, #tpu.memory_space<vmem>>) dst(%dma_wait3A_112 : memref<10000x128xf32, #tpu.memory_space<vmem_shared>>)
    %barrier3A_115 = arith.constant 0 : index
    tpu.barrier barrier_id(%barrier3A_115)
    %mul3A_116 = arith.constant 624 : i32
    %mul3A_117 = arith.muli %arg1, %mul3A_116 : i32
    %mul3A_118 = arith.constant 624 : i32
    %mul3A_119 = arith.muli %arg1, %mul3A_118 : i32
    "tpu.region"() ({
      %run_scoped3A = tpu.sem_alloc : memref<!tpu.dma_semaphore, #tpu.memory_space<semaphore_mem>>
      %dma_start3A_125 = arith.constant 0 : i32
      %dma_start3A_126 = tpu.memref_slice %arg6[%arg0, %mul3A_119, %dma_start3A_125] : memref<2x10000x128xf32, #tpu.memory_space<hbm>> -> memref<1x624x128xf32, #tpu.memory_space<hbm>>
      %dma_start3A_127 = tpu.memref_squeeze %dma_start3A_126 : memref<1x624x128xf32, #tpu.memory_space<hbm>> -> memref<624x128xf32, #tpu.memory_space<hbm>>
      %dma_start3A_128 = arith.constant 0 : i32
      %dma_start3A_129 = tpu.memref_slice %arg10[%mul3A_117, %dma_start3A_128] : memref<10000x128xf32, #tpu.memory_space<vmem_shared>> -> memref<624x128xf32, #tpu.memory_space<vmem_shared>>
      tpu.enqueue_dma source(%dma_start3A_129 : memref<624x128xf32, #tpu.memory_space<vmem_shared>>) target(%dma_start3A_127 : memref<624x128xf32, #tpu.memory_space<hbm>>) target_semaphore(%run_scoped3A : memref<!tpu.dma_semaphore, #tpu.memory_space<semaphore_mem>>)
      %dma_wait3A_130 = arith.constant 0 : i32
      %dma_wait3A_131 = tpu.memref_slice %arg6[%arg0, %mul3A_119, %dma_wait3A_130] : memref<2x10000x128xf32, #tpu.memory_space<hbm>> -> memref<1x624x128xf32, #tpu.memory_space<hbm>>
      %dma_wait3A_132 = tpu.memref_squeeze %dma_wait3A_131 : memref<1x624x128xf32, #tpu.memory_space<hbm>> -> memref<624x128xf32, #tpu.memory_space<hbm>>
      %dma_wait3A_133 = arith.constant 0 : i32
      %dma_wait3A_134 = tpu.memref_slice %arg10[%mul3A_117, %dma_wait3A_133] : memref<10000x128xf32, #tpu.memory_space<vmem_shared>> -> memref<624x128xf32, #tpu.memory_space<vmem_shared>>
      tpu.wait_dma2 semaphore(%run_scoped3A : memref<!tpu.dma_semaphore, #tpu.memory_space<semaphore_mem>>) src(%dma_wait3A_134 : memref<624x128xf32, #tpu.memory_space<vmem_shared>>) dst(%dma_wait3A_132 : memref<624x128xf32, #tpu.memory_space<hbm>>)
      tpu.yield
    }) : () -> ()
    %eq3A_120 = arith.constant 15 : i32
    %eq3A_121 = arith.cmpi eq, %arg1, %eq3A_120 : i32
    %convert_element_type3A_122 = arith.extui %eq3A_121 : i1 to i32
    %cond3A_123 = arith.constant 0 : i32
    %cond3A_124 = arith.cmpi ne, %convert_element_type3A_122, %cond3A_123 : i32
    scf.if %cond3A_124 {
      "tpu.region"() ({
        %run_scoped3A = tpu.sem_alloc : memref<!tpu.dma_semaphore, #tpu.memory_space<semaphore_mem>>
        %dma_start3A_125 = arith.constant 9984 : i32
        %dma_start3A_126 = arith.constant 0 : i32
        %dma_start3A_127 = tpu.memref_slice %arg6[%arg0, %dma_start3A_125, %dma_start3A_126] : memref<2x10000x128xf32, #tpu.memory_space<hbm>> -> memref<1x16x128xf32, #tpu.memory_space<hbm>>
        %dma_start3A_128 = tpu.memref_squeeze %dma_start3A_127 : memref<1x16x128xf32, #tpu.memory_space<hbm>> -> memref<16x128xf32, #tpu.memory_space<hbm>>
        %dma_start3A_129 = arith.constant 9984 : i32
        %dma_start3A_130 = arith.constant 0 : i32
        %dma_start3A_131 = tpu.memref_slice %arg10[%dma_start3A_129, %dma_start3A_130] : memref<10000x128xf32, #tpu.memory_space<vmem_shared>> -> memref<16x128xf32, #tpu.memory_space<vmem_shared>>
        tpu.enqueue_dma source(%dma_start3A_131 : memref<16x128xf32, #tpu.memory_space<vmem_shared>>) target(%dma_start3A_128 : memref<16x128xf32, #tpu.memory_space<hbm>>) target_semaphore(%run_scoped3A : memref<!tpu.dma_semaphore, #tpu.memory_space<semaphore_mem>>)
        %dma_wait3A_132 = arith.constant 9984 : i32
        %dma_wait3A_133 = arith.constant 0 : i32
        %dma_wait3A_134 = tpu.memref_slice %arg6[%arg0, %dma_wait3A_132, %dma_wait3A_133] : memref<2x10000x128xf32, #tpu.memory_space<hbm>> -> memref<1x16x128xf32, #tpu.memory_space<hbm>>
        %dma_wait3A_135 = tpu.memref_squeeze %dma_wait3A_134 : memref<1x16x128xf32, #tpu.memory_space<hbm>> -> memref<16x128xf32, #tpu.memory_space<hbm>>
        %dma_wait3A_136 = arith.constant 9984 : i32
        %dma_wait3A_137 = arith.constant 0 : i32
        %dma_wait3A_138 = tpu.memref_slice %arg10[%dma_wait3A_136, %dma_wait3A_137] : memref<10000x128xf32, #tpu.memory_space<vmem_shared>> -> memref<16x128xf32, #tpu.memory_space<vmem_shared>>
        tpu.wait_dma2 semaphore(%run_scoped3A : memref<!tpu.dma_semaphore, #tpu.memory_space<semaphore_mem>>) src(%dma_wait3A_138 : memref<16x128xf32, #tpu.memory_space<vmem_shared>>) dst(%dma_wait3A_135 : memref<16x128xf32, #tpu.memory_space<hbm>>)
        tpu.yield
      }) : () -> ()
    } else {
    }
    return
  }
}

#map = affine_map<(d0, d1) -> (0)>
module attributes {stable_mosaic.version = 14 : i64} {
  func.func @_deg_body(%arg0: i32, %arg1: i32, %arg2: memref<320000xi32, #tpu.memory_space<hbm>>, %arg3: memref<80xf32, #tpu.memory_space<hbm>>, %arg4: memref<10000xf32, #tpu.memory_space<hbm>>, %arg5: memref<10000xf32, #tpu.memory_space<hbm>>, %arg6: memref<10000xf32, #tpu.memory_space<hbm>>, %arg7: memref<80xf32, #tpu.memory_space<vmem>>, %arg8: memref<80xi32, #tpu.memory_space<vmem>>, %arg9: memref<10000xf32, #tpu.memory_space<vmem_shared>>) attributes {dimension_semantics = [#tpu.dimension_semantics<core_parallel>, #tpu.dimension_semantics<subcore_parallel>], iteration_bounds = array<i64: 2, 16>, scalar_prefetch = 0 : i64, scratch_operands = 3 : i64, tpu.core_type = #tpu.core_type<sc_vector_subcore>, window_params = [{transform_indices = #map}, {transform_indices = #map}, {transform_indices = #map}, {transform_indices = #map}, {transform_indices = #map}]} {
    %mul3A = arith.constant 2 : i32
    %mul3A_0 = arith.muli %arg1, %mul3A : i32
    %add3A = arith.addi %mul3A_0, %arg0 : i32
    %eq3A = arith.constant 0 : i32
    %eq3A_1 = arith.cmpi eq, %arg1, %eq3A : i32
    %convert_element_type3A = arith.extui %eq3A_1 : i1 to i32
    %cond3A = arith.constant 0 : i32
    %cond3A_2 = arith.cmpi ne, %convert_element_type3A, %cond3A : i32
    scf.if %cond3A_2 {
      "tpu.region"() ({
        %run_scoped3A = tpu.sem_alloc : memref<!tpu.dma_semaphore, #tpu.memory_space<semaphore_mem>>
        tpu.enqueue_dma source(%arg4 : memref<10000xf32, #tpu.memory_space<hbm>>) target(%arg9 : memref<10000xf32, #tpu.memory_space<vmem_shared>>) target_semaphore(%run_scoped3A : memref<!tpu.dma_semaphore, #tpu.memory_space<semaphore_mem>>)
        tpu.wait_dma2 semaphore(%run_scoped3A : memref<!tpu.dma_semaphore, #tpu.memory_space<semaphore_mem>>) src(%arg4 : memref<10000xf32, #tpu.memory_space<hbm>>) dst(%arg9 : memref<10000xf32, #tpu.memory_space<vmem_shared>>)
        tpu.yield
      }) : () -> ()
    } else {
    }
    "tpu.region"() ({
      %run_scoped3A = tpu.sem_alloc : memref<!tpu.dma_semaphore, #tpu.memory_space<semaphore_mem>>
      tpu.enqueue_dma source(%arg3 : memref<80xf32, #tpu.memory_space<hbm>>) target(%arg7 : memref<80xf32, #tpu.memory_space<vmem>>) target_semaphore(%run_scoped3A : memref<!tpu.dma_semaphore, #tpu.memory_space<semaphore_mem>>)
      tpu.wait_dma2 semaphore(%run_scoped3A : memref<!tpu.dma_semaphore, #tpu.memory_space<semaphore_mem>>) src(%arg3 : memref<80xf32, #tpu.memory_space<hbm>>) dst(%arg7 : memref<80xf32, #tpu.memory_space<vmem>>)
      tpu.yield
    }) : () -> ()
    %barrier3A = arith.constant 0 : index
    tpu.barrier barrier_id(%barrier3A)
    %scan3A = arith.constant 0 : i32
    %scan3A_3 = arith.constant 0 : i32
    %scan3A_4 = arith.constant 125 : i32
    %scan3A_5 = arith.addi %scan3A_3, %scan3A_4 : i32
    %scan3A_6 = arith.constant 1 : i32
    scf.for %scan3A_24 = %scan3A_3 to %scan3A_5 step %scan3A_6  : i32 {
      %mul3A_25 = arith.constant 10000 : i32
      %mul3A_26 = arith.muli %add3A, %mul3A_25 : i32
      %mul3A_27 = arith.constant 80 : i32
      %mul3A_28 = arith.muli %scan3A_24, %mul3A_27 : i32
      %add3A_29 = arith.addi %mul3A_26, %mul3A_28 : i32
      "tpu.region"() ({
        %run_scoped3A = tpu.sem_alloc : memref<!tpu.dma_semaphore, #tpu.memory_space<semaphore_mem>>
        %dma_start3A = tpu.memref_slice %arg2[%add3A_29] : memref<320000xi32, #tpu.memory_space<hbm>> -> memref<80xi32, #tpu.memory_space<hbm>>
        %dma_start3A_30 = tpu.memref_slice %arg2[%add3A_29] : memref<320000xi32, #tpu.memory_space<hbm>> -> memref<80xi32, #tpu.memory_space<hbm>>
        tpu.enqueue_dma source(%dma_start3A_30 : memref<80xi32, #tpu.memory_space<hbm>>) target(%arg8 : memref<80xi32, #tpu.memory_space<vmem>>) target_semaphore(%run_scoped3A : memref<!tpu.dma_semaphore, #tpu.memory_space<semaphore_mem>>)
        %dma_wait3A = tpu.memref_slice %arg2[%add3A_29] : memref<320000xi32, #tpu.memory_space<hbm>> -> memref<80xi32, #tpu.memory_space<hbm>>
        %dma_wait3A_31 = tpu.memref_slice %arg2[%add3A_29] : memref<320000xi32, #tpu.memory_space<hbm>> -> memref<80xi32, #tpu.memory_space<hbm>>
        tpu.wait_dma2 semaphore(%run_scoped3A : memref<!tpu.dma_semaphore, #tpu.memory_space<semaphore_mem>>) src(%dma_wait3A_31 : memref<80xi32, #tpu.memory_space<hbm>>) dst(%arg8 : memref<80xi32, #tpu.memory_space<vmem>>)
        tpu.yield
      }) : () -> ()
      "tpu.region"() ({
        %run_scoped3A = tpu.sem_alloc : memref<!tpu.dma_semaphore, #tpu.memory_space<semaphore_mem>>
        %dma_start3A = arith.constant 0 : i32
        %dma_start3A_30 = tpu.memref_slice %arg9[%dma_start3A] : memref<10000xf32, #tpu.memory_space<vmem_shared>> -> memref<10000xf32, #tpu.memory_space<vmem_shared>>
        tpu.enqueue_indirect_dma source(%arg7 : memref<80xf32, #tpu.memory_space<vmem>>) target(%dma_start3A_30 : memref<10000xf32, #tpu.memory_space<vmem_shared>>) offsets(%arg8 : memref<80xi32, #tpu.memory_space<vmem>>) semaphore(%run_scoped3A : memref<!tpu.dma_semaphore, #tpu.memory_space<semaphore_mem>>) {add = true}
        %dma_wait3A = arith.constant 0 : i32
        %dma_wait3A_31 = tpu.memref_slice %arg9[%dma_wait3A] : memref<10000xf32, #tpu.memory_space<vmem_shared>> -> memref<10000xf32, #tpu.memory_space<vmem_shared>>
        tpu.wait_indirect_dma semaphore(%run_scoped3A : memref<!tpu.dma_semaphore, #tpu.memory_space<semaphore_mem>>) src(%arg7 : memref<80xf32, #tpu.memory_space<vmem>>) dst(%dma_wait3A_31 : memref<10000xf32, #tpu.memory_space<vmem_shared>>)
        tpu.yield
      }) : () -> ()
    }
    %scan3A_7 = arith.constant 125 : i32
    %barrier3A_8 = arith.constant 0 : index
    tpu.barrier barrier_id(%barrier3A_8)
    %eq3A_9 = arith.constant 0 : i32
    %eq3A_10 = arith.cmpi eq, %arg1, %eq3A_9 : i32
    %eq3A_11 = arith.constant 0 : i32
    %eq3A_12 = arith.cmpi eq, %arg0, %eq3A_11 : i32
    %and3A = arith.andi %eq3A_10, %eq3A_12 : i1
    %convert_element_type3A_13 = arith.extui %and3A : i1 to i32
    %cond3A_14 = arith.constant 0 : i32
    %cond3A_15 = arith.cmpi ne, %convert_element_type3A_13, %cond3A_14 : i32
    scf.if %cond3A_15 {
      "tpu.region"() ({
        %run_scoped3A = tpu.sem_alloc : memref<!tpu.dma_semaphore, #tpu.memory_space<semaphore_mem>>
        tpu.enqueue_dma source(%arg9 : memref<10000xf32, #tpu.memory_space<vmem_shared>>) target(%arg5 : memref<10000xf32, #tpu.memory_space<hbm>>) target_semaphore(%run_scoped3A : memref<!tpu.dma_semaphore, #tpu.memory_space<semaphore_mem>>)
        tpu.wait_dma2 semaphore(%run_scoped3A : memref<!tpu.dma_semaphore, #tpu.memory_space<semaphore_mem>>) src(%arg9 : memref<10000xf32, #tpu.memory_space<vmem_shared>>) dst(%arg5 : memref<10000xf32, #tpu.memory_space<hbm>>)
        tpu.yield
      }) : () -> ()
    } else {
    }
    %eq3A_16 = arith.constant 0 : i32
    %eq3A_17 = arith.cmpi eq, %arg1, %eq3A_16 : i32
    %eq3A_18 = arith.constant 1 : i32
    %eq3A_19 = arith.cmpi eq, %arg0, %eq3A_18 : i32
    %and3A_20 = arith.andi %eq3A_17, %eq3A_19 : i1
    %convert_element_type3A_21 = arith.extui %and3A_20 : i1 to i32
    %cond3A_22 = arith.constant 0 : i32
    %cond3A_23 = arith.cmpi ne, %convert_element_type3A_21, %cond3A_22 : i32
    scf.if %cond3A_23 {
      "tpu.region"() ({
        %run_scoped3A = tpu.sem_alloc : memref<!tpu.dma_semaphore, #tpu.memory_space<semaphore_mem>>
        tpu.enqueue_dma source(%arg9 : memref<10000xf32, #tpu.memory_space<vmem_shared>>) target(%arg6 : memref<10000xf32, #tpu.memory_space<hbm>>) target_semaphore(%run_scoped3A : memref<!tpu.dma_semaphore, #tpu.memory_space<semaphore_mem>>)
        tpu.wait_dma2 semaphore(%run_scoped3A : memref<!tpu.dma_semaphore, #tpu.memory_space<semaphore_mem>>) src(%arg9 : memref<10000xf32, #tpu.memory_space<vmem_shared>>) dst(%arg6 : memref<10000xf32, #tpu.memory_space<hbm>>)
        tpu.yield
      }) : () -> ()
    } else {
    }
    return
  }
}

#map = affine_map<(d0, d1) -> (0, 0)>
#map1 = affine_map<(d0, d1) -> (0)>
#map2 = affine_map<(d0, d1) -> (0, 0, 0)>
module attributes {stable_mosaic.version = 14 : i64} {
  func.func @_conv_body(%arg0: i32, %arg1: i32, %arg2: memref<10000x128xf32, #tpu.memory_space<hbm>>, %arg3: memref<320000xi32, #tpu.memory_space<hbm>>, %arg4: memref<320000xi32, #tpu.memory_space<hbm>>, %arg5: memref<10000x128xf32, #tpu.memory_space<hbm>>, %arg6: memref<2x10000x128xf32, #tpu.memory_space<hbm>>, %arg7: memref<10000xi32, #tpu.memory_space<vmem>>, %arg8: memref<2x80xi32, #tpu.memory_space<vmem>>, %arg9: memref<2x80x128xf32, #tpu.memory_space<vmem>>, %arg10: memref<10000x128xf32, #tpu.memory_space<vmem_shared>>, %arg11: memref<2x!tpu.dma_semaphore, #tpu.memory_space<semaphore_mem>>, %arg12: memref<2x!tpu.dma_semaphore, #tpu.memory_space<semaphore_mem>>, %arg13: memref<2x!tpu.dma_semaphore, #tpu.memory_space<semaphore_mem>>) attributes {dimension_semantics = [#tpu.dimension_semantics<core_parallel>, #tpu.dimension_semantics<subcore_parallel>], iteration_bounds = array<i64: 2, 16>, scalar_prefetch = 0 : i64, scratch_operands = 7 : i64, tpu.core_type = #tpu.core_type<sc_vector_subcore>, window_params = [{transform_indices = #map}, {transform_indices = #map1}, {transform_indices = #map1}, {transform_indices = #map}, {transform_indices = #map2}]} {
    %mul3A = arith.constant 2 : i32
    %mul3A_0 = arith.muli %arg1, %mul3A : i32
    %add3A = arith.addi %mul3A_0, %arg0 : i32
    %mul3A_1 = arith.constant 624 : i32
    %mul3A_2 = arith.muli %arg1, %mul3A_1 : i32
    %mul3A_3 = arith.constant 624 : i32
    %mul3A_4 = arith.muli %arg1, %mul3A_3 : i32
    "tpu.region"() ({
      %run_scoped3A = tpu.sem_alloc : memref<!tpu.dma_semaphore, #tpu.memory_space<semaphore_mem>>
      %dma_start3A_125 = arith.constant 0 : i32
      %dma_start3A_126 = tpu.memref_slice %arg10[%mul3A_4, %dma_start3A_125] : memref<10000x128xf32, #tpu.memory_space<vmem_shared>> -> memref<624x128xf32, #tpu.memory_space<vmem_shared>>
      %dma_start3A_127 = arith.constant 0 : i32
      %dma_start3A_128 = tpu.memref_slice %arg5[%mul3A_2, %dma_start3A_127] : memref<10000x128xf32, #tpu.memory_space<hbm>> -> memref<624x128xf32, #tpu.memory_space<hbm>>
      tpu.enqueue_dma source(%dma_start3A_128 : memref<624x128xf32, #tpu.memory_space<hbm>>) target(%dma_start3A_126 : memref<624x128xf32, #tpu.memory_space<vmem_shared>>) target_semaphore(%run_scoped3A : memref<!tpu.dma_semaphore, #tpu.memory_space<semaphore_mem>>)
      %dma_wait3A_129 = arith.constant 0 : i32
      %dma_wait3A_130 = tpu.memref_slice %arg10[%mul3A_4, %dma_wait3A_129] : memref<10000x128xf32, #tpu.memory_space<vmem_shared>> -> memref<624x128xf32, #tpu.memory_space<vmem_shared>>
      %dma_wait3A_131 = arith.constant 0 : i32
      %dma_wait3A_132 = tpu.memref_slice %arg5[%mul3A_2, %dma_wait3A_131] : memref<10000x128xf32, #tpu.memory_space<hbm>> -> memref<624x128xf32, #tpu.memory_space<hbm>>
      tpu.wait_dma2 semaphore(%run_scoped3A : memref<!tpu.dma_semaphore, #tpu.memory_space<semaphore_mem>>) src(%dma_wait3A_132 : memref<624x128xf32, #tpu.memory_space<hbm>>) dst(%dma_wait3A_130 : memref<624x128xf32, #tpu.memory_space<vmem_shared>>)
      tpu.yield
    }) : () -> ()
    %eq3A = arith.constant 15 : i32
    %eq3A_5 = arith.cmpi eq, %arg1, %eq3A : i32
    %convert_element_type3A = arith.extui %eq3A_5 : i1 to i32
    %cond3A = arith.constant 0 : i32
    %cond3A_6 = arith.cmpi ne, %convert_element_type3A, %cond3A : i32
    scf.if %cond3A_6 {
      "tpu.region"() ({
        %run_scoped3A = tpu.sem_alloc : memref<!tpu.dma_semaphore, #tpu.memory_space<semaphore_mem>>
        %dma_start3A_125 = arith.constant 9984 : i32
        %dma_start3A_126 = arith.constant 0 : i32
        %dma_start3A_127 = tpu.memref_slice %arg10[%dma_start3A_125, %dma_start3A_126] : memref<10000x128xf32, #tpu.memory_space<vmem_shared>> -> memref<16x128xf32, #tpu.memory_space<vmem_shared>>
        %dma_start3A_128 = arith.constant 9984 : i32
        %dma_start3A_129 = arith.constant 0 : i32
        %dma_start3A_130 = tpu.memref_slice %arg5[%dma_start3A_128, %dma_start3A_129] : memref<10000x128xf32, #tpu.memory_space<hbm>> -> memref<16x128xf32, #tpu.memory_space<hbm>>
        tpu.enqueue_dma source(%dma_start3A_130 : memref<16x128xf32, #tpu.memory_space<hbm>>) target(%dma_start3A_127 : memref<16x128xf32, #tpu.memory_space<vmem_shared>>) target_semaphore(%run_scoped3A : memref<!tpu.dma_semaphore, #tpu.memory_space<semaphore_mem>>)
        %dma_wait3A_131 = arith.constant 9984 : i32
        %dma_wait3A_132 = arith.constant 0 : i32
        %dma_wait3A_133 = tpu.memref_slice %arg10[%dma_wait3A_131, %dma_wait3A_132] : memref<10000x128xf32, #tpu.memory_space<vmem_shared>> -> memref<16x128xf32, #tpu.memory_space<vmem_shared>>
        %dma_wait3A_134 = arith.constant 9984 : i32
        %dma_wait3A_135 = arith.constant 0 : i32
        %dma_wait3A_136 = tpu.memref_slice %arg5[%dma_wait3A_134, %dma_wait3A_135] : memref<10000x128xf32, #tpu.memory_space<hbm>> -> memref<16x128xf32, #tpu.memory_space<hbm>>
        tpu.wait_dma2 semaphore(%run_scoped3A : memref<!tpu.dma_semaphore, #tpu.memory_space<semaphore_mem>>) src(%dma_wait3A_136 : memref<16x128xf32, #tpu.memory_space<hbm>>) dst(%dma_wait3A_133 : memref<16x128xf32, #tpu.memory_space<vmem_shared>>)
        tpu.yield
      }) : () -> ()
    } else {
    }
    %mul3A_7 = arith.constant 10000 : i32
    %mul3A_8 = arith.muli %add3A, %mul3A_7 : i32
    "tpu.region"() ({
      %run_scoped3A = tpu.sem_alloc : memref<!tpu.dma_semaphore, #tpu.memory_space<semaphore_mem>>
      %dma_start3A_125 = tpu.memref_slice %arg3[%mul3A_8] : memref<320000xi32, #tpu.memory_space<hbm>> -> memref<10000xi32, #tpu.memory_space<hbm>>
      %dma_start3A_126 = tpu.memref_slice %arg3[%mul3A_8] : memref<320000xi32, #tpu.memory_space<hbm>> -> memref<10000xi32, #tpu.memory_space<hbm>>
      tpu.enqueue_dma source(%dma_start3A_126 : memref<10000xi32, #tpu.memory_space<hbm>>) target(%arg7 : memref<10000xi32, #tpu.memory_space<vmem>>) target_semaphore(%run_scoped3A : memref<!tpu.dma_semaphore, #tpu.memory_space<semaphore_mem>>)
      %dma_wait3A_127 = tpu.memref_slice %arg3[%mul3A_8] : memref<320000xi32, #tpu.memory_space<hbm>> -> memref<10000xi32, #tpu.memory_space<hbm>>
      %dma_wait3A_128 = tpu.memref_slice %arg3[%mul3A_8] : memref<320000xi32, #tpu.memory_space<hbm>> -> memref<10000xi32, #tpu.memory_space<hbm>>
      tpu.wait_dma2 semaphore(%run_scoped3A : memref<!tpu.dma_semaphore, #tpu.memory_space<semaphore_mem>>) src(%dma_wait3A_128 : memref<10000xi32, #tpu.memory_space<hbm>>) dst(%arg7 : memref<10000xi32, #tpu.memory_space<vmem>>)
      tpu.yield
    }) : () -> ()
    %barrier3A = arith.constant 0 : index
    tpu.barrier barrier_id(%barrier3A)
    %mul3A_9 = arith.constant 10000 : i32
    %mul3A_10 = arith.muli %add3A, %mul3A_9 : i32
    %add3A_11 = arith.constant 0 : i32
    %add3A_12 = arith.addi %mul3A_10, %add3A_11 : i32
    %dma_start3A = arith.constant 0 : i32
    %dma_start3A_13 = arith.constant 0 : i32
    %dma_start3A_14 = arith.constant 0 : i32
    %dma_start3A_15 = tpu.memref_slice %arg8[%dma_start3A, %dma_start3A_14] : memref<2x80xi32, #tpu.memory_space<vmem>> -> memref<1x80xi32, #tpu.memory_space<vmem>>
    %dma_start3A_16 = tpu.memref_squeeze %dma_start3A_15 : memref<1x80xi32, #tpu.memory_space<vmem>> -> memref<80xi32, #tpu.memory_space<vmem>>
    %dma_start3A_17 = tpu.memref_slice %arg4[%add3A_12] : memref<320000xi32, #tpu.memory_space<hbm>> -> memref<80xi32, #tpu.memory_space<hbm>>
    %dma_start3A_18 = tpu.memref_slice %arg12[%dma_start3A_13] : memref<2x!tpu.dma_semaphore, #tpu.memory_space<semaphore_mem>> -> memref<1x!tpu.dma_semaphore, #tpu.memory_space<semaphore_mem>>
    %dma_start3A_19 = tpu.memref_squeeze %dma_start3A_18 : memref<1x!tpu.dma_semaphore, #tpu.memory_space<semaphore_mem>> -> memref<!tpu.dma_semaphore, #tpu.memory_space<semaphore_mem>>
    %dma_start3A_20 = arith.constant 0 : i32
    %dma_start3A_21 = tpu.memref_slice %arg8[%dma_start3A, %dma_start3A_20] : memref<2x80xi32, #tpu.memory_space<vmem>> -> memref<1x80xi32, #tpu.memory_space<vmem>>
    %dma_start3A_22 = tpu.memref_squeeze %dma_start3A_21 : memref<1x80xi32, #tpu.memory_space<vmem>> -> memref<80xi32, #tpu.memory_space<vmem>>
    %dma_start3A_23 = tpu.memref_slice %arg4[%add3A_12] : memref<320000xi32, #tpu.memory_space<hbm>> -> memref<80xi32, #tpu.memory_space<hbm>>
    tpu.enqueue_dma source(%dma_start3A_23 : memref<80xi32, #tpu.memory_space<hbm>>) target(%dma_start3A_22 : memref<80xi32, #tpu.memory_space<vmem>>) target_semaphore(%dma_start3A_19 : memref<!tpu.dma_semaphore, #tpu.memory_space<semaphore_mem>>)
    %dma_start3A_24 = arith.constant 0 : i32
    %dma_start3A_25 = arith.constant 0 : i32
    %dma_start3A_26 = arith.constant 0 : i32
    %dma_start3A_27 = arith.constant 0 : i32
    %dma_start3A_28 = tpu.memref_slice %arg9[%dma_start3A_24, %dma_start3A_26, %dma_start3A_27] : memref<2x80x128xf32, #tpu.memory_space<vmem>> -> memref<1x80x128xf32, #tpu.memory_space<vmem>>
    %dma_start3A_29 = tpu.memref_squeeze %dma_start3A_28 : memref<1x80x128xf32, #tpu.memory_space<vmem>> -> memref<80x128xf32, #tpu.memory_space<vmem>>
    %dma_start3A_30 = arith.constant 0 : i32
    %dma_start3A_31 = tpu.memref_slice %arg7[%dma_start3A_30] : memref<10000xi32, #tpu.memory_space<vmem>> -> memref<80xi32, #tpu.memory_space<vmem>>
    %dma_start3A_32 = arith.constant 0 : i32
    %dma_start3A_33 = arith.constant 0 : i32
    %dma_start3A_34 = tpu.memref_slice %arg2[%dma_start3A_32, %dma_start3A_33] : memref<10000x128xf32, #tpu.memory_space<hbm>> -> memref<10000x128xf32, #tpu.memory_space<hbm>>
    %dma_start3A_35 = tpu.memref_slice %arg11[%dma_start3A_25] : memref<2x!tpu.dma_semaphore, #tpu.memory_space<semaphore_mem>> -> memref<1x!tpu.dma_semaphore, #tpu.memory_space<semaphore_mem>>
    %dma_start3A_36 = tpu.memref_squeeze %dma_start3A_35 : memref<1x!tpu.dma_semaphore, #tpu.memory_space<semaphore_mem>> -> memref<!tpu.dma_semaphore, #tpu.memory_space<semaphore_mem>>
    tpu.enqueue_indirect_dma source(%dma_start3A_34 : memref<10000x128xf32, #tpu.memory_space<hbm>>) target(%dma_start3A_29 : memref<80x128xf32, #tpu.memory_space<vmem>>) offsets(%dma_start3A_31 : memref<80xi32, #tpu.memory_space<vmem>>) semaphore(%dma_start3A_36 : memref<!tpu.dma_semaphore, #tpu.memory_space<semaphore_mem>>)
    %scan3A = arith.constant 0 : i32
    %scan3A_37 = arith.constant 0 : i32
    %scan3A_38 = arith.constant 62 : i32
    %scan3A_39 = arith.addi %scan3A_37, %scan3A_38 : i32
    %scan3A_40 = arith.constant 1 : i32
    scf.for %scan3A_125 = %scan3A_37 to %scan3A_39 step %scan3A_40  : i32 {
      %eq3A_126 = arith.constant 0 : i32
      %eq3A_127 = arith.cmpi eq, %scan3A_125, %eq3A_126 : i32
      %convert_element_type3A_128 = arith.extui %eq3A_127 : i1 to i32
      %cond3A_129 = arith.constant 0 : i32
      %cond3A_130 = arith.cmpi ne, %convert_element_type3A_128, %cond3A_129 : i32
      scf.if %cond3A_130 {
        %dma_wait3A_235 = arith.constant 0 : i32
        %dma_wait3A_236 = arith.constant 0 : i32
        %dma_wait3A_237 = arith.constant 0 : i32
        %dma_wait3A_238 = arith.constant 0 : i32
        %dma_wait3A_239 = tpu.memref_slice %arg9[%dma_wait3A_235, %dma_wait3A_237, %dma_wait3A_238] : memref<2x80x128xf32, #tpu.memory_space<vmem>> -> memref<1x80x128xf32, #tpu.memory_space<vmem>>
        %dma_wait3A_240 = tpu.memref_squeeze %dma_wait3A_239 : memref<1x80x128xf32, #tpu.memory_space<vmem>> -> memref<80x128xf32, #tpu.memory_space<vmem>>
        %dma_wait3A_241 = arith.constant 0 : i32
        %dma_wait3A_242 = tpu.memref_slice %arg7[%dma_wait3A_241] : memref<10000xi32, #tpu.memory_space<vmem>> -> memref<80xi32, #tpu.memory_space<vmem>>
        %dma_wait3A_243 = arith.constant 0 : i32
        %dma_wait3A_244 = arith.constant 0 : i32
        %dma_wait3A_245 = tpu.memref_slice %arg2[%dma_wait3A_243, %dma_wait3A_244] : memref<10000x128xf32, #tpu.memory_space<hbm>> -> memref<10000x128xf32, #tpu.memory_space<hbm>>
        %dma_wait3A_246 = tpu.memref_slice %arg11[%dma_wait3A_236] : memref<2x!tpu.dma_semaphore, #tpu.memory_space<semaphore_mem>> -> memref<1x!tpu.dma_semaphore, #tpu.memory_space<semaphore_mem>>
        %dma_wait3A_247 = tpu.memref_squeeze %dma_wait3A_246 : memref<1x!tpu.dma_semaphore, #tpu.memory_space<semaphore_mem>> -> memref<!tpu.dma_semaphore, #tpu.memory_space<semaphore_mem>>
        tpu.wait_indirect_dma semaphore(%dma_wait3A_247 : memref<!tpu.dma_semaphore, #tpu.memory_space<semaphore_mem>>) src(%dma_wait3A_245 : memref<10000x128xf32, #tpu.memory_space<hbm>>) dst(%dma_wait3A_240 : memref<80x128xf32, #tpu.memory_space<vmem>>)
        %dma_start3A_248 = arith.constant 1 : i32
        %dma_start3A_249 = arith.constant 1 : i32
        %dma_start3A_250 = arith.constant 0 : i32
        %dma_start3A_251 = arith.constant 0 : i32
        %dma_start3A_252 = tpu.memref_slice %arg9[%dma_start3A_248, %dma_start3A_250, %dma_start3A_251] : memref<2x80x128xf32, #tpu.memory_space<vmem>> -> memref<1x80x128xf32, #tpu.memory_space<vmem>>
        %dma_start3A_253 = tpu.memref_squeeze %dma_start3A_252 : memref<1x80x128xf32, #tpu.memory_space<vmem>> -> memref<80x128xf32, #tpu.memory_space<vmem>>
        %dma_start3A_254 = arith.constant 80 : i32
        %dma_start3A_255 = tpu.memref_slice %arg7[%dma_start3A_254] : memref<10000xi32, #tpu.memory_space<vmem>> -> memref<80xi32, #tpu.memory_space<vmem>>
        %dma_start3A_256 = arith.constant 0 : i32
        %dma_start3A_257 = arith.constant 0 : i32
        %dma_start3A_258 = tpu.memref_slice %arg2[%dma_start3A_256, %dma_start3A_257] : memref<10000x128xf32, #tpu.memory_space<hbm>> -> memref<10000x128xf32, #tpu.memory_space<hbm>>
        %dma_start3A_259 = tpu.memref_slice %arg11[%dma_start3A_249] : memref<2x!tpu.dma_semaphore, #tpu.memory_space<semaphore_mem>> -> memref<1x!tpu.dma_semaphore, #tpu.memory_space<semaphore_mem>>
        %dma_start3A_260 = tpu.memref_squeeze %dma_start3A_259 : memref<1x!tpu.dma_semaphore, #tpu.memory_space<semaphore_mem>> -> memref<!tpu.dma_semaphore, #tpu.memory_space<semaphore_mem>>
        tpu.enqueue_indirect_dma source(%dma_start3A_258 : memref<10000x128xf32, #tpu.memory_space<hbm>>) target(%dma_start3A_253 : memref<80x128xf32, #tpu.memory_space<vmem>>) offsets(%dma_start3A_255 : memref<80xi32, #tpu.memory_space<vmem>>) semaphore(%dma_start3A_260 : memref<!tpu.dma_semaphore, #tpu.memory_space<semaphore_mem>>)
        %mul3A_261 = arith.constant 10000 : i32
        %mul3A_262 = arith.muli %add3A, %mul3A_261 : i32
        %add3A_263 = arith.constant 80 : i32
        %add3A_264 = arith.addi %mul3A_262, %add3A_263 : i32
        %dma_start3A_265 = arith.constant 1 : i32
        %dma_start3A_266 = arith.constant 1 : i32
        %dma_start3A_267 = arith.constant 0 : i32
        %dma_start3A_268 = tpu.memref_slice %arg8[%dma_start3A_265, %dma_start3A_267] : memref<2x80xi32, #tpu.memory_space<vmem>> -> memref<1x80xi32, #tpu.memory_space<vmem>>
        %dma_start3A_269 = tpu.memref_squeeze %dma_start3A_268 : memref<1x80xi32, #tpu.memory_space<vmem>> -> memref<80xi32, #tpu.memory_space<vmem>>
        %dma_start3A_270 = tpu.memref_slice %arg4[%add3A_264] : memref<320000xi32, #tpu.memory_space<hbm>> -> memref<80xi32, #tpu.memory_space<hbm>>
        %dma_start3A_271 = tpu.memref_slice %arg12[%dma_start3A_266] : memref<2x!tpu.dma_semaphore, #tpu.memory_space<semaphore_mem>> -> memref<1x!tpu.dma_semaphore, #tpu.memory_space<semaphore_mem>>
        %dma_start3A_272 = tpu.memref_squeeze %dma_start3A_271 : memref<1x!tpu.dma_semaphore, #tpu.memory_space<semaphore_mem>> -> memref<!tpu.dma_semaphore, #tpu.memory_space<semaphore_mem>>
        %dma_start3A_273 = arith.constant 0 : i32
        %dma_start3A_274 = tpu.memref_slice %arg8[%dma_start3A_265, %dma_start3A_273] : memref<2x80xi32, #tpu.memory_space<vmem>> -> memref<1x80xi32, #tpu.memory_space<vmem>>
        %dma_start3A_275 = tpu.memref_squeeze %dma_start3A_274 : memref<1x80xi32, #tpu.memory_space<vmem>> -> memref<80xi32, #tpu.memory_space<vmem>>
        %dma_start3A_276 = tpu.memref_slice %arg4[%add3A_264] : memref<320000xi32, #tpu.memory_space<hbm>> -> memref<80xi32, #tpu.memory_space<hbm>>
        tpu.enqueue_dma source(%dma_start3A_276 : memref<80xi32, #tpu.memory_space<hbm>>) target(%dma_start3A_275 : memref<80xi32, #tpu.memory_space<vmem>>) target_semaphore(%dma_start3A_272 : memref<!tpu.dma_semaphore, #tpu.memory_space<semaphore_mem>>)
        %mul3A_277 = arith.constant 10000 : i32
        %mul3A_278 = arith.muli %add3A, %mul3A_277 : i32
        %add3A_279 = arith.constant 0 : i32
        %add3A_280 = arith.addi %mul3A_278, %add3A_279 : i32
        %dma_wait3A_281 = arith.constant 0 : i32
        %dma_wait3A_282 = arith.constant 0 : i32
        %dma_wait3A_283 = arith.constant 0 : i32
        %dma_wait3A_284 = tpu.memref_slice %arg8[%dma_wait3A_281, %dma_wait3A_283] : memref<2x80xi32, #tpu.memory_space<vmem>> -> memref<1x80xi32, #tpu.memory_space<vmem>>
        %dma_wait3A_285 = tpu.memref_squeeze %dma_wait3A_284 : memref<1x80xi32, #tpu.memory_space<vmem>> -> memref<80xi32, #tpu.memory_space<vmem>>
        %dma_wait3A_286 = tpu.memref_slice %arg4[%add3A_280] : memref<320000xi32, #tpu.memory_space<hbm>> -> memref<80xi32, #tpu.memory_space<hbm>>
        %dma_wait3A_287 = tpu.memref_slice %arg12[%dma_wait3A_282] : memref<2x!tpu.dma_semaphore, #tpu.memory_space<semaphore_mem>> -> memref<1x!tpu.dma_semaphore, #tpu.memory_space<semaphore_mem>>
        %dma_wait3A_288 = tpu.memref_squeeze %dma_wait3A_287 : memref<1x!tpu.dma_semaphore, #tpu.memory_space<semaphore_mem>> -> memref<!tpu.dma_semaphore, #tpu.memory_space<semaphore_mem>>
        %dma_wait3A_289 = arith.constant 0 : i32
        %dma_wait3A_290 = tpu.memref_slice %arg8[%dma_wait3A_281, %dma_wait3A_289] : memref<2x80xi32, #tpu.memory_space<vmem>> -> memref<1x80xi32, #tpu.memory_space<vmem>>
        %dma_wait3A_291 = tpu.memref_squeeze %dma_wait3A_290 : memref<1x80xi32, #tpu.memory_space<vmem>> -> memref<80xi32, #tpu.memory_space<vmem>>
        %dma_wait3A_292 = tpu.memref_slice %arg4[%add3A_280] : memref<320000xi32, #tpu.memory_space<hbm>> -> memref<80xi32, #tpu.memory_space<hbm>>
        tpu.wait_dma2 semaphore(%dma_wait3A_288 : memref<!tpu.dma_semaphore, #tpu.memory_space<semaphore_mem>>) src(%dma_wait3A_292 : memref<80xi32, #tpu.memory_space<hbm>>) dst(%dma_wait3A_291 : memref<80xi32, #tpu.memory_space<vmem>>)
        %dma_start3A_293 = arith.constant 0 : i32
        %dma_start3A_294 = arith.constant 0 : i32
        %dma_start3A_295 = arith.constant 0 : i32
        %dma_start3A_296 = arith.constant 0 : i32
        %dma_start3A_297 = arith.constant 0 : i32
        %dma_start3A_298 = tpu.memref_slice %arg9[%dma_start3A_293, %dma_start3A_296, %dma_start3A_297] : memref<2x80x128xf32, #tpu.memory_space<vmem>> -> memref<1x80x128xf32, #tpu.memory_space<vmem>>
        %dma_start3A_299 = tpu.memref_squeeze %dma_start3A_298 : memref<1x80x128xf32, #tpu.memory_space<vmem>> -> memref<80x128xf32, #tpu.memory_space<vmem>>
        %dma_start3A_300 = arith.constant 0 : i32
        %dma_start3A_301 = tpu.memref_slice %arg8[%dma_start3A_294, %dma_start3A_300] : memref<2x80xi32, #tpu.memory_space<vmem>> -> memref<1x80xi32, #tpu.memory_space<vmem>>
        %dma_start3A_302 = tpu.memref_squeeze %dma_start3A_301 : memref<1x80xi32, #tpu.memory_space<vmem>> -> memref<80xi32, #tpu.memory_space<vmem>>
        %dma_start3A_303 = arith.constant 0 : i32
        %dma_start3A_304 = arith.constant 0 : i32
        %dma_start3A_305 = tpu.memref_slice %arg10[%dma_start3A_303, %dma_start3A_304] : memref<10000x128xf32, #tpu.memory_space<vmem_shared>> -> memref<10000x128xf32, #tpu.memory_space<vmem_shared>>
        %dma_start3A_306 = tpu.memref_slice %arg13[%dma_start3A_295] : memref<2x!tpu.dma_semaphore, #tpu.memory_space<semaphore_mem>> -> memref<1x!tpu.dma_semaphore, #tpu.memory_space<semaphore_mem>>
        %dma_start3A_307 = tpu.memref_squeeze %dma_start3A_306 : memref<1x!tpu.dma_semaphore, #tpu.memory_space<semaphore_mem>> -> memref<!tpu.dma_semaphore, #tpu.memory_space<semaphore_mem>>
        tpu.enqueue_indirect_dma source(%dma_start3A_299 : memref<80x128xf32, #tpu.memory_space<vmem>>) target(%dma_start3A_305 : memref<10000x128xf32, #tpu.memory_space<vmem_shared>>) offsets(%dma_start3A_302 : memref<80xi32, #tpu.memory_space<vmem>>) semaphore(%dma_start3A_307 : memref<!tpu.dma_semaphore, #tpu.memory_space<semaphore_mem>>) {add = true}
      } else {
      }
      %gt3A = arith.constant 0 : i32
      %gt3A_131 = arith.cmpi sgt, %scan3A_125, %gt3A : i32
      %convert_element_type3A_132 = arith.extui %gt3A_131 : i1 to i32
      %cond3A_133 = arith.constant 0 : i32
      %cond3A_134 = arith.cmpi ne, %convert_element_type3A_132, %cond3A_133 : i32
      scf.if %cond3A_134 {
        %mul3A_235 = arith.constant 2 : i32
        %mul3A_236 = arith.muli %mul3A_235, %scan3A_125 : i32
        %mul3A_237 = arith.constant 80 : i32
        %mul3A_238 = arith.muli %mul3A_236, %mul3A_237 : i32
        %dma_wait3A_239 = arith.constant 0 : i32
        %dma_wait3A_240 = arith.constant 0 : i32
        %dma_wait3A_241 = arith.constant 0 : i32
        %dma_wait3A_242 = arith.constant 0 : i32
        %dma_wait3A_243 = tpu.memref_slice %arg9[%dma_wait3A_239, %dma_wait3A_241, %dma_wait3A_242] : memref<2x80x128xf32, #tpu.memory_space<vmem>> -> memref<1x80x128xf32, #tpu.memory_space<vmem>>
        %dma_wait3A_244 = tpu.memref_squeeze %dma_wait3A_243 : memref<1x80x128xf32, #tpu.memory_space<vmem>> -> memref<80x128xf32, #tpu.memory_space<vmem>>
        %dma_wait3A_245 = tpu.memref_slice %arg7[%mul3A_238] : memref<10000xi32, #tpu.memory_space<vmem>> -> memref<80xi32, #tpu.memory_space<vmem>>
        %dma_wait3A_246 = arith.constant 0 : i32
        %dma_wait3A_247 = arith.constant 0 : i32
        %dma_wait3A_248 = tpu.memref_slice %arg2[%dma_wait3A_246, %dma_wait3A_247] : memref<10000x128xf32, #tpu.memory_space<hbm>> -> memref<10000x128xf32, #tpu.memory_space<hbm>>
        %dma_wait3A_249 = tpu.memref_slice %arg11[%dma_wait3A_240] : memref<2x!tpu.dma_semaphore, #tpu.memory_space<semaphore_mem>> -> memref<1x!tpu.dma_semaphore, #tpu.memory_space<semaphore_mem>>
        %dma_wait3A_250 = tpu.memref_squeeze %dma_wait3A_249 : memref<1x!tpu.dma_semaphore, #tpu.memory_space<semaphore_mem>> -> memref<!tpu.dma_semaphore, #tpu.memory_space<semaphore_mem>>
        tpu.wait_indirect_dma semaphore(%dma_wait3A_250 : memref<!tpu.dma_semaphore, #tpu.memory_space<semaphore_mem>>) src(%dma_wait3A_248 : memref<10000x128xf32, #tpu.memory_space<hbm>>) dst(%dma_wait3A_244 : memref<80x128xf32, #tpu.memory_space<vmem>>)
        %dma_wait3A_251 = arith.constant 1 : i32
        %dma_wait3A_252 = arith.constant 1 : i32
        %dma_wait3A_253 = arith.constant 1 : i32
        %dma_wait3A_254 = arith.constant 0 : i32
        %dma_wait3A_255 = arith.constant 0 : i32
        %dma_wait3A_256 = tpu.memref_slice %arg9[%dma_wait3A_251, %dma_wait3A_254, %dma_wait3A_255] : memref<2x80x128xf32, #tpu.memory_space<vmem>> -> memref<1x80x128xf32, #tpu.memory_space<vmem>>
        %dma_wait3A_257 = tpu.memref_squeeze %dma_wait3A_256 : memref<1x80x128xf32, #tpu.memory_space<vmem>> -> memref<80x128xf32, #tpu.memory_space<vmem>>
        %dma_wait3A_258 = arith.constant 0 : i32
        %dma_wait3A_259 = tpu.memref_slice %arg8[%dma_wait3A_252, %dma_wait3A_258] : memref<2x80xi32, #tpu.memory_space<vmem>> -> memref<1x80xi32, #tpu.memory_space<vmem>>
        %dma_wait3A_260 = tpu.memref_squeeze %dma_wait3A_259 : memref<1x80xi32, #tpu.memory_space<vmem>> -> memref<80xi32, #tpu.memory_space<vmem>>
        %dma_wait3A_261 = arith.constant 0 : i32
        %dma_wait3A_262 = arith.constant 0 : i32
        %dma_wait3A_263 = tpu.memref_slice %arg10[%dma_wait3A_261, %dma_wait3A_262] : memref<10000x128xf32, #tpu.memory_space<vmem_shared>> -> memref<10000x128xf32, #tpu.memory_space<vmem_shared>>
        %dma_wait3A_264 = tpu.memref_slice %arg13[%dma_wait3A_253] : memref<2x!tpu.dma_semaphore, #tpu.memory_space<semaphore_mem>> -> memref<1x!tpu.dma_semaphore, #tpu.memory_space<semaphore_mem>>
        %dma_wait3A_265 = tpu.memref_squeeze %dma_wait3A_264 : memref<1x!tpu.dma_semaphore, #tpu.memory_space<semaphore_mem>> -> memref<!tpu.dma_semaphore, #tpu.memory_space<semaphore_mem>>
        tpu.wait_indirect_dma semaphore(%dma_wait3A_265 : memref<!tpu.dma_semaphore, #tpu.memory_space<semaphore_mem>>) src(%dma_wait3A_257 : memref<80x128xf32, #tpu.memory_space<vmem>>) dst(%dma_wait3A_263 : memref<10000x128xf32, #tpu.memory_space<vmem_shared>>)
        %add3A_266 = arith.constant 1 : i32
        %add3A_267 = arith.addi %mul3A_236, %add3A_266 : i32
        %mul3A_268 = arith.constant 80 : i32
        %mul3A_269 = arith.muli %add3A_267, %mul3A_268 : i32
        %dma_start3A_270 = arith.constant 1 : i32
        %dma_start3A_271 = arith.constant 1 : i32
        %dma_start3A_272 = arith.constant 0 : i32
        %dma_start3A_273 = arith.constant 0 : i32
        %dma_start3A_274 = tpu.memref_slice %arg9[%dma_start3A_270, %dma_start3A_272, %dma_start3A_273] : memref<2x80x128xf32, #tpu.memory_space<vmem>> -> memref<1x80x128xf32, #tpu.memory_space<vmem>>
        %dma_start3A_275 = tpu.memref_squeeze %dma_start3A_274 : memref<1x80x128xf32, #tpu.memory_space<vmem>> -> memref<80x128xf32, #tpu.memory_space<vmem>>
        %dma_start3A_276 = tpu.memref_slice %arg7[%mul3A_269] : memref<10000xi32, #tpu.memory_space<vmem>> -> memref<80xi32, #tpu.memory_space<vmem>>
        %dma_start3A_277 = arith.constant 0 : i32
        %dma_start3A_278 = arith.constant 0 : i32
        %dma_start3A_279 = tpu.memref_slice %arg2[%dma_start3A_277, %dma_start3A_278] : memref<10000x128xf32, #tpu.memory_space<hbm>> -> memref<10000x128xf32, #tpu.memory_space<hbm>>
        %dma_start3A_280 = tpu.memref_slice %arg11[%dma_start3A_271] : memref<2x!tpu.dma_semaphore, #tpu.memory_space<semaphore_mem>> -> memref<1x!tpu.dma_semaphore, #tpu.memory_space<semaphore_mem>>
        %dma_start3A_281 = tpu.memref_squeeze %dma_start3A_280 : memref<1x!tpu.dma_semaphore, #tpu.memory_space<semaphore_mem>> -> memref<!tpu.dma_semaphore, #tpu.memory_space<semaphore_mem>>
        tpu.enqueue_indirect_dma source(%dma_start3A_279 : memref<10000x128xf32, #tpu.memory_space<hbm>>) target(%dma_start3A_275 : memref<80x128xf32, #tpu.memory_space<vmem>>) offsets(%dma_start3A_276 : memref<80xi32, #tpu.memory_space<vmem>>) semaphore(%dma_start3A_281 : memref<!tpu.dma_semaphore, #tpu.memory_space<semaphore_mem>>)
        %add3A_282 = arith.constant 1 : i32
        %add3A_283 = arith.addi %mul3A_236, %add3A_282 : i32
        %mul3A_284 = arith.constant 10000 : i32
        %mul3A_285 = arith.muli %add3A, %mul3A_284 : i32
        %mul3A_286 = arith.constant 80 : i32
        %mul3A_287 = arith.muli %add3A_283, %mul3A_286 : i32
        %add3A_288 = arith.addi %mul3A_285, %mul3A_287 : i32
        %dma_start3A_289 = arith.constant 1 : i32
        %dma_start3A_290 = arith.constant 1 : i32
        %dma_start3A_291 = arith.constant 0 : i32
        %dma_start3A_292 = tpu.memref_slice %arg8[%dma_start3A_289, %dma_start3A_291] : memref<2x80xi32, #tpu.memory_space<vmem>> -> memref<1x80xi32, #tpu.memory_space<vmem>>
        %dma_start3A_293 = tpu.memref_squeeze %dma_start3A_292 : memref<1x80xi32, #tpu.memory_space<vmem>> -> memref<80xi32, #tpu.memory_space<vmem>>
        %dma_start3A_294 = tpu.memref_slice %arg4[%add3A_288] : memref<320000xi32, #tpu.memory_space<hbm>> -> memref<80xi32, #tpu.memory_space<hbm>>
        %dma_start3A_295 = tpu.memref_slice %arg12[%dma_start3A_290] : memref<2x!tpu.dma_semaphore, #tpu.memory_space<semaphore_mem>> -> memref<1x!tpu.dma_semaphore, #tpu.memory_space<semaphore_mem>>
        %dma_start3A_296 = tpu.memref_squeeze %dma_start3A_295 : memref<1x!tpu.dma_semaphore, #tpu.memory_space<semaphore_mem>> -> memref<!tpu.dma_semaphore, #tpu.memory_space<semaphore_mem>>
        %dma_start3A_297 = arith.constant 0 : i32
        %dma_start3A_298 = tpu.memref_slice %arg8[%dma_start3A_289, %dma_start3A_297] : memref<2x80xi32, #tpu.memory_space<vmem>> -> memref<1x80xi32, #tpu.memory_space<vmem>>
        %dma_start3A_299 = tpu.memref_squeeze %dma_start3A_298 : memref<1x80xi32, #tpu.memory_space<vmem>> -> memref<80xi32, #tpu.memory_space<vmem>>
        %dma_start3A_300 = tpu.memref_slice %arg4[%add3A_288] : memref<320000xi32, #tpu.memory_space<hbm>> -> memref<80xi32, #tpu.memory_space<hbm>>
        tpu.enqueue_dma source(%dma_start3A_300 : memref<80xi32, #tpu.memory_space<hbm>>) target(%dma_start3A_299 : memref<80xi32, #tpu.memory_space<vmem>>) target_semaphore(%dma_start3A_296 : memref<!tpu.dma_semaphore, #tpu.memory_space<semaphore_mem>>)
        %mul3A_301 = arith.constant 10000 : i32
        %mul3A_302 = arith.muli %add3A, %mul3A_301 : i32
        %mul3A_303 = arith.constant 80 : i32
        %mul3A_304 = arith.muli %mul3A_236, %mul3A_303 : i32
        %add3A_305 = arith.addi %mul3A_302, %mul3A_304 : i32
        %dma_wait3A_306 = arith.constant 0 : i32
        %dma_wait3A_307 = arith.constant 0 : i32
        %dma_wait3A_308 = arith.constant 0 : i32
        %dma_wait3A_309 = tpu.memref_slice %arg8[%dma_wait3A_306, %dma_wait3A_308] : memref<2x80xi32, #tpu.memory_space<vmem>> -> memref<1x80xi32, #tpu.memory_space<vmem>>
        %dma_wait3A_310 = tpu.memref_squeeze %dma_wait3A_309 : memref<1x80xi32, #tpu.memory_space<vmem>> -> memref<80xi32, #tpu.memory_space<vmem>>
        %dma_wait3A_311 = tpu.memref_slice %arg4[%add3A_305] : memref<320000xi32, #tpu.memory_space<hbm>> -> memref<80xi32, #tpu.memory_space<hbm>>
        %dma_wait3A_312 = tpu.memref_slice %arg12[%dma_wait3A_307] : memref<2x!tpu.dma_semaphore, #tpu.memory_space<semaphore_mem>> -> memref<1x!tpu.dma_semaphore, #tpu.memory_space<semaphore_mem>>
        %dma_wait3A_313 = tpu.memref_squeeze %dma_wait3A_312 : memref<1x!tpu.dma_semaphore, #tpu.memory_space<semaphore_mem>> -> memref<!tpu.dma_semaphore, #tpu.memory_space<semaphore_mem>>
        %dma_wait3A_314 = arith.constant 0 : i32
        %dma_wait3A_315 = tpu.memref_slice %arg8[%dma_wait3A_306, %dma_wait3A_314] : memref<2x80xi32, #tpu.memory_space<vmem>> -> memref<1x80xi32, #tpu.memory_space<vmem>>
        %dma_wait3A_316 = tpu.memref_squeeze %dma_wait3A_315 : memref<1x80xi32, #tpu.memory_space<vmem>> -> memref<80xi32, #tpu.memory_space<vmem>>
        %dma_wait3A_317 = tpu.memref_slice %arg4[%add3A_305] : memref<320000xi32, #tpu.memory_space<hbm>> -> memref<80xi32, #tpu.memory_space<hbm>>
        tpu.wait_dma2 semaphore(%dma_wait3A_313 : memref<!tpu.dma_semaphore, #tpu.memory_space<semaphore_mem>>) src(%dma_wait3A_317 : memref<80xi32, #tpu.memory_space<hbm>>) dst(%dma_wait3A_316 : memref<80xi32, #tpu.memory_space<vmem>>)
        %dma_start3A_318 = arith.constant 0 : i32
        %dma_start3A_319 = arith.constant 0 : i32
        %dma_start3A_320 = arith.constant 0 : i32
        %dma_start3A_321 = arith.constant 0 : i32
        %dma_start3A_322 = arith.constant 0 : i32
        %dma_start3A_323 = tpu.memref_slice %arg9[%dma_start3A_318, %dma_start3A_321, %dma_start3A_322] : memref<2x80x128xf32, #tpu.memory_space<vmem>> -> memref<1x80x128xf32, #tpu.memory_space<vmem>>
        %dma_start3A_324 = tpu.memref_squeeze %dma_start3A_323 : memref<1x80x128xf32, #tpu.memory_space<vmem>> -> memref<80x128xf32, #tpu.memory_space<vmem>>
        %dma_start3A_325 = arith.constant 0 : i32
        %dma_start3A_326 = tpu.memref_slice %arg8[%dma_start3A_319, %dma_start3A_325] : memref<2x80xi32, #tpu.memory_space<vmem>> -> memref<1x80xi32, #tpu.memory_space<vmem>>
        %dma_start3A_327 = tpu.memref_squeeze %dma_start3A_326 : memref<1x80xi32, #tpu.memory_space<vmem>> -> memref<80xi32, #tpu.memory_space<vmem>>
        %dma_start3A_328 = arith.constant 0 : i32
        %dma_start3A_329 = arith.constant 0 : i32
        %dma_start3A_330 = tpu.memref_slice %arg10[%dma_start3A_328, %dma_start3A_329] : memref<10000x128xf32, #tpu.memory_space<vmem_shared>> -> memref<10000x128xf32, #tpu.memory_space<vmem_shared>>
        %dma_start3A_331 = tpu.memref_slice %arg13[%dma_start3A_320] : memref<2x!tpu.dma_semaphore, #tpu.memory_space<semaphore_mem>> -> memref<1x!tpu.dma_semaphore, #tpu.memory_space<semaphore_mem>>
        %dma_start3A_332 = tpu.memref_squeeze %dma_start3A_331 : memref<1x!tpu.dma_semaphore, #tpu.memory_space<semaphore_mem>> -> memref<!tpu.dma_semaphore, #tpu.memory_space<semaphore_mem>>
        tpu.enqueue_indirect_dma source(%dma_start3A_324 : memref<80x128xf32, #tpu.memory_space<vmem>>) target(%dma_start3A_330 : memref<10000x128xf32, #tpu.memory_space<vmem_shared>>) offsets(%dma_start3A_327 : memref<80xi32, #tpu.memory_space<vmem>>) semaphore(%dma_start3A_332 : memref<!tpu.dma_semaphore, #tpu.memory_space<semaphore_mem>>) {add = true}
      } else {
      }
      %mul3A_135 = arith.constant 2 : i32
      %mul3A_136 = arith.muli %mul3A_135, %scan3A_125 : i32
      %add3A_137 = arith.constant 1 : i32
      %add3A_138 = arith.addi %mul3A_136, %add3A_137 : i32
      %mul3A_139 = arith.constant 80 : i32
      %mul3A_140 = arith.muli %add3A_138, %mul3A_139 : i32
      %dma_wait3A_141 = arith.constant 1 : i32
      %dma_wait3A_142 = arith.constant 1 : i32
      %dma_wait3A_143 = arith.constant 0 : i32
      %dma_wait3A_144 = arith.constant 0 : i32
      %dma_wait3A_145 = tpu.memref_slice %arg9[%dma_wait3A_141, %dma_wait3A_143, %dma_wait3A_144] : memref<2x80x128xf32, #tpu.memory_space<vmem>> -> memref<1x80x128xf32, #tpu.memory_space<vmem>>
      %dma_wait3A_146 = tpu.memref_squeeze %dma_wait3A_145 : memref<1x80x128xf32, #tpu.memory_space<vmem>> -> memref<80x128xf32, #tpu.memory_space<vmem>>
      %dma_wait3A_147 = tpu.memref_slice %arg7[%mul3A_140] : memref<10000xi32, #tpu.memory_space<vmem>> -> memref<80xi32, #tpu.memory_space<vmem>>
      %dma_wait3A_148 = arith.constant 0 : i32
      %dma_wait3A_149 = arith.constant 0 : i32
      %dma_wait3A_150 = tpu.memref_slice %arg2[%dma_wait3A_148, %dma_wait3A_149] : memref<10000x128xf32, #tpu.memory_space<hbm>> -> memref<10000x128xf32, #tpu.memory_space<hbm>>
      %dma_wait3A_151 = tpu.memref_slice %arg11[%dma_wait3A_142] : memref<2x!tpu.dma_semaphore, #tpu.memory_space<semaphore_mem>> -> memref<1x!tpu.dma_semaphore, #tpu.memory_space<semaphore_mem>>
      %dma_wait3A_152 = tpu.memref_squeeze %dma_wait3A_151 : memref<1x!tpu.dma_semaphore, #tpu.memory_space<semaphore_mem>> -> memref<!tpu.dma_semaphore, #tpu.memory_space<semaphore_mem>>
      tpu.wait_indirect_dma semaphore(%dma_wait3A_152 : memref<!tpu.dma_semaphore, #tpu.memory_space<semaphore_mem>>) src(%dma_wait3A_150 : memref<10000x128xf32, #tpu.memory_space<hbm>>) dst(%dma_wait3A_146 : memref<80x128xf32, #tpu.memory_space<vmem>>)
      %dma_wait3A_153 = arith.constant 0 : i32
      %dma_wait3A_154 = arith.constant 0 : i32
      %dma_wait3A_155 = arith.constant 0 : i32
      %dma_wait3A_156 = arith.constant 0 : i32
      %dma_wait3A_157 = arith.constant 0 : i32
      %dma_wait3A_158 = tpu.memref_slice %arg9[%dma_wait3A_153, %dma_wait3A_156, %dma_wait3A_157] : memref<2x80x128xf32, #tpu.memory_space<vmem>> -> memref<1x80x128xf32, #tpu.memory_space<vmem>>
      %dma_wait3A_159 = tpu.memref_squeeze %dma_wait3A_158 : memref<1x80x128xf32, #tpu.memory_space<vmem>> -> memref<80x128xf32, #tpu.memory_space<vmem>>
      %dma_wait3A_160 = arith.constant 0 : i32
      %dma_wait3A_161 = tpu.memref_slice %arg8[%dma_wait3A_154, %dma_wait3A_160] : memref<2x80xi32, #tpu.memory_space<vmem>> -> memref<1x80xi32, #tpu.memory_space<vmem>>
      %dma_wait3A_162 = tpu.memref_squeeze %dma_wait3A_161 : memref<1x80xi32, #tpu.memory_space<vmem>> -> memref<80xi32, #tpu.memory_space<vmem>>
      %dma_wait3A_163 = arith.constant 0 : i32
      %dma_wait3A_164 = arith.constant 0 : i32
      %dma_wait3A_165 = tpu.memref_slice %arg10[%dma_wait3A_163, %dma_wait3A_164] : memref<10000x128xf32, #tpu.memory_space<vmem_shared>> -> memref<10000x128xf32, #tpu.memory_space<vmem_shared>>
      %dma_wait3A_166 = tpu.memref_slice %arg13[%dma_wait3A_155] : memref<2x!tpu.dma_semaphore, #tpu.memory_space<semaphore_mem>> -> memref<1x!tpu.dma_semaphore, #tpu.memory_space<semaphore_mem>>
      %dma_wait3A_167 = tpu.memref_squeeze %dma_wait3A_166 : memref<1x!tpu.dma_semaphore, #tpu.memory_space<semaphore_mem>> -> memref<!tpu.dma_semaphore, #tpu.memory_space<semaphore_mem>>
      tpu.wait_indirect_dma semaphore(%dma_wait3A_167 : memref<!tpu.dma_semaphore, #tpu.memory_space<semaphore_mem>>) src(%dma_wait3A_159 : memref<80x128xf32, #tpu.memory_space<vmem>>) dst(%dma_wait3A_165 : memref<10000x128xf32, #tpu.memory_space<vmem_shared>>)
      %add3A_168 = arith.constant 1 : i32
      %add3A_169 = arith.addi %add3A_138, %add3A_168 : i32
      %mul3A_170 = arith.constant 80 : i32
      %mul3A_171 = arith.muli %add3A_169, %mul3A_170 : i32
      %dma_start3A_172 = arith.constant 0 : i32
      %dma_start3A_173 = arith.constant 0 : i32
      %dma_start3A_174 = arith.constant 0 : i32
      %dma_start3A_175 = arith.constant 0 : i32
      %dma_start3A_176 = tpu.memref_slice %arg9[%dma_start3A_172, %dma_start3A_174, %dma_start3A_175] : memref<2x80x128xf32, #tpu.memory_space<vmem>> -> memref<1x80x128xf32, #tpu.memory_space<vmem>>
      %dma_start3A_177 = tpu.memref_squeeze %dma_start3A_176 : memref<1x80x128xf32, #tpu.memory_space<vmem>> -> memref<80x128xf32, #tpu.memory_space<vmem>>
      %dma_start3A_178 = tpu.memref_slice %arg7[%mul3A_171] : memref<10000xi32, #tpu.memory_space<vmem>> -> memref<80xi32, #tpu.memory_space<vmem>>
      %dma_start3A_179 = arith.constant 0 : i32
      %dma_start3A_180 = arith.constant 0 : i32
      %dma_start3A_181 = tpu.memref_slice %arg2[%dma_start3A_179, %dma_start3A_180] : memref<10000x128xf32, #tpu.memory_space<hbm>> -> memref<10000x128xf32, #tpu.memory_space<hbm>>
      %dma_start3A_182 = tpu.memref_slice %arg11[%dma_start3A_173] : memref<2x!tpu.dma_semaphore, #tpu.memory_space<semaphore_mem>> -> memref<1x!tpu.dma_semaphore, #tpu.memory_space<semaphore_mem>>
      %dma_start3A_183 = tpu.memref_squeeze %dma_start3A_182 : memref<1x!tpu.dma_semaphore, #tpu.memory_space<semaphore_mem>> -> memref<!tpu.dma_semaphore, #tpu.memory_space<semaphore_mem>>
      tpu.enqueue_indirect_dma source(%dma_start3A_181 : memref<10000x128xf32, #tpu.memory_space<hbm>>) target(%dma_start3A_177 : memref<80x128xf32, #tpu.memory_space<vmem>>) offsets(%dma_start3A_178 : memref<80xi32, #tpu.memory_space<vmem>>) semaphore(%dma_start3A_183 : memref<!tpu.dma_semaphore, #tpu.memory_space<semaphore_mem>>)
      %add3A_184 = arith.constant 1 : i32
      %add3A_185 = arith.addi %add3A_138, %add3A_184 : i32
      %mul3A_186 = arith.constant 10000 : i32
      %mul3A_187 = arith.muli %add3A, %mul3A_186 : i32
      %mul3A_188 = arith.constant 80 : i32
      %mul3A_189 = arith.muli %add3A_185, %mul3A_188 : i32
      %add3A_190 = arith.addi %mul3A_187, %mul3A_189 : i32
      %dma_start3A_191 = arith.constant 0 : i32
      %dma_start3A_192 = arith.constant 0 : i32
      %dma_start3A_193 = arith.constant 0 : i32
      %dma_start3A_194 = tpu.memref_slice %arg8[%dma_start3A_191, %dma_start3A_193] : memref<2x80xi32, #tpu.memory_space<vmem>> -> memref<1x80xi32, #tpu.memory_space<vmem>>
      %dma_start3A_195 = tpu.memref_squeeze %dma_start3A_194 : memref<1x80xi32, #tpu.memory_space<vmem>> -> memref<80xi32, #tpu.memory_space<vmem>>
      %dma_start3A_196 = tpu.memref_slice %arg4[%add3A_190] : memref<320000xi32, #tpu.memory_space<hbm>> -> memref<80xi32, #tpu.memory_space<hbm>>
      %dma_start3A_197 = tpu.memref_slice %arg12[%dma_start3A_192] : memref<2x!tpu.dma_semaphore, #tpu.memory_space<semaphore_mem>> -> memref<1x!tpu.dma_semaphore, #tpu.memory_space<semaphore_mem>>
      %dma_start3A_198 = tpu.memref_squeeze %dma_start3A_197 : memref<1x!tpu.dma_semaphore, #tpu.memory_space<semaphore_mem>> -> memref<!tpu.dma_semaphore, #tpu.memory_space<semaphore_mem>>
      %dma_start3A_199 = arith.constant 0 : i32
      %dma_start3A_200 = tpu.memref_slice %arg8[%dma_start3A_191, %dma_start3A_199] : memref<2x80xi32, #tpu.memory_space<vmem>> -> memref<1x80xi32, #tpu.memory_space<vmem>>
      %dma_start3A_201 = tpu.memref_squeeze %dma_start3A_200 : memref<1x80xi32, #tpu.memory_space<vmem>> -> memref<80xi32, #tpu.memory_space<vmem>>
      %dma_start3A_202 = tpu.memref_slice %arg4[%add3A_190] : memref<320000xi32, #tpu.memory_space<hbm>> -> memref<80xi32, #tpu.memory_space<hbm>>
      tpu.enqueue_dma source(%dma_start3A_202 : memref<80xi32, #tpu.memory_space<hbm>>) target(%dma_start3A_201 : memref<80xi32, #tpu.memory_space<vmem>>) target_semaphore(%dma_start3A_198 : memref<!tpu.dma_semaphore, #tpu.memory_space<semaphore_mem>>)
      %mul3A_203 = arith.constant 10000 : i32
      %mul3A_204 = arith.muli %add3A, %mul3A_203 : i32
      %mul3A_205 = arith.constant 80 : i32
      %mul3A_206 = arith.muli %add3A_138, %mul3A_205 : i32
      %add3A_207 = arith.addi %mul3A_204, %mul3A_206 : i32
      %dma_wait3A_208 = arith.constant 1 : i32
      %dma_wait3A_209 = arith.constant 1 : i32
      %dma_wait3A_210 = arith.constant 0 : i32
      %dma_wait3A_211 = tpu.memref_slice %arg8[%dma_wait3A_208, %dma_wait3A_210] : memref<2x80xi32, #tpu.memory_space<vmem>> -> memref<1x80xi32, #tpu.memory_space<vmem>>
      %dma_wait3A_212 = tpu.memref_squeeze %dma_wait3A_211 : memref<1x80xi32, #tpu.memory_space<vmem>> -> memref<80xi32, #tpu.memory_space<vmem>>
      %dma_wait3A_213 = tpu.memref_slice %arg4[%add3A_207] : memref<320000xi32, #tpu.memory_space<hbm>> -> memref<80xi32, #tpu.memory_space<hbm>>
      %dma_wait3A_214 = tpu.memref_slice %arg12[%dma_wait3A_209] : memref<2x!tpu.dma_semaphore, #tpu.memory_space<semaphore_mem>> -> memref<1x!tpu.dma_semaphore, #tpu.memory_space<semaphore_mem>>
      %dma_wait3A_215 = tpu.memref_squeeze %dma_wait3A_214 : memref<1x!tpu.dma_semaphore, #tpu.memory_space<semaphore_mem>> -> memref<!tpu.dma_semaphore, #tpu.memory_space<semaphore_mem>>
      %dma_wait3A_216 = arith.constant 0 : i32
      %dma_wait3A_217 = tpu.memref_slice %arg8[%dma_wait3A_208, %dma_wait3A_216] : memref<2x80xi32, #tpu.memory_space<vmem>> -> memref<1x80xi32, #tpu.memory_space<vmem>>
      %dma_wait3A_218 = tpu.memref_squeeze %dma_wait3A_217 : memref<1x80xi32, #tpu.memory_space<vmem>> -> memref<80xi32, #tpu.memory_space<vmem>>
      %dma_wait3A_219 = tpu.memref_slice %arg4[%add3A_207] : memref<320000xi32, #tpu.memory_space<hbm>> -> memref<80xi32, #tpu.memory_space<hbm>>
      tpu.wait_dma2 semaphore(%dma_wait3A_215 : memref<!tpu.dma_semaphore, #tpu.memory_space<semaphore_mem>>) src(%dma_wait3A_219 : memref<80xi32, #tpu.memory_space<hbm>>) dst(%dma_wait3A_218 : memref<80xi32, #tpu.memory_space<vmem>>)
      %dma_start3A_220 = arith.constant 1 : i32
      %dma_start3A_221 = arith.constant 1 : i32
      %dma_start3A_222 = arith.constant 1 : i32
      %dma_start3A_223 = arith.constant 0 : i32
      %dma_start3A_224 = arith.constant 0 : i32
      %dma_start3A_225 = tpu.memref_slice %arg9[%dma_start3A_220, %dma_start3A_223, %dma_start3A_224] : memref<2x80x128xf32, #tpu.memory_space<vmem>> -> memref<1x80x128xf32, #tpu.memory_space<vmem>>
      %dma_start3A_226 = tpu.memref_squeeze %dma_start3A_225 : memref<1x80x128xf32, #tpu.memory_space<vmem>> -> memref<80x128xf32, #tpu.memory_space<vmem>>
      %dma_start3A_227 = arith.constant 0 : i32
      %dma_start3A_228 = tpu.memref_slice %arg8[%dma_start3A_221, %dma_start3A_227] : memref<2x80xi32, #tpu.memory_space<vmem>> -> memref<1x80xi32, #tpu.memory_space<vmem>>
      %dma_start3A_229 = tpu.memref_squeeze %dma_start3A_228 : memref<1x80xi32, #tpu.memory_space<vmem>> -> memref<80xi32, #tpu.memory_space<vmem>>
      %dma_start3A_230 = arith.constant 0 : i32
      %dma_start3A_231 = arith.constant 0 : i32
      %dma_start3A_232 = tpu.memref_slice %arg10[%dma_start3A_230, %dma_start3A_231] : memref<10000x128xf32, #tpu.memory_space<vmem_shared>> -> memref<10000x128xf32, #tpu.memory_space<vmem_shared>>
      %dma_start3A_233 = tpu.memref_slice %arg13[%dma_start3A_222] : memref<2x!tpu.dma_semaphore, #tpu.memory_space<semaphore_mem>> -> memref<1x!tpu.dma_semaphore, #tpu.memory_space<semaphore_mem>>
      %dma_start3A_234 = tpu.memref_squeeze %dma_start3A_233 : memref<1x!tpu.dma_semaphore, #tpu.memory_space<semaphore_mem>> -> memref<!tpu.dma_semaphore, #tpu.memory_space<semaphore_mem>>
      tpu.enqueue_indirect_dma source(%dma_start3A_226 : memref<80x128xf32, #tpu.memory_space<vmem>>) target(%dma_start3A_232 : memref<10000x128xf32, #tpu.memory_space<vmem_shared>>) offsets(%dma_start3A_229 : memref<80xi32, #tpu.memory_space<vmem>>) semaphore(%dma_start3A_234 : memref<!tpu.dma_semaphore, #tpu.memory_space<semaphore_mem>>) {add = true}
    }
    %scan3A_41 = arith.constant 62 : i32
    %dma_wait3A = arith.constant 0 : i32
    %dma_wait3A_42 = arith.constant 0 : i32
    %dma_wait3A_43 = arith.constant 0 : i32
    %dma_wait3A_44 = arith.constant 0 : i32
    %dma_wait3A_45 = tpu.memref_slice %arg9[%dma_wait3A, %dma_wait3A_43, %dma_wait3A_44] : memref<2x80x128xf32, #tpu.memory_space<vmem>> -> memref<1x80x128xf32, #tpu.memory_space<vmem>>
    %dma_wait3A_46 = tpu.memref_squeeze %dma_wait3A_45 : memref<1x80x128xf32, #tpu.memory_space<vmem>> -> memref<80x128xf32, #tpu.memory_space<vmem>>
    %dma_wait3A_47 = arith.constant 9920 : i32
    %dma_wait3A_48 = tpu.memref_slice %arg7[%dma_wait3A_47] : memref<10000xi32, #tpu.memory_space<vmem>> -> memref<80xi32, #tpu.memory_space<vmem>>
    %dma_wait3A_49 = arith.constant 0 : i32
    %dma_wait3A_50 = arith.constant 0 : i32
    %dma_wait3A_51 = tpu.memref_slice %arg2[%dma_wait3A_49, %dma_wait3A_50] : memref<10000x128xf32, #tpu.memory_space<hbm>> -> memref<10000x128xf32, #tpu.memory_space<hbm>>
    %dma_wait3A_52 = tpu.memref_slice %arg11[%dma_wait3A_42] : memref<2x!tpu.dma_semaphore, #tpu.memory_space<semaphore_mem>> -> memref<1x!tpu.dma_semaphore, #tpu.memory_space<semaphore_mem>>
    %dma_wait3A_53 = tpu.memref_squeeze %dma_wait3A_52 : memref<1x!tpu.dma_semaphore, #tpu.memory_space<semaphore_mem>> -> memref<!tpu.dma_semaphore, #tpu.memory_space<semaphore_mem>>
    tpu.wait_indirect_dma semaphore(%dma_wait3A_53 : memref<!tpu.dma_semaphore, #tpu.memory_space<semaphore_mem>>) src(%dma_wait3A_51 : memref<10000x128xf32, #tpu.memory_space<hbm>>) dst(%dma_wait3A_46 : memref<80x128xf32, #tpu.memory_space<vmem>>)
    %dma_wait3A_54 = arith.constant 1 : i32
    %dma_wait3A_55 = arith.constant 1 : i32
    %dma_wait3A_56 = arith.constant 1 : i32
    %dma_wait3A_57 = arith.constant 0 : i32
    %dma_wait3A_58 = arith.constant 0 : i32
    %dma_wait3A_59 = tpu.memref_slice %arg9[%dma_wait3A_54, %dma_wait3A_57, %dma_wait3A_58] : memref<2x80x128xf32, #tpu.memory_space<vmem>> -> memref<1x80x128xf32, #tpu.memory_space<vmem>>
    %dma_wait3A_60 = tpu.memref_squeeze %dma_wait3A_59 : memref<1x80x128xf32, #tpu.memory_space<vmem>> -> memref<80x128xf32, #tpu.memory_space<vmem>>
    %dma_wait3A_61 = arith.constant 0 : i32
    %dma_wait3A_62 = tpu.memref_slice %arg8[%dma_wait3A_55, %dma_wait3A_61] : memref<2x80xi32, #tpu.memory_space<vmem>> -> memref<1x80xi32, #tpu.memory_space<vmem>>
    %dma_wait3A_63 = tpu.memref_squeeze %dma_wait3A_62 : memref<1x80xi32, #tpu.memory_space<vmem>> -> memref<80xi32, #tpu.memory_space<vmem>>
    %dma_wait3A_64 = arith.constant 0 : i32
    %dma_wait3A_65 = arith.constant 0 : i32
    %dma_wait3A_66 = tpu.memref_slice %arg10[%dma_wait3A_64, %dma_wait3A_65] : memref<10000x128xf32, #tpu.memory_space<vmem_shared>> -> memref<10000x128xf32, #tpu.memory_space<vmem_shared>>
    %dma_wait3A_67 = tpu.memref_slice %arg13[%dma_wait3A_56] : memref<2x!tpu.dma_semaphore, #tpu.memory_space<semaphore_mem>> -> memref<1x!tpu.dma_semaphore, #tpu.memory_space<semaphore_mem>>
    %dma_wait3A_68 = tpu.memref_squeeze %dma_wait3A_67 : memref<1x!tpu.dma_semaphore, #tpu.memory_space<semaphore_mem>> -> memref<!tpu.dma_semaphore, #tpu.memory_space<semaphore_mem>>
    tpu.wait_indirect_dma semaphore(%dma_wait3A_68 : memref<!tpu.dma_semaphore, #tpu.memory_space<semaphore_mem>>) src(%dma_wait3A_60 : memref<80x128xf32, #tpu.memory_space<vmem>>) dst(%dma_wait3A_66 : memref<10000x128xf32, #tpu.memory_space<vmem_shared>>)
    %mul3A_69 = arith.constant 10000 : i32
    %mul3A_70 = arith.muli %add3A, %mul3A_69 : i32
    %add3A_71 = arith.constant 9920 : i32
    %add3A_72 = arith.addi %mul3A_70, %add3A_71 : i32
    %dma_wait3A_73 = arith.constant 0 : i32
    %dma_wait3A_74 = arith.constant 0 : i32
    %dma_wait3A_75 = arith.constant 0 : i32
    %dma_wait3A_76 = tpu.memref_slice %arg8[%dma_wait3A_73, %dma_wait3A_75] : memref<2x80xi32, #tpu.memory_space<vmem>> -> memref<1x80xi32, #tpu.memory_space<vmem>>
    %dma_wait3A_77 = tpu.memref_squeeze %dma_wait3A_76 : memref<1x80xi32, #tpu.memory_space<vmem>> -> memref<80xi32, #tpu.memory_space<vmem>>
    %dma_wait3A_78 = tpu.memref_slice %arg4[%add3A_72] : memref<320000xi32, #tpu.memory_space<hbm>> -> memref<80xi32, #tpu.memory_space<hbm>>
    %dma_wait3A_79 = tpu.memref_slice %arg12[%dma_wait3A_74] : memref<2x!tpu.dma_semaphore, #tpu.memory_space<semaphore_mem>> -> memref<1x!tpu.dma_semaphore, #tpu.memory_space<semaphore_mem>>
    %dma_wait3A_80 = tpu.memref_squeeze %dma_wait3A_79 : memref<1x!tpu.dma_semaphore, #tpu.memory_space<semaphore_mem>> -> memref<!tpu.dma_semaphore, #tpu.memory_space<semaphore_mem>>
    %dma_wait3A_81 = arith.constant 0 : i32
    %dma_wait3A_82 = tpu.memref_slice %arg8[%dma_wait3A_73, %dma_wait3A_81] : memref<2x80xi32, #tpu.memory_space<vmem>> -> memref<1x80xi32, #tpu.memory_space<vmem>>
    %dma_wait3A_83 = tpu.memref_squeeze %dma_wait3A_82 : memref<1x80xi32, #tpu.memory_space<vmem>> -> memref<80xi32, #tpu.memory_space<vmem>>
    %dma_wait3A_84 = tpu.memref_slice %arg4[%add3A_72] : memref<320000xi32, #tpu.memory_space<hbm>> -> memref<80xi32, #tpu.memory_space<hbm>>
    tpu.wait_dma2 semaphore(%dma_wait3A_80 : memref<!tpu.dma_semaphore, #tpu.memory_space<semaphore_mem>>) src(%dma_wait3A_84 : memref<80xi32, #tpu.memory_space<hbm>>) dst(%dma_wait3A_83 : memref<80xi32, #tpu.memory_space<vmem>>)
    %dma_start3A_85 = arith.constant 0 : i32
    %dma_start3A_86 = arith.constant 0 : i32
    %dma_start3A_87 = arith.constant 0 : i32
    %dma_start3A_88 = arith.constant 0 : i32
    %dma_start3A_89 = arith.constant 0 : i32
    %dma_start3A_90 = tpu.memref_slice %arg9[%dma_start3A_85, %dma_start3A_88, %dma_start3A_89] : memref<2x80x128xf32, #tpu.memory_space<vmem>> -> memref<1x80x128xf32, #tpu.memory_space<vmem>>
    %dma_start3A_91 = tpu.memref_squeeze %dma_start3A_90 : memref<1x80x128xf32, #tpu.memory_space<vmem>> -> memref<80x128xf32, #tpu.memory_space<vmem>>
    %dma_start3A_92 = arith.constant 0 : i32
    %dma_start3A_93 = tpu.memref_slice %arg8[%dma_start3A_86, %dma_start3A_92] : memref<2x80xi32, #tpu.memory_space<vmem>> -> memref<1x80xi32, #tpu.memory_space<vmem>>
    %dma_start3A_94 = tpu.memref_squeeze %dma_start3A_93 : memref<1x80xi32, #tpu.memory_space<vmem>> -> memref<80xi32, #tpu.memory_space<vmem>>
    %dma_start3A_95 = arith.constant 0 : i32
    %dma_start3A_96 = arith.constant 0 : i32
    %dma_start3A_97 = tpu.memref_slice %arg10[%dma_start3A_95, %dma_start3A_96] : memref<10000x128xf32, #tpu.memory_space<vmem_shared>> -> memref<10000x128xf32, #tpu.memory_space<vmem_shared>>
    %dma_start3A_98 = tpu.memref_slice %arg13[%dma_start3A_87] : memref<2x!tpu.dma_semaphore, #tpu.memory_space<semaphore_mem>> -> memref<1x!tpu.dma_semaphore, #tpu.memory_space<semaphore_mem>>
    %dma_start3A_99 = tpu.memref_squeeze %dma_start3A_98 : memref<1x!tpu.dma_semaphore, #tpu.memory_space<semaphore_mem>> -> memref<!tpu.dma_semaphore, #tpu.memory_space<semaphore_mem>>
    tpu.enqueue_indirect_dma source(%dma_start3A_91 : memref<80x128xf32, #tpu.memory_space<vmem>>) target(%dma_start3A_97 : memref<10000x128xf32, #tpu.memory_space<vmem_shared>>) offsets(%dma_start3A_94 : memref<80xi32, #tpu.memory_space<vmem>>) semaphore(%dma_start3A_99 : memref<!tpu.dma_semaphore, #tpu.memory_space<semaphore_mem>>) {add = true}
    %dma_wait3A_100 = arith.constant 0 : i32
    %dma_wait3A_101 = arith.constant 0 : i32
    %dma_wait3A_102 = arith.constant 0 : i32
    %dma_wait3A_103 = arith.constant 0 : i32
    %dma_wait3A_104 = arith.constant 0 : i32
    %dma_wait3A_105 = tpu.memref_slice %arg9[%dma_wait3A_100, %dma_wait3A_103, %dma_wait3A_104] : memref<2x80x128xf32, #tpu.memory_space<vmem>> -> memref<1x80x128xf32, #tpu.memory_space<vmem>>
    %dma_wait3A_106 = tpu.memref_squeeze %dma_wait3A_105 : memref<1x80x128xf32, #tpu.memory_space<vmem>> -> memref<80x128xf32, #tpu.memory_space<vmem>>
    %dma_wait3A_107 = arith.constant 0 : i32
    %dma_wait3A_108 = tpu.memref_slice %arg8[%dma_wait3A_101, %dma_wait3A_107] : memref<2x80xi32, #tpu.memory_space<vmem>> -> memref<1x80xi32, #tpu.memory_space<vmem>>
    %dma_wait3A_109 = tpu.memref_squeeze %dma_wait3A_108 : memref<1x80xi32, #tpu.memory_space<vmem>> -> memref<80xi32, #tpu.memory_space<vmem>>
    %dma_wait3A_110 = arith.constant 0 : i32
    %dma_wait3A_111 = arith.constant 0 : i32
    %dma_wait3A_112 = tpu.memref_slice %arg10[%dma_wait3A_110, %dma_wait3A_111] : memref<10000x128xf32, #tpu.memory_space<vmem_shared>> -> memref<10000x128xf32, #tpu.memory_space<vmem_shared>>
    %dma_wait3A_113 = tpu.memref_slice %arg13[%dma_wait3A_102] : memref<2x!tpu.dma_semaphore, #tpu.memory_space<semaphore_mem>> -> memref<1x!tpu.dma_semaphore, #tpu.memory_space<semaphore_mem>>
    %dma_wait3A_114 = tpu.memref_squeeze %dma_wait3A_113 : memref<1x!tpu.dma_semaphore, #tpu.memory_space<semaphore_mem>> -> memref<!tpu.dma_semaphore, #tpu.memory_space<semaphore_mem>>
    tpu.wait_indirect_dma semaphore(%dma_wait3A_114 : memref<!tpu.dma_semaphore, #tpu.memory_space<semaphore_mem>>) src(%dma_wait3A_106 : memref<80x128xf32, #tpu.memory_space<vmem>>) dst(%dma_wait3A_112 : memref<10000x128xf32, #tpu.memory_space<vmem_shared>>)
    %barrier3A_115 = arith.constant 0 : index
    tpu.barrier barrier_id(%barrier3A_115)
    %mul3A_116 = arith.constant 624 : i32
    %mul3A_117 = arith.muli %arg1, %mul3A_116 : i32
    %mul3A_118 = arith.constant 624 : i32
    %mul3A_119 = arith.muli %arg1, %mul3A_118 : i32
    "tpu.region"() ({
      %run_scoped3A = tpu.sem_alloc : memref<!tpu.dma_semaphore, #tpu.memory_space<semaphore_mem>>
      %dma_start3A_125 = arith.constant 0 : i32
      %dma_start3A_126 = tpu.memref_slice %arg6[%arg0, %mul3A_119, %dma_start3A_125] : memref<2x10000x128xf32, #tpu.memory_space<hbm>> -> memref<1x624x128xf32, #tpu.memory_space<hbm>>
      %dma_start3A_127 = tpu.memref_squeeze %dma_start3A_126 : memref<1x624x128xf32, #tpu.memory_space<hbm>> -> memref<624x128xf32, #tpu.memory_space<hbm>>
      %dma_start3A_128 = arith.constant 0 : i32
      %dma_start3A_129 = tpu.memref_slice %arg10[%mul3A_117, %dma_start3A_128] : memref<10000x128xf32, #tpu.memory_space<vmem_shared>> -> memref<624x128xf32, #tpu.memory_space<vmem_shared>>
      tpu.enqueue_dma source(%dma_start3A_129 : memref<624x128xf32, #tpu.memory_space<vmem_shared>>) target(%dma_start3A_127 : memref<624x128xf32, #tpu.memory_space<hbm>>) target_semaphore(%run_scoped3A : memref<!tpu.dma_semaphore, #tpu.memory_space<semaphore_mem>>)
      %dma_wait3A_130 = arith.constant 0 : i32
      %dma_wait3A_131 = tpu.memref_slice %arg6[%arg0, %mul3A_119, %dma_wait3A_130] : memref<2x10000x128xf32, #tpu.memory_space<hbm>> -> memref<1x624x128xf32, #tpu.memory_space<hbm>>
      %dma_wait3A_132 = tpu.memref_squeeze %dma_wait3A_131 : memref<1x624x128xf32, #tpu.memory_space<hbm>> -> memref<624x128xf32, #tpu.memory_space<hbm>>
      %dma_wait3A_133 = arith.constant 0 : i32
      %dma_wait3A_134 = tpu.memref_slice %arg10[%mul3A_117, %dma_wait3A_133] : memref<10000x128xf32, #tpu.memory_space<vmem_shared>> -> memref<624x128xf32, #tpu.memory_space<vmem_shared>>
      tpu.wait_dma2 semaphore(%run_scoped3A : memref<!tpu.dma_semaphore, #tpu.memory_space<semaphore_mem>>) src(%dma_wait3A_134 : memref<624x128xf32, #tpu.memory_space<vmem_shared>>) dst(%dma_wait3A_132 : memref<624x128xf32, #tpu.memory_space<hbm>>)
      tpu.yield
    }) : () -> ()
    %eq3A_120 = arith.constant 15 : i32
    %eq3A_121 = arith.cmpi eq, %arg1, %eq3A_120 : i32
    %convert_element_type3A_122 = arith.extui %eq3A_121 : i1 to i32
    %cond3A_123 = arith.constant 0 : i32
    %cond3A_124 = arith.cmpi ne, %convert_element_type3A_122, %cond3A_123 : i32
    scf.if %cond3A_124 {
      "tpu.region"() ({
        %run_scoped3A = tpu.sem_alloc : memref<!tpu.dma_semaphore, #tpu.memory_space<semaphore_mem>>
        %dma_start3A_125 = arith.constant 9984 : i32
        %dma_start3A_126 = arith.constant 0 : i32
        %dma_start3A_127 = tpu.memref_slice %arg6[%arg0, %dma_start3A_125, %dma_start3A_126] : memref<2x10000x128xf32, #tpu.memory_space<hbm>> -> memref<1x16x128xf32, #tpu.memory_space<hbm>>
        %dma_start3A_128 = tpu.memref_squeeze %dma_start3A_127 : memref<1x16x128xf32, #tpu.memory_space<hbm>> -> memref<16x128xf32, #tpu.memory_space<hbm>>
        %dma_start3A_129 = arith.constant 9984 : i32
        %dma_start3A_130 = arith.constant 0 : i32
        %dma_start3A_131 = tpu.memref_slice %arg10[%dma_start3A_129, %dma_start3A_130] : memref<10000x128xf32, #tpu.memory_space<vmem_shared>> -> memref<16x128xf32, #tpu.memory_space<vmem_shared>>
        tpu.enqueue_dma source(%dma_start3A_131 : memref<16x128xf32, #tpu.memory_space<vmem_shared>>) target(%dma_start3A_128 : memref<16x128xf32, #tpu.memory_space<hbm>>) target_semaphore(%run_scoped3A : memref<!tpu.dma_semaphore, #tpu.memory_space<semaphore_mem>>)
        %dma_wait3A_132 = arith.constant 9984 : i32
        %dma_wait3A_133 = arith.constant 0 : i32
        %dma_wait3A_134 = tpu.memref_slice %arg6[%arg0, %dma_wait3A_132, %dma_wait3A_133] : memref<2x10000x128xf32, #tpu.memory_space<hbm>> -> memref<1x16x128xf32, #tpu.memory_space<hbm>>
        %dma_wait3A_135 = tpu.memref_squeeze %dma_wait3A_134 : memref<1x16x128xf32, #tpu.memory_space<hbm>> -> memref<16x128xf32, #tpu.memory_space<hbm>>
        %dma_wait3A_136 = arith.constant 9984 : i32
        %dma_wait3A_137 = arith.constant 0 : i32
        %dma_wait3A_138 = tpu.memref_slice %arg10[%dma_wait3A_136, %dma_wait3A_137] : memref<10000x128xf32, #tpu.memory_space<vmem_shared>> -> memref<16x128xf32, #tpu.memory_space<vmem_shared>>
        tpu.wait_dma2 semaphore(%run_scoped3A : memref<!tpu.dma_semaphore, #tpu.memory_space<semaphore_mem>>) src(%dma_wait3A_138 : memref<16x128xf32, #tpu.memory_space<vmem_shared>>) dst(%dma_wait3A_135 : memref<16x128xf32, #tpu.memory_space<hbm>>)
        tpu.yield
      }) : () -> ()
    } else {
    }
    return
  }
}

module attributes {stable_mosaic.version = 14 : i64} {
  func.func @_front_body(%arg0: memref<10000x128xf32, #tpu.memory_space<vmem>>, %arg1: memref<128x128xf32, #tpu.memory_space<vmem>>, %arg2: memref<1x128xf32, #tpu.memory_space<vmem>>, %arg3: memref<1x128xf32, #tpu.memory_space<vmem>>, %arg4: memref<1x128xf32, #tpu.memory_space<vmem>>, %arg5: memref<128x128xf32, #tpu.memory_space<vmem>>, %arg6: memref<1x128xf32, #tpu.memory_space<vmem>>, %arg7: memref<1x128xf32, #tpu.memory_space<vmem>>, %arg8: memref<1x128xf32, #tpu.memory_space<vmem>>, %arg9: memref<128x128xf32, #tpu.memory_space<vmem>>, %arg10: memref<10000x1xf32, #tpu.memory_space<vmem>>, %arg11: memref<10000x1xf32, #tpu.memory_space<vmem>>, %arg12: memref<10000x128xf32, #tpu.memory_space<vmem>>) attributes {dimension_semantics = [], scalar_prefetch = 0 : i64, scratch_operands = 0 : i64, tpu.core_type = #tpu.core_type<tc>} {
    %get3A = arith.constant 0 : index
    %get3A_0 = arith.constant 0 : index
    %get3A_1 = vector.load %arg0[%get3A, %get3A_0] : memref<10000x128xf32, #tpu.memory_space<vmem>>, vector<10000x128xf32>
    %get3A_2 = arith.constant 0 : index
    %get3A_3 = arith.constant 0 : index
    %get3A_4 = vector.load %arg1[%get3A_2, %get3A_3] : memref<128x128xf32, #tpu.memory_space<vmem>>, vector<128x128xf32>
    %dot_general3A = arith.constant dense<0.000000e+00> : vector<10000x128xf32>
    %dot_general3A_5 = tpu.matmul %get3A_1, %get3A_4, %dot_general3A {dimension_numbers = #tpu.dot_dimension_numbers<[1], [0], [0], [1], [0, 0, 1, 1], [], []>, transpose_lhs_hint = false} : vector<10000x128xf32>, vector<128x128xf32>, vector<10000x128xf32> -> vector<10000x128xf32>
    %get3A_6 = arith.constant 0 : index
    %get3A_7 = arith.constant 0 : index
    %get3A_8 = vector.load %arg2[%get3A_6, %get3A_7] : memref<1x128xf32, #tpu.memory_space<vmem>>, vector<1x128xf32>
    %add3A = vector.broadcast %get3A_8 : vector<1x128xf32> to vector<10000x128xf32>
    %add3A_9 = arith.addf %dot_general3A_5, %add3A : vector<10000x128xf32>
    %get3A_10 = arith.constant 0 : index
    %get3A_11 = arith.constant 0 : index
    %get3A_12 = vector.load %arg3[%get3A_10, %get3A_11] : memref<1x128xf32, #tpu.memory_space<vmem>>, vector<1x128xf32>
    %get3A_13 = arith.constant 0 : index
    %get3A_14 = arith.constant 0 : index
    %get3A_15 = vector.load %arg4[%get3A_13, %get3A_14] : memref<1x128xf32, #tpu.memory_space<vmem>>, vector<1x128xf32>
    %reduce_sum3A = arith.constant dense<0.000000e+00> : vector<128xf32>
    %reduce_sum3A_16 = vector.multi_reduction <add>, %add3A_9, %reduce_sum3A [0] : vector<10000x128xf32> to vector<128xf32>
    %broadcast_in_dim3A = vector.shape_cast %reduce_sum3A_16 : vector<128xf32> to vector<1x128xf32>
    %div3A = arith.constant 1.000000e+04 : f32
    %div3A_17 = vector.broadcast %div3A : f32 to vector<1x128xf32>
    %div3A_18 = arith.divf %broadcast_in_dim3A, %div3A_17 : vector<1x128xf32>
    %sub3A = vector.broadcast %div3A_18 : vector<1x128xf32> to vector<10000x128xf32>
    %sub3A_19 = arith.subf %add3A_9, %sub3A : vector<10000x128xf32>
    %integer_pow3A = arith.mulf %sub3A_19, %sub3A_19 : vector<10000x128xf32>
    %reduce_sum3A_20 = arith.constant dense<0.000000e+00> : vector<128xf32>
    %reduce_sum3A_21 = vector.multi_reduction <add>, %integer_pow3A, %reduce_sum3A_20 [0] : vector<10000x128xf32> to vector<128xf32>
    %broadcast_in_dim3A_22 = vector.shape_cast %reduce_sum3A_21 : vector<128xf32> to vector<1x128xf32>
    %div3A_23 = arith.constant 1.000000e+04 : f32
    %div3A_24 = vector.broadcast %div3A_23 : f32 to vector<1x128xf32>
    %div3A_25 = arith.divf %broadcast_in_dim3A_22, %div3A_24 : vector<1x128xf32>
    %sub3A_26 = vector.broadcast %div3A_18 : vector<1x128xf32> to vector<10000x128xf32>
    %sub3A_27 = arith.subf %add3A_9, %sub3A_26 : vector<10000x128xf32>
    %mul3A = vector.broadcast %get3A_12 : vector<1x128xf32> to vector<10000x128xf32>
    %mul3A_28 = arith.mulf %mul3A, %sub3A_27 : vector<10000x128xf32>
    %add3A_29 = arith.constant 9.99999974E-6 : f32
    %add3A_30 = vector.broadcast %add3A_29 : f32 to vector<1x128xf32>
    %add3A_31 = arith.addf %div3A_25, %add3A_30 : vector<1x128xf32>
    %sqrt3A = math.sqrt %add3A_31 : vector<1x128xf32>
    %div3A_32 = vector.broadcast %sqrt3A : vector<1x128xf32> to vector<10000x128xf32>
    %div3A_33 = arith.divf %mul3A_28, %div3A_32 : vector<10000x128xf32>
    %add3A_34 = vector.broadcast %get3A_15 : vector<1x128xf32> to vector<10000x128xf32>
    %add3A_35 = arith.addf %div3A_33, %add3A_34 : vector<10000x128xf32>
    %max3A = arith.constant 0.000000e+00 : f32
    %max3A_36 = vector.broadcast %max3A : f32 to vector<10000x128xf32>
    %max3A_37 = arith.maximumf %add3A_35, %max3A_36 : vector<10000x128xf32>
    %get3A_38 = arith.constant 0 : index
    %get3A_39 = arith.constant 0 : index
    %get3A_40 = vector.load %arg5[%get3A_38, %get3A_39] : memref<128x128xf32, #tpu.memory_space<vmem>>, vector<128x128xf32>
    %dot_general3A_41 = arith.constant dense<0.000000e+00> : vector<10000x128xf32>
    %dot_general3A_42 = tpu.matmul %max3A_37, %get3A_40, %dot_general3A_41 {dimension_numbers = #tpu.dot_dimension_numbers<[1], [0], [0], [1], [0, 0, 1, 1], [], []>, transpose_lhs_hint = false} : vector<10000x128xf32>, vector<128x128xf32>, vector<10000x128xf32> -> vector<10000x128xf32>
    %get3A_43 = arith.constant 0 : index
    %get3A_44 = arith.constant 0 : index
    %get3A_45 = vector.load %arg6[%get3A_43, %get3A_44] : memref<1x128xf32, #tpu.memory_space<vmem>>, vector<1x128xf32>
    %add3A_46 = vector.broadcast %get3A_45 : vector<1x128xf32> to vector<10000x128xf32>
    %add3A_47 = arith.addf %dot_general3A_42, %add3A_46 : vector<10000x128xf32>
    %get3A_48 = arith.constant 0 : index
    %get3A_49 = arith.constant 0 : index
    %get3A_50 = vector.load %arg7[%get3A_48, %get3A_49] : memref<1x128xf32, #tpu.memory_space<vmem>>, vector<1x128xf32>
    %get3A_51 = arith.constant 0 : index
    %get3A_52 = arith.constant 0 : index
    %get3A_53 = vector.load %arg8[%get3A_51, %get3A_52] : memref<1x128xf32, #tpu.memory_space<vmem>>, vector<1x128xf32>
    %reduce_sum3A_54 = arith.constant dense<0.000000e+00> : vector<128xf32>
    %reduce_sum3A_55 = vector.multi_reduction <add>, %add3A_47, %reduce_sum3A_54 [0] : vector<10000x128xf32> to vector<128xf32>
    %broadcast_in_dim3A_56 = vector.shape_cast %reduce_sum3A_55 : vector<128xf32> to vector<1x128xf32>
    %div3A_57 = arith.constant 1.000000e+04 : f32
    %div3A_58 = vector.broadcast %div3A_57 : f32 to vector<1x128xf32>
    %div3A_59 = arith.divf %broadcast_in_dim3A_56, %div3A_58 : vector<1x128xf32>
    %sub3A_60 = vector.broadcast %div3A_59 : vector<1x128xf32> to vector<10000x128xf32>
    %sub3A_61 = arith.subf %add3A_47, %sub3A_60 : vector<10000x128xf32>
    %integer_pow3A_62 = arith.mulf %sub3A_61, %sub3A_61 : vector<10000x128xf32>
    %reduce_sum3A_63 = arith.constant dense<0.000000e+00> : vector<128xf32>
    %reduce_sum3A_64 = vector.multi_reduction <add>, %integer_pow3A_62, %reduce_sum3A_63 [0] : vector<10000x128xf32> to vector<128xf32>
    %broadcast_in_dim3A_65 = vector.shape_cast %reduce_sum3A_64 : vector<128xf32> to vector<1x128xf32>
    %div3A_66 = arith.constant 1.000000e+04 : f32
    %div3A_67 = vector.broadcast %div3A_66 : f32 to vector<1x128xf32>
    %div3A_68 = arith.divf %broadcast_in_dim3A_65, %div3A_67 : vector<1x128xf32>
    %sub3A_69 = vector.broadcast %div3A_59 : vector<1x128xf32> to vector<10000x128xf32>
    %sub3A_70 = arith.subf %add3A_47, %sub3A_69 : vector<10000x128xf32>
    %mul3A_71 = vector.broadcast %get3A_50 : vector<1x128xf32> to vector<10000x128xf32>
    %mul3A_72 = arith.mulf %mul3A_71, %sub3A_70 : vector<10000x128xf32>
    %add3A_73 = arith.constant 9.99999974E-6 : f32
    %add3A_74 = vector.broadcast %add3A_73 : f32 to vector<1x128xf32>
    %add3A_75 = arith.addf %div3A_68, %add3A_74 : vector<1x128xf32>
    %sqrt3A_76 = math.sqrt %add3A_75 : vector<1x128xf32>
    %div3A_77 = vector.broadcast %sqrt3A_76 : vector<1x128xf32> to vector<10000x128xf32>
    %div3A_78 = arith.divf %mul3A_72, %div3A_77 : vector<10000x128xf32>
    %add3A_79 = vector.broadcast %get3A_53 : vector<1x128xf32> to vector<10000x128xf32>
    %add3A_80 = arith.addf %div3A_78, %add3A_79 : vector<10000x128xf32>
    %max3A_81 = arith.constant 0.000000e+00 : f32
    %max3A_82 = vector.broadcast %max3A_81 : f32 to vector<10000x128xf32>
    %max3A_83 = arith.maximumf %add3A_80, %max3A_82 : vector<10000x128xf32>
    %get3A_84 = arith.constant 0 : index
    %get3A_85 = arith.constant 0 : index
    %get3A_86 = vector.load %arg9[%get3A_84, %get3A_85] : memref<128x128xf32, #tpu.memory_space<vmem>>, vector<128x128xf32>
    %dot_general3A_87 = arith.constant dense<0.000000e+00> : vector<10000x128xf32>
    %dot_general3A_88 = tpu.matmul %max3A_83, %get3A_86, %dot_general3A_87 {dimension_numbers = #tpu.dot_dimension_numbers<[1], [0], [0], [1], [0, 0, 1, 1], [], []>, transpose_lhs_hint = false} : vector<10000x128xf32>, vector<128x128xf32>, vector<10000x128xf32> -> vector<10000x128xf32>
    %get3A_89 = arith.constant 0 : index
    %get3A_90 = arith.constant 0 : index
    %get3A_91 = vector.load %arg10[%get3A_89, %get3A_90] : memref<10000x1xf32, #tpu.memory_space<vmem>>, vector<10000x1xf32>
    %get3A_92 = arith.constant 0 : index
    %get3A_93 = arith.constant 0 : index
    %get3A_94 = vector.load %arg11[%get3A_92, %get3A_93] : memref<10000x1xf32, #tpu.memory_space<vmem>>, vector<10000x1xf32>
    %add3A_95 = arith.addf %get3A_91, %get3A_94 : vector<10000x1xf32>
    %add3A_96 = arith.constant 1.000000e+00 : f32
    %add3A_97 = vector.broadcast %add3A_96 : f32 to vector<10000x1xf32>
    %add3A_98 = arith.addf %add3A_95, %add3A_97 : vector<10000x1xf32>
    %rsqrt3A = math.rsqrt %add3A_98 : vector<10000x1xf32>
    %mul3A_99 = vector.broadcast %rsqrt3A : vector<10000x1xf32> to vector<10000x128xf32>
    %mul3A_100 = arith.mulf %dot_general3A_88, %mul3A_99 : vector<10000x128xf32>
    %swap3A = arith.constant 0 : index
    %swap3A_101 = arith.constant 0 : index
    %swap3A_102 = vector.load %arg12[%swap3A, %swap3A_101] : memref<10000x128xf32, #tpu.memory_space<vmem>>, vector<10000x128xf32>
    tpu.vector_store %arg12[%swap3A, %swap3A_101], %mul3A_100 {strides = array<i32>} : memref<10000x128xf32, #tpu.memory_space<vmem>>, vector<10000x128xf32>,
    return
  }
}

module attributes {stable_mosaic.version = 14 : i64} {
  func.func @_mid_body(%arg0: memref<2x10000x128xf32, #tpu.memory_space<vmem>>, %arg1: memref<10000x128xf32, #tpu.memory_space<vmem>>, %arg2: memref<10000x1xf32, #tpu.memory_space<vmem>>, %arg3: memref<10000x1xf32, #tpu.memory_space<vmem>>, %arg4: memref<1x128xf32, #tpu.memory_space<vmem>>, %arg5: memref<128x128xf32, #tpu.memory_space<vmem>>, %arg6: memref<10000x128xf32, #tpu.memory_space<vmem>>) attributes {dimension_semantics = [], scalar_prefetch = 0 : i64, scratch_operands = 0 : i64, tpu.core_type = #tpu.core_type<tc>} {
    %get3A = arith.constant 0 : index
    %get3A_0 = arith.constant 0 : index
    %get3A_1 = vector.load %arg2[%get3A, %get3A_0] : memref<10000x1xf32, #tpu.memory_space<vmem>>, vector<10000x1xf32>
    %get3A_2 = arith.constant 0 : index
    %get3A_3 = arith.constant 0 : index
    %get3A_4 = vector.load %arg3[%get3A_2, %get3A_3] : memref<10000x1xf32, #tpu.memory_space<vmem>>, vector<10000x1xf32>
    %add3A = arith.addf %get3A_1, %get3A_4 : vector<10000x1xf32>
    %add3A_5 = arith.constant 1.000000e+00 : f32
    %add3A_6 = vector.broadcast %add3A_5 : f32 to vector<10000x1xf32>
    %add3A_7 = arith.addf %add3A, %add3A_6 : vector<10000x1xf32>
    %rsqrt3A = math.rsqrt %add3A_7 : vector<10000x1xf32>
    %get3A_8 = arith.constant 0 : index
    %get3A_9 = arith.constant 0 : index
    %get3A_10 = arith.constant 0 : index
    %get3A_11 = vector.load %arg0[%get3A_8, %get3A_9, %get3A_10] : memref<2x10000x128xf32, #tpu.memory_space<vmem>>, vector<2x10000x128xf32>
    %slice3A = vector.extract_strided_slice %get3A_11 {offsets = [0, 0, 0], sizes = [1, 10000, 128], strides = [1, 1, 1]} : vector<2x10000x128xf32> to vector<1x10000x128xf32>
    %squeeze3A = vector.shape_cast %slice3A : vector<1x10000x128xf32> to vector<10000x128xf32>
    %slice3A_12 = vector.extract_strided_slice %get3A_11 {offsets = [1, 0, 0], sizes = [1, 10000, 128], strides = [1, 1, 1]} : vector<2x10000x128xf32> to vector<1x10000x128xf32>
    %squeeze3A_13 = vector.shape_cast %slice3A_12 : vector<1x10000x128xf32> to vector<10000x128xf32>
    %add3A_14 = arith.addf %squeeze3A, %squeeze3A_13 : vector<10000x128xf32>
    %get3A_15 = arith.constant 0 : index
    %get3A_16 = arith.constant 0 : index
    %get3A_17 = vector.load %arg1[%get3A_15, %get3A_16] : memref<10000x128xf32, #tpu.memory_space<vmem>>, vector<10000x128xf32>
    %add3A_18 = arith.addf %add3A_14, %get3A_17 : vector<10000x128xf32>
    %mul3A = vector.broadcast %rsqrt3A : vector<10000x1xf32> to vector<10000x128xf32>
    %mul3A_19 = arith.mulf %mul3A, %add3A_18 : vector<10000x128xf32>
    %get3A_20 = arith.constant 0 : index
    %get3A_21 = arith.constant 0 : index
    %get3A_22 = vector.load %arg4[%get3A_20, %get3A_21] : memref<1x128xf32, #tpu.memory_space<vmem>>, vector<1x128xf32>
    %add3A_23 = vector.broadcast %get3A_22 : vector<1x128xf32> to vector<10000x128xf32>
    %add3A_24 = arith.addf %mul3A_19, %add3A_23 : vector<10000x128xf32>
    %max3A = arith.constant 0.000000e+00 : f32
    %max3A_25 = vector.broadcast %max3A : f32 to vector<10000x128xf32>
    %max3A_26 = arith.maximumf %add3A_24, %max3A_25 : vector<10000x128xf32>
    %get3A_27 = arith.constant 0 : index
    %get3A_28 = arith.constant 0 : index
    %get3A_29 = vector.load %arg5[%get3A_27, %get3A_28] : memref<128x128xf32, #tpu.memory_space<vmem>>, vector<128x128xf32>
    %dot_general3A = arith.constant dense<0.000000e+00> : vector<10000x128xf32>
    %dot_general3A_30 = tpu.matmul %max3A_26, %get3A_29, %dot_general3A {dimension_numbers = #tpu.dot_dimension_numbers<[1], [0], [0], [1], [0, 0, 1, 1], [], []>, transpose_lhs_hint = false} : vector<10000x128xf32>, vector<128x128xf32>, vector<10000x128xf32> -> vector<10000x128xf32>
    %mul3A_31 = vector.broadcast %rsqrt3A : vector<10000x1xf32> to vector<10000x128xf32>
    %mul3A_32 = arith.mulf %dot_general3A_30, %mul3A_31 : vector<10000x128xf32>
    %swap3A = arith.constant 0 : index
    %swap3A_33 = arith.constant 0 : index
    %swap3A_34 = vector.load %arg6[%swap3A, %swap3A_33] : memref<10000x128xf32, #tpu.memory_space<vmem>>, vector<10000x128xf32>
    tpu.vector_store %arg6[%swap3A, %swap3A_33], %mul3A_32 {strides = array<i32>} : memref<10000x128xf32, #tpu.memory_space<vmem>>, vector<10000x128xf32>,
    return
  }
}

module attributes {stable_mosaic.version = 14 : i64} {
  func.func @_final_body(%arg0: memref<2x10000x128xf32, #tpu.memory_space<vmem>>, %arg1: memref<10000x128xf32, #tpu.memory_space<vmem>>, %arg2: memref<10000x1xf32, #tpu.memory_space<vmem>>, %arg3: memref<10000x1xf32, #tpu.memory_space<vmem>>, %arg4: memref<1x128xf32, #tpu.memory_space<vmem>>, %arg5: memref<10000x1xi32, #tpu.memory_space<vmem>>, %arg6: memref<128x64xf32, #tpu.memory_space<vmem>>, %arg7: memref<1x64xf32, #tpu.memory_space<vmem>>, %arg8: memref<1x64xf32, #tpu.memory_space<vmem>>, %arg9: memref<1x64xf32, #tpu.memory_space<vmem>>, %arg10: memref<64x1xf32, #tpu.memory_space<vmem>>, %arg11: memref<1x1xf32, #tpu.memory_space<vmem>>, %arg12: memref<16x1xf32, #tpu.memory_space<vmem>>) attributes {dimension_semantics = [], scalar_prefetch = 0 : i64, scratch_operands = 0 : i64, tpu.core_type = #tpu.core_type<tc>} {
    %get3A = arith.constant 0 : index
    %get3A_0 = arith.constant 0 : index
    %get3A_1 = vector.load %arg2[%get3A, %get3A_0] : memref<10000x1xf32, #tpu.memory_space<vmem>>, vector<10000x1xf32>
    %get3A_2 = arith.constant 0 : index
    %get3A_3 = arith.constant 0 : index
    %get3A_4 = vector.load %arg3[%get3A_2, %get3A_3] : memref<10000x1xf32, #tpu.memory_space<vmem>>, vector<10000x1xf32>
    %add3A = arith.addf %get3A_1, %get3A_4 : vector<10000x1xf32>
    %add3A_5 = arith.constant 1.000000e+00 : f32
    %add3A_6 = vector.broadcast %add3A_5 : f32 to vector<10000x1xf32>
    %add3A_7 = arith.addf %add3A, %add3A_6 : vector<10000x1xf32>
    %rsqrt3A = math.rsqrt %add3A_7 : vector<10000x1xf32>
    %get3A_8 = arith.constant 0 : index
    %get3A_9 = arith.constant 0 : index
    %get3A_10 = arith.constant 0 : index
    %get3A_11 = vector.load %arg0[%get3A_8, %get3A_9, %get3A_10] : memref<2x10000x128xf32, #tpu.memory_space<vmem>>, vector<2x10000x128xf32>
    %slice3A = vector.extract_strided_slice %get3A_11 {offsets = [0, 0, 0], sizes = [1, 10000, 128], strides = [1, 1, 1]} : vector<2x10000x128xf32> to vector<1x10000x128xf32>
    %squeeze3A = vector.shape_cast %slice3A : vector<1x10000x128xf32> to vector<10000x128xf32>
    %slice3A_12 = vector.extract_strided_slice %get3A_11 {offsets = [1, 0, 0], sizes = [1, 10000, 128], strides = [1, 1, 1]} : vector<2x10000x128xf32> to vector<1x10000x128xf32>
    %squeeze3A_13 = vector.shape_cast %slice3A_12 : vector<1x10000x128xf32> to vector<10000x128xf32>
    %add3A_14 = arith.addf %squeeze3A, %squeeze3A_13 : vector<10000x128xf32>
    %get3A_15 = arith.constant 0 : index
    %get3A_16 = arith.constant 0 : index
    %get3A_17 = vector.load %arg1[%get3A_15, %get3A_16] : memref<10000x128xf32, #tpu.memory_space<vmem>>, vector<10000x128xf32>
    %add3A_18 = arith.addf %add3A_14, %get3A_17 : vector<10000x128xf32>
    %mul3A = vector.broadcast %rsqrt3A : vector<10000x1xf32> to vector<10000x128xf32>
    %mul3A_19 = arith.mulf %mul3A, %add3A_18 : vector<10000x128xf32>
    %get3A_20 = arith.constant 0 : index
    %get3A_21 = arith.constant 0 : index
    %get3A_22 = vector.load %arg4[%get3A_20, %get3A_21] : memref<1x128xf32, #tpu.memory_space<vmem>>, vector<1x128xf32>
    %add3A_23 = vector.broadcast %get3A_22 : vector<1x128xf32> to vector<10000x128xf32>
    %add3A_24 = arith.addf %mul3A_19, %add3A_23 : vector<10000x128xf32>
    %max3A = arith.constant 0.000000e+00 : f32
    %max3A_25 = vector.broadcast %max3A : f32 to vector<10000x128xf32>
    %max3A_26 = arith.maximumf %add3A_24, %max3A_25 : vector<10000x128xf32>
    %get3A_27 = arith.constant 0 : index
    %get3A_28 = arith.constant 0 : index
    %get3A_29 = vector.load %arg5[%get3A_27, %get3A_28] : memref<10000x1xi32, #tpu.memory_space<vmem>>, vector<10000x1xi32>
    %iota3A = tpu.iota {dimensions = array<i32: 0>} : vector<16x1xi32>
    %broadcast_in_dim3A = arith.constant 0xFF800000 : f32
    %broadcast_in_dim3A_30 = vector.broadcast %broadcast_in_dim3A : f32 to vector<16x128xf32>
    %scan3A = arith.constant 0 : i32
    %scan3A_31 = arith.constant 16 : i32
    %scan3A_32 = arith.addi %scan3A, %scan3A_31 : i32
    %scan3A_33 = arith.constant 1 : i32
    %scan3A_34 = scf.for %scan3A_88 = %scan3A to %scan3A_32 step %scan3A_33 iter_args(%scan3A_89 = %broadcast_in_dim3A_30) -> (vector<16x128xf32>)  : i32 {
      %eq3A = vector.broadcast %scan3A_88 : i32 to vector<10000x1xi32>
      %eq3A_90 = arith.cmpi eq, %get3A_29, %eq3A : vector<10000x1xi32>
      %jit3A = arith.constant 0xFF800000 : f32
      %broadcast_in_dim3A_91 = vector.shape_cast %eq3A_90 : vector<10000x1xi1> to vector<10000x1xi1>
      %broadcast_in_dim3A_92 = vector.broadcast %broadcast_in_dim3A_91 : vector<10000x1xi1> to vector<10000x128xi1>
      %broadcast_in_dim3A_93 = vector.broadcast %jit3A : f32 to vector<10000x128xf32>
      %select_n3A = arith.select %broadcast_in_dim3A_92, %max3A_26, %broadcast_in_dim3A_93 : vector<10000x128xi1>, vector<10000x128xf32>
      %reduce_max3A = arith.constant dense<0xFF800000> : vector<128xf32>
      %reduce_max3A_94 = vector.multi_reduction <maximumf>, %select_n3A, %reduce_max3A [0] : vector<10000x128xf32> to vector<128xf32>
      %broadcast_in_dim3A_95 = vector.shape_cast %reduce_max3A_94 : vector<128xf32> to vector<1x128xf32>
      %eq3A_96 = vector.broadcast %scan3A_88 : i32 to vector<16x1xi32>
      %eq3A_97 = arith.cmpi eq, %iota3A, %eq3A_96 : vector<16x1xi32>
      %broadcast_in_dim3A_98 = vector.shape_cast %broadcast_in_dim3A_95 : vector<1x128xf32> to vector<1x128xf32>
      %broadcast_in_dim3A_99 = vector.broadcast %broadcast_in_dim3A_98 : vector<1x128xf32> to vector<16x128xf32>
      %broadcast_in_dim3A_100 = vector.shape_cast %eq3A_97 : vector<16x1xi1> to vector<16x1xi1>
      %broadcast_in_dim3A_101 = vector.broadcast %broadcast_in_dim3A_100 : vector<16x1xi1> to vector<16x128xi1>
      %select_n3A_102 = arith.select %broadcast_in_dim3A_101, %broadcast_in_dim3A_99, %scan3A_89 : vector<16x128xi1>, vector<16x128xf32>
      scf.yield %select_n3A_102 : vector<16x128xf32>
    }
    %scan3A_35 = arith.constant 16 : i32
    %get3A_36 = arith.constant 0 : index
    %get3A_37 = arith.constant 0 : index
    %get3A_38 = vector.load %arg6[%get3A_36, %get3A_37] : memref<128x64xf32, #tpu.memory_space<vmem>>, vector<128x64xf32>
    %dot_general3A = arith.constant dense<0.000000e+00> : vector<16x64xf32>
    %dot_general3A_39 = tpu.matmul %scan3A_34, %get3A_38, %dot_general3A {dimension_numbers = #tpu.dot_dimension_numbers<[1], [0], [0], [1], [0, 0, 1, 1], [], []>, transpose_lhs_hint = false} : vector<16x128xf32>, vector<128x64xf32>, vector<16x64xf32> -> vector<16x64xf32>
    %get3A_40 = arith.constant 0 : index
    %get3A_41 = arith.constant 0 : index
    %get3A_42 = vector.load %arg7[%get3A_40, %get3A_41] : memref<1x64xf32, #tpu.memory_space<vmem>>, vector<1x64xf32>
    %add3A_43 = vector.broadcast %get3A_42 : vector<1x64xf32> to vector<16x64xf32>
    %add3A_44 = arith.addf %dot_general3A_39, %add3A_43 : vector<16x64xf32>
    %get3A_45 = arith.constant 0 : index
    %get3A_46 = arith.constant 0 : index
    %get3A_47 = vector.load %arg8[%get3A_45, %get3A_46] : memref<1x64xf32, #tpu.memory_space<vmem>>, vector<1x64xf32>
    %get3A_48 = arith.constant 0 : index
    %get3A_49 = arith.constant 0 : index
    %get3A_50 = vector.load %arg9[%get3A_48, %get3A_49] : memref<1x64xf32, #tpu.memory_space<vmem>>, vector<1x64xf32>
    %reduce_sum3A = arith.constant dense<0.000000e+00> : vector<64xf32>
    %reduce_sum3A_51 = vector.multi_reduction <add>, %add3A_44, %reduce_sum3A [0] : vector<16x64xf32> to vector<64xf32>
    %broadcast_in_dim3A_52 = vector.shape_cast %reduce_sum3A_51 : vector<64xf32> to vector<1x64xf32>
    %div3A = arith.constant 1.600000e+01 : f32
    %div3A_53 = vector.broadcast %div3A : f32 to vector<1x64xf32>
    %div3A_54 = arith.divf %broadcast_in_dim3A_52, %div3A_53 : vector<1x64xf32>
    %sub3A = vector.broadcast %div3A_54 : vector<1x64xf32> to vector<16x64xf32>
    %sub3A_55 = arith.subf %add3A_44, %sub3A : vector<16x64xf32>
    %integer_pow3A = arith.mulf %sub3A_55, %sub3A_55 : vector<16x64xf32>
    %reduce_sum3A_56 = arith.constant dense<0.000000e+00> : vector<64xf32>
    %reduce_sum3A_57 = vector.multi_reduction <add>, %integer_pow3A, %reduce_sum3A_56 [0] : vector<16x64xf32> to vector<64xf32>
    %broadcast_in_dim3A_58 = vector.shape_cast %reduce_sum3A_57 : vector<64xf32> to vector<1x64xf32>
    %div3A_59 = arith.constant 1.600000e+01 : f32
    %div3A_60 = vector.broadcast %div3A_59 : f32 to vector<1x64xf32>
    %div3A_61 = arith.divf %broadcast_in_dim3A_58, %div3A_60 : vector<1x64xf32>
    %sub3A_62 = vector.broadcast %div3A_54 : vector<1x64xf32> to vector<16x64xf32>
    %sub3A_63 = arith.subf %add3A_44, %sub3A_62 : vector<16x64xf32>
    %mul3A_64 = vector.broadcast %get3A_47 : vector<1x64xf32> to vector<16x64xf32>
    %mul3A_65 = arith.mulf %mul3A_64, %sub3A_63 : vector<16x64xf32>
    %add3A_66 = arith.constant 9.99999974E-6 : f32
    %add3A_67 = vector.broadcast %add3A_66 : f32 to vector<1x64xf32>
    %add3A_68 = arith.addf %div3A_61, %add3A_67 : vector<1x64xf32>
    %sqrt3A = math.sqrt %add3A_68 : vector<1x64xf32>
    %div3A_69 = vector.broadcast %sqrt3A : vector<1x64xf32> to vector<16x64xf32>
    %div3A_70 = arith.divf %mul3A_65, %div3A_69 : vector<16x64xf32>
    %add3A_71 = vector.broadcast %get3A_50 : vector<1x64xf32> to vector<16x64xf32>
    %add3A_72 = arith.addf %div3A_70, %add3A_71 : vector<16x64xf32>
    %max3A_73 = arith.constant 0.000000e+00 : f32
    %max3A_74 = vector.broadcast %max3A_73 : f32 to vector<16x64xf32>
    %max3A_75 = arith.maximumf %add3A_72, %max3A_74 : vector<16x64xf32>
    %get3A_76 = arith.constant 0 : index
    %get3A_77 = arith.constant 0 : index
    %get3A_78 = vector.load %arg10[%get3A_76, %get3A_77] : memref<64x1xf32, #tpu.memory_space<vmem>>, vector<64x1xf32>
    %dot_general3A_79 = arith.constant dense<0.000000e+00> : vector<16x1xf32>
    %dot_general3A_80 = tpu.matmul %max3A_75, %get3A_78, %dot_general3A_79 {dimension_numbers = #tpu.dot_dimension_numbers<[1], [0], [0], [1], [0, 0, 1, 1], [], []>, transpose_lhs_hint = false} : vector<16x64xf32>, vector<64x1xf32>, vector<16x1xf32> -> vector<16x1xf32>
    %get3A_81 = arith.constant 0 : index
    %get3A_82 = arith.constant 0 : index
    %get3A_83 = vector.load %arg11[%get3A_81, %get3A_82] : memref<1x1xf32, #tpu.memory_space<vmem>>, vector<1x1xf32>
    %add3A_84 = vector.broadcast %get3A_83 : vector<1x1xf32> to vector<16x1xf32>
    %add3A_85 = arith.addf %dot_general3A_80, %add3A_84 : vector<16x1xf32>
    %swap3A = arith.constant 0 : index
    %swap3A_86 = arith.constant 0 : index
    %swap3A_87 = vector.load %arg12[%swap3A, %swap3A_86] : memref<16x1xf32, #tpu.memory_space<vmem>>, vector<16x1xf32>
    tpu.vector_store %arg12[%swap3A, %swap3A_86], %add3A_85 {strides = array<i32>} : memref<16x1xf32, #tpu.memory_space<vmem>>, vector<16x1xf32>,
    return
  }
}

</mosaic_0001>

<sc_bundles>
// kernel: kernel.11.cloned.1.call-start
scs
__scs_entry_jumppad:
0x0: {  	(pc) =	sbr.rel $0x88, $3  }
0x1: {  	(tag) =	ssettag $0x0;
	lr =	simm.s32 $0x1  }
0x2: {  	[smem:$0x3F8C] =	sst lr;
	_ =	strace $0xD0000000  }
0x3: {  	_ = 	snop  }
0x4: {  	_ = 	snop  }
0x5: {  	_ = 	snop  }
0x6: {  	_ = 	snop  }
0x7: {  	_ = 	snop  }
__scs_overlays_trampoline_lowered:
0x8: {  	[smem:$0x3F9B] =	sst s0  }
0x9: {  	[smem:$0x3F9C] =	sst s1  }
0xa: {  	[smem:$0x3F9D] =	sst s2  }
0xb: {  	[smem:$0x3F9E] =	sst s3  }
0xc: {  	[smem:$0x3F9F] =	sst s4  }
0xd: {  	[smem:$0x3FA0] =	sst s5  }
0xe: {  	[smem:$0x3FA1] =	sst s6  }
0xf: {  	[smem:$0x3FA2] =	sst s7  }
0x10: {  	[smem:$0x3FA3] =	sst s8  }
0x11: {  	[smem:$0x3FA4] =	sst s9;
	s0 =	simm.s32 @!p0 $0x0  }
0x12: {  	s1 =	sld [smem:$0x3F8A];
	s0 =	simm.s32 @p0 $0x1  }
0x13: {  	[smem:$0x3FA5] =	sst s0;
	s0 =	simm.s32 @!p1 $0x0  }
0x14: {  	s2 =	sld [smem:$0x3F89];
	s0 =	simm.s32 @p1 $0x1  }
0x15: {  	[smem:$0x3FA6] =	sst s0;
	s0 =	simm.s32 @!p2 $0x0  }
0x16: {  	s3 =	sld [smem:$0x3FDB];
	s0 =	simm.s32 @p2 $0x1  }
0x17: {  	s4 =	simm.s32 $0x1BF5;
	[smem:$0x3FA8] =	sst s0  }
0x18: {  	s0 =	sld [smem:$0x3F8B];
	_ =	swait.ge [sflag:s4], $0x0  }
0x19: {  	s7 =	sld [smem:$0x3F8C]  }
0x1a: {  	s8 =	sadd.s32 $0xFFFFE003, lr  }
0x1b: {  	s9 =	sadd.s32 $0xFFFFFEF7, lr;
	s5 =	simm.s32 $0xFFFFFFFF;
	p2 =	slt.u32 s8, $0xFFFFF086  }
0x1c: {  	p1 =	slt.u32 s9, $0xF7A;
	s5 =	simm.s32 @!p2 $0x0  }
0x1d: {  	s5 =	simm.s32 @p1 $0x1;
	p0 =	seq.s32 s7, s2  }
0x1e: {  	s7 =	smul.u32 @!p0 $0xF7A, s2;
	p2 =	seq.s32 @!p0 s5, $0x0  }
0x1f: {  	s9 =	smul.u32 $0xF7A, s1;
	s8 =	simm.s32 @!p0 $0x1BF5;
	p2 =	por !p2, p0  }
0x20: {  	[sflag:s8] =	ssyncset.s32 @!p0 $0xFFFFF086;
	s6 =	sadd.s32 @!p0 s3, s7;
	s7 =	simm.s32 @!p0 $0x108  }
0x21: {  	s3 =	sadd.s32 s3, s9;
	s6 =	sadd.s32 @!p0 $0x88, s6;
	s7 =	simm.s32 @p2 $0x1082  }
0x22: {  	[simem:s7], [sflag:s8] =	dma.local @!p0 [hbm:s6], $0xF7A  }
0x23: {  	s9 =	sor.u32 $0xD0000000, s2;
	s6 =	simm.s32 $0x108;
	_ =	swait.ge @!p0 [sflag:s8], $0x0  }
0x24: {  	s3 =	sadd.s32 $0x88, s3;
	s6 =	simm.s32 @!p1 $0x1082;
	[sflag:s4] =	ssyncset.s32 $0xFFFFF086  }
0x25: {  	[simem:s6], [sflag:s4] =	dma.local [hbm:s3], $0xF7A  }
0x26: {  	[smem:$0x3F8C] =	sst s1;
	(tag) =	ssettag s2;
	_ =	strace s9  }
0x27: {  	s1 =	sld [smem:$0x3F9C]  }
0x28: {  	s2 =	sld [smem:$0x3F9D]  }
0x29: {  	s4 =	sld [smem:$0x3F9F]  }
0x2a: {  	p0 =	seq.s32 s5, $0x0;
	s5 =	sld [smem:$0x3FA0]  }
0x2b: {  	s6 =	sld [smem:$0x3FA1]  }
0x2c: {  	s7 =	sld [smem:$0x3FA2]  }
0x2d: {  	s3 =	simm.s32 $0x108;
	s8 =	sld [smem:$0x3FA3]  }
0x2e: {  	s3 =	simm.s32 @!p0 $0x1082;
	s9 =	sld [smem:$0x3FA4]  }
0x2f: {  	lr =	sadd.s32 s0, s3;
	s0 =	sld [smem:$0x3F9B]  }
0x30: {  	s3 =	sld [smem:$0x3F9E]  }
0x31: {  	[smem:$0x3FA7] =	sst s10  }
0x32: {  	s10 =	sld [smem:$0x3FA5];
	_ =	sdelay $0x3  }
0x33: {  	p0 =	seq.s32 s10, $0x1;
	s10 =	sld [smem:$0x3FA7];
	_ =	sdelay $0x3  }
0x34: {  	[smem:$0x3FA7] =	sst s10  }
0x35: {  	s10 =	sld [smem:$0x3FA6];
	_ =	sdelay $0x3  }
0x36: {  	p1 =	seq.s32 s10, $0x1;
	s10 =	sld [smem:$0x3FA7];
	_ =	sdelay $0x3  }
0x37: {  	[smem:$0x3FA7] =	sst s10  }
0x38: {  	s10 =	sld [smem:$0x3FA8]  }
0x39: {  	_ = 	snop;
	(pc) =	sbr.ind lr, $3  }
0x3a: {  	_ = 	snop  }
0x3b: {  	_ = 	snop  }
0x3c: {  	p2 =	seq.s32 s10, $0x1;
	s10 =	sld [smem:$0x3FA7]  }
0x3d: {  	_ =	shalt  }
0x3e: {  	_ =	shalt  }
0x3f: {  	_ =	shalt  }
0x40: {  	_ =	shalt  }
0x41: {  	_ =	shalt  }
0x42: {  	_ =	shalt  }
0x43: {  	_ =	shalt  }
0x44: {  	_ =	shalt  }
0x45: {  	_ =	shalt  }
0x46: {  	_ =	shalt  }
0x47: {  	_ =	shalt  }
0x48: {  	_ =	shalt  }
0x49: {  	_ =	shalt  }
0x4a: {  	_ =	shalt  }
0x4b: {  	_ =	shalt  }
0x4c: {  	_ =	shalt  }
0x4d: {  	_ =	shalt  }
0x4e: {  	_ =	shalt  }
0x4f: {  	_ =	shalt  }
0x50: {  	_ =	shalt  }
0x51: {  	_ =	shalt  }
0x52: {  	_ =	shalt  }
0x53: {  	_ =	shalt  }
0x54: {  	_ =	shalt  }
0x55: {  	_ =	shalt  }
0x56: {  	_ =	shalt  }
0x57: {  	_ =	shalt  }
0x58: {  	_ =	shalt  }
0x59: {  	_ =	shalt  }
0x5a: {  	_ =	shalt  }
0x5b: {  	_ =	shalt  }
0x5c: {  	_ =	shalt  }
0x5d: {  	_ =	shalt  }
0x5e: {  	_ =	shalt  }
0x5f: {  	_ =	shalt  }
0x60: {  	_ =	shalt  }
0x61: {  	_ =	shalt  }
0x62: {  	_ =	shalt  }
0x63: {  	_ =	shalt  }
0x64: {  	_ =	shalt  }
0x65: {  	_ =	shalt  }
0x66: {  	_ =	shalt  }
0x67: {  	_ =	shalt  }
0x68: {  	_ =	shalt  }
0x69: {  	_ =	shalt  }
0x6a: {  	_ =	shalt  }
0x6b: {  	_ =	shalt  }
0x6c: {  	_ =	shalt  }
0x6d: {  	_ =	shalt  }
0x6e: {  	_ =	shalt  }
0x6f: {  	_ =	shalt  }
0x70: {  	_ =	shalt  }
0x71: {  	_ =	shalt  }
0x72: {  	_ =	shalt  }
0x73: {  	_ =	shalt  }
0x74: {  	_ =	shalt  }
0x75: {  	_ =	shalt  }
0x76: {  	_ =	shalt  }
0x77: {  	_ =	shalt  }
0x78: {  	_ =	shalt  }
0x79: {  	_ =	shalt  }
0x7a: {  	_ =	shalt  }
0x7b: {  	_ =	shalt  }
0x7c: {  	_ =	shalt  }
0x7d: {  	_ =	shalt  }
0x7e: {  	_ =	shalt  }
0x7f: {  	_ =	shalt  }
0x80: {  	_ =	shalt  }
0x81: {  	_ =	shalt  }
0x82: {  	_ =	shalt  }
0x83: {  	_ =	shalt  }
0x84: {  	_ =	shalt  }
0x85: {  	_ =	shalt  }
0x86: {  	_ =	shalt  }
0x87: {  	_ =	shalt  }
.Lfunc_end0:
.L_simem_size_0:
called_computation.1_lowered:
.L_overlay_start_0:
0x88: {  	s2 =	sld [smem:$0x3FD9]  }
0x89: {  	s3 =	sld [smem:$0x3FFE];
	_ =	sdelay $0x1  }
0x8a: {  	s1 =	srdreg.scid  }
0x8b: {  	s0 =	sand.u32 $0x1, s1  }
0x8c: {  	s16 =	sshll.u32 s0, $0xA;
	s2 =	sadd.s32 s3, s2  }
0x8d: {  	s2 =	sadd.s32 s2, s16  }
0x8e: {  	[smem:$0x3FB3] =	sst s2  }
0x8f: {  	_ = 	snop  }
0x90: {  	(tm) =	ssettm $0x1  }
0x91: {  	s17 =	sld [smem:$0x3FFB];
	_ =	sdelay $0x3  }
0x92: {  	_ =	strace s17  }
0x93: {  	s2 =	sld [smem:$0x3FFC];
	_ =	sdelay $0x3  }
0x94: {  	_ =	strace s2  }
0x95: {  	s2 =	sld [smem:$0x3FFD];
	_ =	sdelay $0x3  }
0x96: {  	_ =	strace s2  }
0x97: {  	_ =	strace $0x8FFFFFFF  }
0x98: {  	s18 =	sld [smem:$0x3FDB];
	_ =	sdelay $0x1  }
0x99: {  	s19 =	simm.s32 $_scs_section_size  }
0x9a: {  	s4 =	simm.s32 $_size__tile_overlayer_lowered;
	s5 =	simm.s32 $_tile_overlayer_lowered  }
0x9b: {  	s22 =	simm.s32 $0x1BFF;
	s21 =	sshll.u32 s5, $0x1;
	s2 =	sadd.s32 s19, s18  }
0x9c: {  	s6 =	simm.s32 $0x0;
	s20 =	sshll.u32 s4, $0x1;
	s4 =	sadd.s32 s21, s2  }
0x9d: {  	[timem:s6], [sflag:s22] =	dma.local [hbm:s4], s20  }
0x9e: {  	_ =	swait.ge [sflag:s22], s20  }
0x9f: {  	s3 =	ssub.s32 $0x0, s20;
	[sflag:s22] =	ssyncset.done $0x0  }
0xa0: {  	[sflag:s22] =	ssyncadd.s32 s3;
	_ =	sdelay $0x1  }
0xa1: {  	s23 =	simm.s32 $0x1B8B  }
0xa2: {  	_ =	swait.ge [sflag:s23], $0x1  }
0xa3: {  	[sflag:s23] =	ssyncset.done $0x0  }
0xa4: {  	s25 =	simm.s32 $0x1B8E;
	s24 =	sld [smem:$0x3FFE];
	[sflag:s23] =	ssyncadd.s32 $0xFFFFFFFF  }
0xa5: {  	s26 =	simm.s32 $execute0_lowered;
	[smem:$0x3FD2] =	sst s25  }
0xa6: {  	s4 =	sshll.u32 s26, $0x1;
	_ =	strace $0x80000049;
	[dreg:$0x1] =	wrdreg $0xFFFFFFFF  }
0xa7: {  	s28 =	simm.s32 $_size_execute0_lowered;
	s2 =	sadd.s32 s2, s4;
	[dreg:$0x0] =	wrdreg $0x0  }
0xa8: {  	s4 =	sshll.u32 s28, $0x1;
	[dreg:$0x2] =	wrdreg s2  }
0xa9: {  	[dreg:$0x3] =	wrdreg s4  }
0xaa: {  	[dreg:$0x4] =	wrdreg $0xC0  }
0xab: {  	_ =	task [dreg:s6], $0x5FFFF  }
0xac: {  	[dreg:$0x1] =	wrdreg $0xFFFFFFFF  }
0xad: {  	[dreg:$0x0] =	wrdreg $0x60  }
0xae: {  	[dreg:$0x2] =	wrdreg s24  }
0xaf: {  	[dreg:$0x3] =	wrdreg $0x78800  }
0xb0: {  	[dreg:$0x4] =	wrdreg $0x9  }
0xb1: {  	_ =	task.clear_ibuf [dreg:s6], $0x5FFFF;
	_ =	strace $0x90000049  }
0xb2: {  	s29 =	simm.s32 $0x9;
	_ =	strace $0x8000004B  }
0xb3: {  	_ =	swait.ge [sflag:s29], $0x1  }
0xb4: {  	[sflag:s29] =	ssyncadd.s32 $0xFFFFFFFF  }
0xb5: {  	_ =	strace $0x9000004B  }
0xb6: {  	_ =	sfence  }
0xb7: {  	s30 =	sld [smem:$0x0];
	_ =	sdelay $0x2  }
0xb8: {  	s31 =	sshll.u32 s1, $0xD;
	s1 =	sshrl.u32 s1, $0x2  }
0xb9: {  	s3 =	sand.u32 $0x4000, s31;
	s1 =	sadd.s32 s1, s30  }
0xba: {  	s0 =	sor.u32 s3, s0;
	s1 =	sshll.u32 s1, $0x11  }
0xbb: {  	s0 =	sor.u32 s1, s0  }
0xbc: {  	s0 =	sadd.s32 $0x8F2B, s0  }
0xbd: {  	[sflag:s0] =	ssyncadd.remote.s32 $0x1  }
0xbe: {  	_ =	sfence.sel $0xFFFF  }
0xbf: {  	[dreg:$0x0] =	wrdreg $0xFFFFFFFF;
	(pc) =	sbr.abs _section_cstart, $3  }
0xc0: {  	[dreg:$0x1] =	wrdreg $0xFFFFFFFF  }
0xc1: {  	_ =	task.clear_ibuf [dreg:s6], $0x2FFFF;
	_ =	strace $0x9FFFFFFF  }
0xc2: {  	(tm) =	ssettm $0x7FFFFFFF  }
0xc3: {  	_ =	shalt  }
tec
execute0_lowered:
.L_overlay_start_1:
0x0: {  	(tag) =	ssettag $0x1  }
0x1: {  	s0 =	srdreg.scid;
	s1 =	rddreg [dreg:$0x0]  }
0x2: {  	s18 =	stileid.u32;
	s2 =	rddreg [dreg:$0x1]  }
0x3: {  	s20 =	simm.s32 $0x2780;
	s21 =	simm.s32 $0x50;
	s22 =	simm.s32 $0x2880  }
0x4: {  	s28 =	simm.s32 $0x2;
	s29 =	simm.s32 $0x5;
	s31 =	simm.s32 $0x4  }
0x5: {  	s0 =	sand.u32 $0x1, s0;
	s3 =	sshll.u32 s18, $0x1;
	s11 =	smul.u32 $0x13800, s18  }
0x6: {  	s7 =	smul.u32 $0x4E000, s18;
	s16 =	sadd.s32 $0xD600, s1;
	s12 =	sadd.s32 $0x65800, s1  }
0x7: {  	s23 =	sshll.u32 s18, $0x6;
	s19 =	sadd.s32 $0x138000, s2;
	s24 =	smul.u32 $0x4E20, s18  }
0x8: {  	p0 =	sne.s32 s18, $0xF;
	s18 =	simm.s32 $0x7;
	s14 =	smul.u32 $0x138800, s0  }
0x9: {  	s4 =	sor.u32 s0, s3;
	s9 =	ssub.s32 $0x2, s0;
	s0 =	smul.u32 $0x2710, s0  }
0xa: {  	s3 =	simm.s32 $0x0;
	s19 =	sshrl.u32 @!p0 s19, $0x3;
	s5 =	smul.u32 $0x2710, s4  }
0xb: {  	[smem:$0x7FF] =	sst s3;
	s4 =	sadd.s32 $0x17400, s1;
	s6 =	sshrl.u32 s11, $0x3  }
0xc: {  	s10 =	sshrl.u32 s9, $0x1;
	s7 =	sshrl.u32 s7, $0x2;
	_ =	strace $0x8000004A  }
0xd: {  	s6 =	sadd.s32 s6, s1;
	s13 =	ssub.s32 s9, s10;
	s17 =	sadd.s32 s7, s2  }
0xe: {  	s26 =	sadd.s32 s11, s14;
	s30 =	sshrl.u32 s14, $0x3;
	s0 =	sadd.s32 s0, s24  }
0xf: {  	s24 =	simm.s32 $0x5080;
	s5 =	sshrl.u32 s5, $0x3;
	s6 =	sadd.s32 $0x3E600, s6  }
0x10: {  	s14 =	sadd.s32 s12, s30;
	s13 =	smax.u32 s13, $0x1;
	s17 =	sshrl.u32 s17, $0x3  }
0x11: {  	s8 =	sadd.s32 s5, s1;
	[dreg:$0x3] =	wrdreg s6;
	s6 =	sor.u32 $0x1C07, s23  }
0x12: {  	s1 =	sadd.s32 $0x65600, s1;
	s9 =	sadd.s32 s16, s5;
	s5 =	sshrl.u32 s26, $0x3  }
0x13: {  	s23 =	simm.s32 $0x1;
	s26 =	simm.s32 $0x3;
	[dreg:$0x4] =	wrdreg s1  }
0x14: {  	s25 =	sadd.s32 $0x3800, s8;
	s10 =	sadd.s32 $0xA, s9;
	s11 =	sadd.s32 s12, s5  }
0x15: {  	s12 =	sadd.s32 $0x27000, s14;
	s1 =	sadd.s32 $0x140, s0;
	s0 =	sadd.s32 $0xF0, s0  }
0x16: {  	s14 =	sadd.s32 $0x14, s9;
	[dreg:$0x5] =	wrdreg s25;
	s1 =	sshrl.u32 s1, $0x3  }
0x17: {  	s0 =	sshrl.u32 s0, $0x3;
	s25 =	simm.s32 $0x2800;
	s15 =	sadd.s32 s1, s16  }
0x18: {  	s16 =	sadd.s32 s0, s16;
	s1 =	simm.s32 $0x6;
	s0 =	simm.s32 $0x0  }
.LBB2_1:
0x19: {  	s5 =	rddreg [dreg:$0x3]  }
0x1a: {  	[spmem:s17], [sflag:s6] =	dma.local [hbm:s5], $0x2700  }
0x1b: {  	_ =	swait.ge [sflag:s18], $0x2700  }
0x1c: {  	[sflag:s18] =	ssyncset.done $0x0  }
0x1d: {  	s5 =	rddreg [dreg:$0x4];
	[sflag:s18] =	ssyncadd.s32 $0xFFFFD900  }
0x1e: {  	[spmem:s19], [sflag:s6] =	dma.local @!p0 [hbm:s5], $0x100  }
0x1f: {  	s5 =	simm.s32 @!p0 $0x7  }
0x20: {  	_ =	swait.ge @!p0 [sflag:s5], $0x100  }
0x21: {  	[sflag:s5] =	ssyncset.done @!p0 $0x0  }
0x22: {  	s7 =	rddreg [dreg:$0x5];
	[sflag:s5] =	ssyncadd.s32 @!p0 $0xFFFFFF00  }
0x23: {  	[tilespmem:s3], [sflag:$0x7] =	stream.linear.gather [hbm4b:s7+s3], $0x2710, $0x38;
	[tilespmem:$0x1B100] =	vst v63  }
0x24: {  	_ =	swait.ge [sflag:s18], $0x2710  }
0x25: {  	[sflag:s18] =	ssyncset.done $0x0  }
0x26: {  	[sflag:s18] =	ssyncadd.s32 $0xFFFFD8F0  }
0x27: {  	[bflag:$0x0] =	sbarrier.arrive $0xFFFF  }
0x28: {  	[tilespmem:s20], [sflag:$0x3] =	stream.linear.gather [hbm4b:s9+s3], $0x50, $0x38;
	[tilespmem:$0x1B100] =	vst v63  }
0x29: {  	_ = 	snop  }
0x2a: {  	[tilespmem:s22], [sflag:$0x1] =	stream.indirect.gather [hbm4b:s4+s21], $0x80, s3, s21, $0xb8;
	[tilespmem:$0x1B100] =	vst v63  }
0x2b: {  	_ =	swait.ge [sflag:s23], $0x2800  }
0x2c: {  	[sflag:s23] =	ssyncset.done $0x0  }
0x2d: {  	[sflag:s23] =	ssyncadd.s32 $0xFFFFD800  }
0x2e: {  	[tilespmem:s24], [sflag:$0x2] =	stream.indirect.gather [hbm4b:s4+s21], $0x80, s21, s21, $0xb8;
	[tilespmem:$0x1B100] =	vst v63  }
0x2f: {  	_ = 	snop  }
0x30: {  	[tilespmem:s25], [sflag:$0x4] =	stream.linear.gather [hbm4b:s10+s3], $0x50, $0x38;
	[tilespmem:$0x1B100] =	vst v63  }
0x31: {  	_ =	swait.ge [sflag:s26], $0x50  }
0x32: {  	[sflag:s26] =	ssyncset.done $0x0  }
0x33: {  	[sflag:s26] =	ssyncadd.s32 $0xFFFFFFB0  }
0x34: {  	[spmem:s2] =	stream.indirect.scatter.add.f32 [tilespmem:s22], [sflag:$0x5], $0x80, s20, s21, $0xb8;
	[tilespmem:$0x1B100] =	vst v63  }
0x35: {  	_ =	swait.ge [sflag:s28], $0x2800  }
0x36: {  	[sflag:s28] =	ssyncset.done $0x0  }
0x37: {  	[sflag:s28] =	ssyncadd.s32 $0xFFFFD800  }
0x38: {  	_ =	swait.ge [sflag:s29], $0x2800  }
0x39: {  	[sflag:s29] =	ssyncset.done $0x0  }
0x3a: {  	s8 =	simm.s32 $0xA0;
	[sflag:s29] =	ssyncadd.s32 $0xFFFFD800  }
0x3b: {  	[tilespmem:s22], [sflag:$0x1] =	stream.indirect.gather [hbm4b:s4+s21], $0x80, s8, s21, $0xb8;
	[tilespmem:$0x1B100] =	vst v63  }
0x3c: {  	_ = 	snop  }
0x3d: {  	[tilespmem:s20], [sflag:$0x3] =	stream.linear.gather [hbm4b:s14+s3], $0x50, $0x38;
	[tilespmem:$0x1B100] =	vst v63  }
0x3e: {  	_ =	swait.ge [sflag:s31], $0x50  }
0x3f: {  	[sflag:s31] =	ssyncset.done $0x0  }
0x40: {  	[sflag:s31] =	ssyncadd.s32 $0xFFFFFFB0  }
0x41: {  	[spmem:s2] =	stream.indirect.scatter.add.f32 [tilespmem:s24], [sflag:$0x6], $0x80, s25, s21, $0xb8;
	[tilespmem:$0x1B100] =	vst v63  }
0x42: {  	_ =	swait.ge [sflag:s23], $0x2800  }
0x43: {  	[sflag:s23] =	ssyncset.done $0x0  }
0x44: {  	[sflag:s23] =	ssyncadd.s32 $0xFFFFD800  }
0x45: {  	_ =	swait.ge [sflag:s1], $0x2800  }
0x46: {  	[sflag:s1] =	ssyncset.done $0x0  }
0x47: {  	s7 =	simm.s32 $0xF0;
	[sflag:s1] =	ssyncadd.s32 $0xFFFFD800  }
0x48: {  	[tilespmem:s24], [sflag:$0x2] =	stream.indirect.gather [hbm4b:s4+s21], $0x80, s7, s21, $0xb8;
	[tilespmem:$0x1B100] =	vst v63  }
0x49: {  	s8 =	sadd.s32 $0x0, s16  }
0x4a: {  	[tilespmem:s25], [sflag:$0x4] =	stream.linear.gather [hbm4b:s8+s3], $0x50, $0x38;
	[tilespmem:$0x1B100] =	vst v63  }
0x4b: {  	_ =	swait.ge [sflag:s26], $0x50  }
0x4c: {  	[sflag:s26] =	ssyncset.done $0x0  }
0x4d: {  	[sflag:s26] =	ssyncadd.s32 $0xFFFFFFB0  }
0x4e: {  	[spmem:s2] =	stream.indirect.scatter.add.f32 [tilespmem:s22], [sflag:$0x5], $0x80, s20, s21, $0xb8;
	[tilespmem:$0x1B100] =	vst v63  }
0x4f: {  	_ =	swait.ge [sflag:s28], $0x2800  }
0x50: {  	[sflag:s28] =	ssyncset.done $0x0  }
0x51: {  	[sflag:s28] =	ssyncadd.s32 $0xFFFFD800  }
0x52: {  	_ =	swait.ge [sflag:s29], $0x2800  }
0x53: {  	[sflag:s29] =	ssyncset.done $0x0  }
0x54: {  	s7 =	simm.s32 $0x140;
	[sflag:s29] =	ssyncadd.s32 $0xFFFFD800  }
0x55: {  	[tilespmem:s22], [sflag:$0x1] =	stream.indirect.gather [hbm4b:s4+s21], $0x80, s7, s21, $0xb8;
	[tilespmem:$0x1B100] =	vst v63  }
0x56: {  	s8 =	sadd.s32 $0x0, s15  }
0x57: {  	[tilespmem:s20], [sflag:$0x3] =	stream.linear.gather [hbm4b:s8+s3], $0x50, $0x38;
	[tilespmem:$0x1B100] =	vst v63  }
0x58: {  	_ =	swait.ge [sflag:s31], $0x50  }
0x59: {  	[sflag:s31] =	ssyncset.done $0x0  }
0x5a: {  	s30 =	simm.s32 $0x14;
	s5 =	simm.s32 $0x1E0;
	[sflag:s31] =	ssyncadd.s32 $0xFFFFFFB0  }
.LBB2_2:
0x5b: {  	[spmem:s2] =	stream.indirect.scatter.add.f32 [tilespmem:s24], [sflag:$0x6], $0x80, s25, s21, $0xb8;
	[tilespmem:$0x1B100] =	vst v63  }
0x5c: {  	s7 =	smov.u32 s30  }
0x5d: {  	p1 =	sne.s32 s30, $0x4B0;
	s30 =	sadd.s32 $0x14, s30;
	_ =	swait.ge [sflag:s23], $0x2800  }
0x5e: {  	[sflag:s23] =	ssyncset.done $0x0  }
0x5f: {  	[sflag:s23] =	ssyncadd.s32 $0xFFFFD800  }
0x60: {  	_ =	swait.ge [sflag:s1], $0x2800  }
0x61: {  	[sflag:s1] =	ssyncset.done $0x0  }
0x62: {  	s8 =	sadd.s32 $0xFFFFFFB0, s5;
	[sflag:s1] =	ssyncadd.s32 $0xFFFFD800  }
0x63: {  	[tilespmem:s24], [sflag:$0x2] =	stream.indirect.gather [hbm4b:s4+s21], $0x80, s8, s21, $0xb8;
	[tilespmem:$0x1B100] =	vst v63  }
0x64: {  	s8 =	sadd.s32 s7, s16  }
0x65: {  	[tilespmem:s25], [sflag:$0x4] =	stream.linear.gather [hbm4b:s8+s3], $0x50, $0x38;
	[tilespmem:$0x1B100] =	vst v63  }
0x66: {  	_ =	swait.ge [sflag:s26], $0x50  }
0x67: {  	[sflag:s26] =	ssyncset.done $0x0  }
0x68: {  	[sflag:s26] =	ssyncadd.s32 $0xFFFFFFB0  }
0x69: {  	[spmem:s2] =	stream.indirect.scatter.add.f32 [tilespmem:s22], [sflag:$0x5], $0x80, s20, s21, $0xb8;
	[tilespmem:$0x1B100] =	vst v63  }
0x6a: {  	_ =	swait.ge [sflag:s28], $0x2800  }
0x6b: {  	[sflag:s28] =	ssyncset.done $0x0  }
0x6c: {  	[sflag:s28] =	ssyncadd.s32 $0xFFFFD800  }
0x6d: {  	_ =	swait.ge [sflag:s29], $0x2800  }
0x6e: {  	[sflag:s29] =	ssyncset.done $0x0  }
0x6f: {  	[sflag:s29] =	ssyncadd.s32 $0xFFFFD800  }
0x70: {  	[tilespmem:s22], [sflag:$0x1] =	stream.indirect.gather [hbm4b:s4+s21], $0x80, s5, s21, $0xb8;
	[tilespmem:$0x1B100] =	vst v63  }
.Ltmp0:
0x71: {  	s7 =	sadd.s32 s7, s15;
	(pc) =	sbr.rel @p1 .LBB2_2-.Ltmp0, $4  }
0x72: {  	[tilespmem:s20], [sflag:$0x3] =	stream.linear.gather [hbm4b:s7+s3], $0x50, $0x38;
	[tilespmem:$0x1B100] =	vst v63  }
0x73: {  	_ =	swait.ge [sflag:s31], $0x50  }
0x74: {  	[sflag:s31] =	ssyncset.done $0x0  }
0x75: {  	s5 =	sadd.s32 $0xA0, s5;
	[sflag:s31] =	ssyncadd.s32 $0xFFFFFFB0  }
0x76: {  	[spmem:s2] =	stream.indirect.scatter.add.f32 [tilespmem:s24], [sflag:$0x6], $0x80, s25, s21, $0xb8;
	[tilespmem:$0x1B100] =	vst v63  }
0x77: {  	_ =	swait.ge [sflag:s23], $0x2800  }
0x78: {  	[sflag:s23] =	ssyncset.done $0x0  }
0x79: {  	[sflag:s23] =	ssyncadd.s32 $0xFFFFD800  }
0x7a: {  	_ =	swait.ge [sflag:s1], $0x2800  }
0x7b: {  	[sflag:s1] =	ssyncset.done $0x0  }
0x7c: {  	[sflag:s1] =	ssyncadd.s32 $0xFFFFD800  }
0x7d: {  	_ =	swait.ge [sflag:s26], $0x50  }
0x7e: {  	[sflag:s26] =	ssyncset.done $0x0  }
0x7f: {  	[sflag:s26] =	ssyncadd.s32 $0xFFFFFFB0  }
0x80: {  	[spmem:s2] =	stream.indirect.scatter.add.f32 [tilespmem:s22], [sflag:$0x5], $0x80, s20, s21, $0xb8;
	[tilespmem:$0x1B100] =	vst v63  }
0x81: {  	_ =	swait.ge [sflag:s29], $0x2800  }
0x82: {  	[sflag:s29] =	ssyncset.done $0x0  }
0x83: {  	[sflag:s29] =	ssyncadd.s32 $0xFFFFD800  }
0x84: {  	[bflag:$0x0] =	sbarrier.arrive $0xFFFF  }
0x85: {  	[hbm:s11], [sflag:s6] =	dma.local [spmem:s17], $0x2700  }
0x86: {  	s0 =	sadd.s32 $0x1, s0;
	_ =	swait.ge [sflag:s18], $0x2700  }
0x87: {  	p1 =	sne.s32 s0, s13;
	[sflag:s18] =	ssyncset.done $0x0  }
.Ltmp1:
0x88: {  	s5 =	simm.s32 @!p0 $0x7;
	[sflag:s18] =	ssyncadd.s32 $0xFFFFD900;
	(pc) =	sbr.rel @p1 .LBB2_1-.Ltmp1, $4  }
0x89: {  	[hbm:s12], [sflag:s6] =	dma.local @!p0 [spmem:s19], $0x100  }
0x8a: {  	_ =	swait.ge @!p0 [sflag:s5], $0x100  }
0x8b: {  	[sflag:s5] =	ssyncset.done @!p0 $0x0  }
0x8c: {  	[sflag:s5] =	ssyncadd.s32 @!p0 $0xFFFFFF00  }
0x8d: {  	_ =	sfence.sel $0x180000  }
0x8e: {  	[bflag:$0x0] =	sbarrier.arrive $0xFFFF  }
0x8f: {  	_ =	strace $0x9000004A  }
0x90: {  	s0 =	stileid.u32;
	[bflag:$0x2] =	sbarrier.arrive $0xFFFF  }
0x91: {  	p0 =	sne.s32 s0, $0x0;
	s0 =	rddreg [dreg:$0x2]  }
0x92: {  	s0 =	sadd.s32 @!p0 $0x100000, s0  }
0x93: {  	[sflag:s0] =	ssyncadd.tile.s32 @!p0 $0x1;
	_ =	shalt  }
.Lfunc_end2:
_tile_overlayer_lowered:
.L_overlay_start_2:
0x94: {  	(tag) =	ssettag $0x2  }
0x95: {  	s0 =	rddreg [dreg:$0x0];
	s2 =	stileid.u32  }
0x96: {  	s1 =	rddreg [dreg:$0x1];
	p0 =	sne.s32 s2, $0x0  }
0x97: {  	s3 =	rddreg [dreg:$0x2];
	[bflag:$0x3] =	sbarrier.arrive $0xFFFF;
	s2 =	simm.s32 @!p0 $0x1C07  }
0x98: {  	[timem:s3], [sflag:s2] =	dma.local @!p0 [hbm:s0], s1  }
0x99: {  	s0 =	simm.s32 @!p0 $0x7  }
0x9a: {  	_ =	swait.ge @!p0 [sflag:s0], s1  }
0x9b: {  	s1 =	ssub.s32 @!p0 $0x0, s1;
	[sflag:s0] =	ssyncset.done @!p0 $0x0  }
0x9c: {  	[sflag:s0] =	ssyncadd.s32 @!p0 s1  }
0x9d: {  	[bflag:$0x3] =	sbarrier.arrive $0xFFFF  }
0x9e: {  	_ =	shalt  }

// kernel: kernel.14.cloned.1.call-start
scs
__scs_entry_jumppad:
0x0: {  	(pc) =	sbr.rel $0x88, $3  }
0x1: {  	(tag) =	ssettag $0x0;
	lr =	simm.s32 $0x1  }
0x2: {  	[smem:$0x3F8C] =	sst lr;
	_ =	strace $0xD0000000  }
0x3: {  	_ = 	snop  }
0x4: {  	_ = 	snop  }
0x5: {  	_ = 	snop  }
0x6: {  	_ = 	snop  }
0x7: {  	_ = 	snop  }
__scs_overlays_trampoline_lowered:
0x8: {  	[smem:$0x3F9B] =	sst s0  }
0x9: {  	[smem:$0x3F9C] =	sst s1  }
0xa: {  	[smem:$0x3F9D] =	sst s2  }
0xb: {  	[smem:$0x3F9E] =	sst s3  }
0xc: {  	[smem:$0x3F9F] =	sst s4  }
0xd: {  	[smem:$0x3FA0] =	sst s5  }
0xe: {  	[smem:$0x3FA1] =	sst s6  }
0xf: {  	[smem:$0x3FA2] =	sst s7  }
0x10: {  	[smem:$0x3FA3] =	sst s8  }
0x11: {  	[smem:$0x3FA4] =	sst s9;
	s0 =	simm.s32 @!p0 $0x0  }
0x12: {  	s1 =	sld [smem:$0x3F8A];
	s0 =	simm.s32 @p0 $0x1  }
0x13: {  	[smem:$0x3FA5] =	sst s0;
	s0 =	simm.s32 @!p1 $0x0  }
0x14: {  	s2 =	sld [smem:$0x3F89];
	s0 =	simm.s32 @p1 $0x1  }
0x15: {  	[smem:$0x3FA6] =	sst s0;
	s0 =	simm.s32 @!p2 $0x0  }
0x16: {  	s3 =	sld [smem:$0x3FDB];
	s0 =	simm.s32 @p2 $0x1  }
0x17: {  	s4 =	simm.s32 $0x1BF5;
	[smem:$0x3FA8] =	sst s0  }
0x18: {  	s0 =	sld [smem:$0x3F8B];
	_ =	swait.ge [sflag:s4], $0x0  }
0x19: {  	s7 =	sld [smem:$0x3F8C]  }
0x1a: {  	s8 =	sadd.s32 $0xFFFFE003, lr  }
0x1b: {  	s9 =	sadd.s32 $0xFFFFFEF7, lr;
	s5 =	simm.s32 $0xFFFFFFFF;
	p2 =	slt.u32 s8, $0xFFFFF086  }
0x1c: {  	p1 =	slt.u32 s9, $0xF7A;
	s5 =	simm.s32 @!p2 $0x0  }
0x1d: {  	s5 =	simm.s32 @p1 $0x1;
	p0 =	seq.s32 s7, s2  }
0x1e: {  	s7 =	smul.u32 @!p0 $0xF7A, s2;
	p2 =	seq.s32 @!p0 s5, $0x0  }
0x1f: {  	s9 =	smul.u32 $0xF7A, s1;
	s8 =	simm.s32 @!p0 $0x1BF5;
	p2 =	por !p2, p0  }
0x20: {  	[sflag:s8] =	ssyncset.s32 @!p0 $0xFFFFF086;
	s6 =	sadd.s32 @!p0 s3, s7;
	s7 =	simm.s32 @!p0 $0x108  }
0x21: {  	s3 =	sadd.s32 s3, s9;
	s6 =	sadd.s32 @!p0 $0x88, s6;
	s7 =	simm.s32 @p2 $0x1082  }
0x22: {  	[simem:s7], [sflag:s8] =	dma.local @!p0 [hbm:s6], $0xF7A  }
0x23: {  	s9 =	sor.u32 $0xD0000000, s2;
	s6 =	simm.s32 $0x108;
	_ =	swait.ge @!p0 [sflag:s8], $0x0  }
0x24: {  	s3 =	sadd.s32 $0x88, s3;
	s6 =	simm.s32 @!p1 $0x1082;
	[sflag:s4] =	ssyncset.s32 $0xFFFFF086  }
0x25: {  	[simem:s6], [sflag:s4] =	dma.local [hbm:s3], $0xF7A  }
0x26: {  	[smem:$0x3F8C] =	sst s1;
	(tag) =	ssettag s2;
	_ =	strace s9  }
0x27: {  	s1 =	sld [smem:$0x3F9C]  }
0x28: {  	s2 =	sld [smem:$0x3F9D]  }
0x29: {  	s4 =	sld [smem:$0x3F9F]  }
0x2a: {  	p0 =	seq.s32 s5, $0x0;
	s5 =	sld [smem:$0x3FA0]  }
0x2b: {  	s6 =	sld [smem:$0x3FA1]  }
0x2c: {  	s7 =	sld [smem:$0x3FA2]  }
0x2d: {  	s3 =	simm.s32 $0x108;
	s8 =	sld [smem:$0x3FA3]  }
0x2e: {  	s3 =	simm.s32 @!p0 $0x1082;
	s9 =	sld [smem:$0x3FA4]  }
0x2f: {  	lr =	sadd.s32 s0, s3;
	s0 =	sld [smem:$0x3F9B]  }
0x30: {  	s3 =	sld [smem:$0x3F9E]  }
0x31: {  	[smem:$0x3FA7] =	sst s10  }
0x32: {  	s10 =	sld [smem:$0x3FA5];
	_ =	sdelay $0x3  }
0x33: {  	p0 =	seq.s32 s10, $0x1;
	s10 =	sld [smem:$0x3FA7];
	_ =	sdelay $0x3  }
0x34: {  	[smem:$0x3FA7] =	sst s10  }
0x35: {  	s10 =	sld [smem:$0x3FA6];
	_ =	sdelay $0x3  }
0x36: {  	p1 =	seq.s32 s10, $0x1;
	s10 =	sld [smem:$0x3FA7];
	_ =	sdelay $0x3  }
0x37: {  	[smem:$0x3FA7] =	sst s10  }
0x38: {  	s10 =	sld [smem:$0x3FA8]  }
0x39: {  	_ = 	snop;
	(pc) =	sbr.ind lr, $3  }
0x3a: {  	_ = 	snop  }
0x3b: {  	_ = 	snop  }
0x3c: {  	p2 =	seq.s32 s10, $0x1;
	s10 =	sld [smem:$0x3FA7]  }
0x3d: {  	_ =	shalt  }
0x3e: {  	_ =	shalt  }
0x3f: {  	_ =	shalt  }
0x40: {  	_ =	shalt  }
0x41: {  	_ =	shalt  }
0x42: {  	_ =	shalt  }
0x43: {  	_ =	shalt  }
0x44: {  	_ =	shalt  }
0x45: {  	_ =	shalt  }
0x46: {  	_ =	shalt  }
0x47: {  	_ =	shalt  }
0x48: {  	_ =	shalt  }
0x49: {  	_ =	shalt  }
0x4a: {  	_ =	shalt  }
0x4b: {  	_ =	shalt  }
0x4c: {  	_ =	shalt  }
0x4d: {  	_ =	shalt  }
0x4e: {  	_ =	shalt  }
0x4f: {  	_ =	shalt  }
0x50: {  	_ =	shalt  }
0x51: {  	_ =	shalt  }
0x52: {  	_ =	shalt  }
0x53: {  	_ =	shalt  }
0x54: {  	_ =	shalt  }
0x55: {  	_ =	shalt  }
0x56: {  	_ =	shalt  }
0x57: {  	_ =	shalt  }
0x58: {  	_ =	shalt  }
0x59: {  	_ =	shalt  }
0x5a: {  	_ =	shalt  }
0x5b: {  	_ =	shalt  }
0x5c: {  	_ =	shalt  }
0x5d: {  	_ =	shalt  }
0x5e: {  	_ =	shalt  }
0x5f: {  	_ =	shalt  }
0x60: {  	_ =	shalt  }
0x61: {  	_ =	shalt  }
0x62: {  	_ =	shalt  }
0x63: {  	_ =	shalt  }
0x64: {  	_ =	shalt  }
0x65: {  	_ =	shalt  }
0x66: {  	_ =	shalt  }
0x67: {  	_ =	shalt  }
0x68: {  	_ =	shalt  }
0x69: {  	_ =	shalt  }
0x6a: {  	_ =	shalt  }
0x6b: {  	_ =	shalt  }
0x6c: {  	_ =	shalt  }
0x6d: {  	_ =	shalt  }
0x6e: {  	_ =	shalt  }
0x6f: {  	_ =	shalt  }
0x70: {  	_ =	shalt  }
0x71: {  	_ =	shalt  }
0x72: {  	_ =	shalt  }
0x73: {  	_ =	shalt  }
0x74: {  	_ =	shalt  }
0x75: {  	_ =	shalt  }
0x76: {  	_ =	shalt  }
0x77: {  	_ =	shalt  }
0x78: {  	_ =	shalt  }
0x79: {  	_ =	shalt  }
0x7a: {  	_ =	shalt  }
0x7b: {  	_ =	shalt  }
0x7c: {  	_ =	shalt  }
0x7d: {  	_ =	shalt  }
0x7e: {  	_ =	shalt  }
0x7f: {  	_ =	shalt  }
0x80: {  	_ =	shalt  }
0x81: {  	_ =	shalt  }
0x82: {  	_ =	shalt  }
0x83: {  	_ =	shalt  }
0x84: {  	_ =	shalt  }
0x85: {  	_ =	shalt  }
0x86: {  	_ =	shalt  }
0x87: {  	_ =	shalt  }
.Lfunc_end0:
.L_simem_size_0:
called_computation.2_lowered:
.L_overlay_start_0:
0x88: {  	s2 =	sld [smem:$0x3FD9]  }
0x89: {  	s3 =	sld [smem:$0x3FFE];
	_ =	sdelay $0x1  }
0x8a: {  	s1 =	srdreg.scid  }
0x8b: {  	s0 =	sand.u32 $0x1, s1  }
0x8c: {  	s16 =	sshll.u32 s0, $0xA;
	s2 =	sadd.s32 s3, s2  }
0x8d: {  	s2 =	sadd.s32 s2, s16  }
0x8e: {  	[smem:$0x3FB3] =	sst s2  }
0x8f: {  	_ = 	snop  }
0x90: {  	(tm) =	ssettm $0x1  }
0x91: {  	s17 =	sld [smem:$0x3FFB];
	_ =	sdelay $0x3  }
0x92: {  	_ =	strace s17  }
0x93: {  	s2 =	sld [smem:$0x3FFC];
	_ =	sdelay $0x3  }
0x94: {  	_ =	strace s2  }
0x95: {  	s2 =	sld [smem:$0x3FFD];
	_ =	sdelay $0x3  }
0x96: {  	_ =	strace s2  }
0x97: {  	_ =	strace $0x8FFFFFFF  }
0x98: {  	s18 =	sld [smem:$0x3FDB];
	_ =	sdelay $0x1  }
0x99: {  	s19 =	simm.s32 $_scs_section_size  }
0x9a: {  	s4 =	simm.s32 $_size__tile_overlayer_lowered;
	s5 =	simm.s32 $_tile_overlayer_lowered  }
0x9b: {  	s22 =	simm.s32 $0x1BFF;
	s21 =	sshll.u32 s5, $0x1;
	s2 =	sadd.s32 s19, s18  }
0x9c: {  	s6 =	simm.s32 $0x0;
	s20 =	sshll.u32 s4, $0x1;
	s4 =	sadd.s32 s21, s2  }
0x9d: {  	[timem:s6], [sflag:s22] =	dma.local [hbm:s4], s20  }
0x9e: {  	_ =	swait.ge [sflag:s22], s20  }
0x9f: {  	s3 =	ssub.s32 $0x0, s20;
	[sflag:s22] =	ssyncset.done $0x0  }
0xa0: {  	[sflag:s22] =	ssyncadd.s32 s3;
	_ =	sdelay $0x1  }
0xa1: {  	s23 =	simm.s32 $0x1B8B  }
0xa2: {  	_ =	swait.ge [sflag:s23], $0x1  }
0xa3: {  	[sflag:s23] =	ssyncset.done $0x0  }
0xa4: {  	s25 =	simm.s32 $0x1B8E;
	s24 =	sld [smem:$0x3FFE];
	[sflag:s23] =	ssyncadd.s32 $0xFFFFFFFF  }
0xa5: {  	s26 =	simm.s32 $execute0_lowered;
	[smem:$0x3FD2] =	sst s25  }
0xa6: {  	s4 =	sshll.u32 s26, $0x1;
	_ =	strace $0x8000004C;
	[dreg:$0x1] =	wrdreg $0xFFFFFFFF  }
0xa7: {  	s28 =	simm.s32 $_size_execute0_lowered;
	s2 =	sadd.s32 s2, s4;
	[dreg:$0x0] =	wrdreg $0x0  }
0xa8: {  	s4 =	sshll.u32 s28, $0x1;
	[dreg:$0x2] =	wrdreg s2  }
0xa9: {  	[dreg:$0x3] =	wrdreg s4  }
0xaa: {  	[dreg:$0x4] =	wrdreg $0xC0  }
0xab: {  	_ =	task [dreg:s6], $0x5FFFF  }
0xac: {  	[dreg:$0x1] =	wrdreg $0xFFFFFFFF  }
0xad: {  	[dreg:$0x0] =	wrdreg $0x60  }
0xae: {  	[dreg:$0x2] =	wrdreg s24  }
0xaf: {  	[dreg:$0x3] =	wrdreg $0x78800  }
0xb0: {  	[dreg:$0x4] =	wrdreg $0x9  }
0xb1: {  	_ =	task.clear_ibuf [dreg:s6], $0x5FFFF;
	_ =	strace $0x9000004C  }
0xb2: {  	s29 =	simm.s32 $0x9;
	_ =	strace $0x8000004E  }
0xb3: {  	_ =	swait.ge [sflag:s29], $0x1  }
0xb4: {  	[sflag:s29] =	ssyncadd.s32 $0xFFFFFFFF  }
0xb5: {  	_ =	strace $0x9000004E  }
0xb6: {  	_ =	sfence  }
0xb7: {  	s30 =	sld [smem:$0x0];
	_ =	sdelay $0x2  }
0xb8: {  	s31 =	sshll.u32 s1, $0xD;
	s1 =	sshrl.u32 s1, $0x2  }
0xb9: {  	s3 =	sand.u32 $0x4000, s31;
	s1 =	sadd.s32 s1, s30  }
0xba: {  	s0 =	sor.u32 s3, s0;
	s1 =	sshll.u32 s1, $0x11  }
0xbb: {  	s0 =	sor.u32 s1, s0  }
0xbc: {  	s0 =	sadd.s32 $0x8F2B, s0  }
0xbd: {  	[sflag:s0] =	ssyncadd.remote.s32 $0x1  }
0xbe: {  	_ =	sfence.sel $0xFFFF  }
0xbf: {  	[dreg:$0x0] =	wrdreg $0xFFFFFFFF;
	(pc) =	sbr.abs _section_cstart, $3  }
0xc0: {  	[dreg:$0x1] =	wrdreg $0xFFFFFFFF  }
0xc1: {  	_ =	task.clear_ibuf [dreg:s6], $0x2FFFF;
	_ =	strace $0x9FFFFFFF  }
0xc2: {  	(tm) =	ssettm $0x7FFFFFFF  }
0xc3: {  	_ =	shalt  }
tec
execute0_lowered:
.L_overlay_start_1:
0x0: {  	(tag) =	ssettag $0x1  }
0x1: {  	s0 =	srdreg.scid;
	s1 =	rddreg [dreg:$0x0]  }
0x2: {  	s18 =	stileid.u32;
	s2 =	rddreg [dreg:$0x1]  }
0x3: {  	s20 =	simm.s32 $0x2780;
	s21 =	simm.s32 $0x50;
	s22 =	simm.s32 $0x2880  }
0x4: {  	s28 =	simm.s32 $0x2;
	s29 =	simm.s32 $0x5;
	s31 =	simm.s32 $0x4  }
0x5: {  	s0 =	sand.u32 $0x1, s0;
	s3 =	sshll.u32 s18, $0x1;
	s11 =	smul.u32 $0x13800, s18  }
0x6: {  	s7 =	smul.u32 $0x4E000, s18;
	s16 =	sadd.s32 $0xD600, s1;
	s12 =	sadd.s32 $0x65800, s1  }
0x7: {  	s23 =	sshll.u32 s18, $0x6;
	s19 =	sadd.s32 $0x138000, s2;
	s24 =	smul.u32 $0x4E20, s18  }
0x8: {  	p0 =	sne.s32 s18, $0xF;
	s18 =	simm.s32 $0x7;
	s14 =	smul.u32 $0x138800, s0  }
0x9: {  	s4 =	sor.u32 s0, s3;
	s9 =	ssub.s32 $0x2, s0;
	s0 =	smul.u32 $0x2710, s0  }
0xa: {  	s3 =	simm.s32 $0x0;
	s19 =	sshrl.u32 @!p0 s19, $0x3;
	s5 =	smul.u32 $0x2710, s4  }
0xb: {  	[smem:$0x7FF] =	sst s3;
	s4 =	sadd.s32 $0x17400, s1;
	s6 =	sshrl.u32 s11, $0x3  }
0xc: {  	s10 =	sshrl.u32 s9, $0x1;
	s7 =	sshrl.u32 s7, $0x2;
	_ =	strace $0x8000004D  }
0xd: {  	s6 =	sadd.s32 s6, s1;
	s13 =	ssub.s32 s9, s10;
	s17 =	sadd.s32 s7, s2  }
0xe: {  	s26 =	sadd.s32 s11, s14;
	s30 =	sshrl.u32 s14, $0x3;
	s0 =	sadd.s32 s0, s24  }
0xf: {  	s24 =	simm.s32 $0x5080;
	s5 =	sshrl.u32 s5, $0x3;
	s6 =	sadd.s32 $0x3E600, s6  }
0x10: {  	s14 =	sadd.s32 s12, s30;
	s13 =	smax.u32 s13, $0x1;
	s17 =	sshrl.u32 s17, $0x3  }
0x11: {  	s8 =	sadd.s32 s5, s1;
	[dreg:$0x3] =	wrdreg s6;
	s6 =	sor.u32 $0x1C07, s23  }
0x12: {  	s1 =	sadd.s32 $0x65600, s1;
	s9 =	sadd.s32 s16, s5;
	s5 =	sshrl.u32 s26, $0x3  }
0x13: {  	s23 =	simm.s32 $0x1;
	s26 =	simm.s32 $0x3;
	[dreg:$0x4] =	wrdreg s1  }
0x14: {  	s25 =	sadd.s32 $0x3800, s8;
	s10 =	sadd.s32 $0xA, s9;
	s11 =	sadd.s32 s12, s5  }
0x15: {  	s12 =	sadd.s32 $0x27000, s14;
	s1 =	sadd.s32 $0x140, s0;
	s0 =	sadd.s32 $0xF0, s0  }
0x16: {  	s14 =	sadd.s32 $0x14, s9;
	[dreg:$0x5] =	wrdreg s25;
	s1 =	sshrl.u32 s1, $0x3  }
0x17: {  	s0 =	sshrl.u32 s0, $0x3;
	s25 =	simm.s32 $0x2800;
	s15 =	sadd.s32 s1, s16  }
0x18: {  	s16 =	sadd.s32 s0, s16;
	s1 =	simm.s32 $0x6;
	s0 =	simm.s32 $0x0  }
.LBB2_1:
0x19: {  	s5 =	rddreg [dreg:$0x3]  }
0x1a: {  	[spmem:s17], [sflag:s6] =	dma.local [hbm:s5], $0x2700  }
0x1b: {  	_ =	swait.ge [sflag:s18], $0x2700  }
0x1c: {  	[sflag:s18] =	ssyncset.done $0x0  }
0x1d: {  	s5 =	rddreg [dreg:$0x4];
	[sflag:s18] =	ssyncadd.s32 $0xFFFFD900  }
0x1e: {  	[spmem:s19], [sflag:s6] =	dma.local @!p0 [hbm:s5], $0x100  }
0x1f: {  	s5 =	simm.s32 @!p0 $0x7  }
0x20: {  	_ =	swait.ge @!p0 [sflag:s5], $0x100  }
0x21: {  	[sflag:s5] =	ssyncset.done @!p0 $0x0  }
0x22: {  	s7 =	rddreg [dreg:$0x5];
	[sflag:s5] =	ssyncadd.s32 @!p0 $0xFFFFFF00  }
0x23: {  	[tilespmem:s3], [sflag:$0x7] =	stream.linear.gather [hbm4b:s7+s3], $0x2710, $0x38;
	[tilespmem:$0x1B100] =	vst v63  }
0x24: {  	_ =	swait.ge [sflag:s18], $0x2710  }
0x25: {  	[sflag:s18] =	ssyncset.done $0x0  }
0x26: {  	[sflag:s18] =	ssyncadd.s32 $0xFFFFD8F0  }
0x27: {  	[bflag:$0x0] =	sbarrier.arrive $0xFFFF  }
0x28: {  	[tilespmem:s20], [sflag:$0x3] =	stream.linear.gather [hbm4b:s9+s3], $0x50, $0x38;
	[tilespmem:$0x1B100] =	vst v63  }
0x29: {  	_ = 	snop  }
0x2a: {  	[tilespmem:s22], [sflag:$0x1] =	stream.indirect.gather [hbm4b:s4+s21], $0x80, s3, s21, $0xb8;
	[tilespmem:$0x1B100] =	vst v63  }
0x2b: {  	_ =	swait.ge [sflag:s23], $0x2800  }
0x2c: {  	[sflag:s23] =	ssyncset.done $0x0  }
0x2d: {  	[sflag:s23] =	ssyncadd.s32 $0xFFFFD800  }
0x2e: {  	[tilespmem:s24], [sflag:$0x2] =	stream.indirect.gather [hbm4b:s4+s21], $0x80, s21, s21, $0xb8;
	[tilespmem:$0x1B100] =	vst v63  }
0x2f: {  	_ = 	snop  }
0x30: {  	[tilespmem:s25], [sflag:$0x4] =	stream.linear.gather [hbm4b:s10+s3], $0x50, $0x38;
	[tilespmem:$0x1B100] =	vst v63  }
0x31: {  	_ =	swait.ge [sflag:s26], $0x50  }
0x32: {  	[sflag:s26] =	ssyncset.done $0x0  }
0x33: {  	[sflag:s26] =	ssyncadd.s32 $0xFFFFFFB0  }
0x34: {  	[spmem:s2] =	stream.indirect.scatter.add.f32 [tilespmem:s22], [sflag:$0x5], $0x80, s20, s21, $0xb8;
	[tilespmem:$0x1B100] =	vst v63  }
0x35: {  	_ =	swait.ge [sflag:s28], $0x2800  }
0x36: {  	[sflag:s28] =	ssyncset.done $0x0  }
0x37: {  	[sflag:s28] =	ssyncadd.s32 $0xFFFFD800  }
0x38: {  	_ =	swait.ge [sflag:s29], $0x2800  }
0x39: {  	[sflag:s29] =	ssyncset.done $0x0  }
0x3a: {  	s8 =	simm.s32 $0xA0;
	[sflag:s29] =	ssyncadd.s32 $0xFFFFD800  }
0x3b: {  	[tilespmem:s22], [sflag:$0x1] =	stream.indirect.gather [hbm4b:s4+s21], $0x80, s8, s21, $0xb8;
	[tilespmem:$0x1B100] =	vst v63  }
0x3c: {  	_ = 	snop  }
0x3d: {  	[tilespmem:s20], [sflag:$0x3] =	stream.linear.gather [hbm4b:s14+s3], $0x50, $0x38;
	[tilespmem:$0x1B100] =	vst v63  }
0x3e: {  	_ =	swait.ge [sflag:s31], $0x50  }
0x3f: {  	[sflag:s31] =	ssyncset.done $0x0  }
0x40: {  	[sflag:s31] =	ssyncadd.s32 $0xFFFFFFB0  }
0x41: {  	[spmem:s2] =	stream.indirect.scatter.add.f32 [tilespmem:s24], [sflag:$0x6], $0x80, s25, s21, $0xb8;
	[tilespmem:$0x1B100] =	vst v63  }
0x42: {  	_ =	swait.ge [sflag:s23], $0x2800  }
0x43: {  	[sflag:s23] =	ssyncset.done $0x0  }
0x44: {  	[sflag:s23] =	ssyncadd.s32 $0xFFFFD800  }
0x45: {  	_ =	swait.ge [sflag:s1], $0x2800  }
0x46: {  	[sflag:s1] =	ssyncset.done $0x0  }
0x47: {  	s7 =	simm.s32 $0xF0;
	[sflag:s1] =	ssyncadd.s32 $0xFFFFD800  }
0x48: {  	[tilespmem:s24], [sflag:$0x2] =	stream.indirect.gather [hbm4b:s4+s21], $0x80, s7, s21, $0xb8;
	[tilespmem:$0x1B100] =	vst v63  }
0x49: {  	s8 =	sadd.s32 $0x0, s16  }
0x4a: {  	[tilespmem:s25], [sflag:$0x4] =	stream.linear.gather [hbm4b:s8+s3], $0x50, $0x38;
	[tilespmem:$0x1B100] =	vst v63  }
0x4b: {  	_ =	swait.ge [sflag:s26], $0x50  }
0x4c: {  	[sflag:s26] =	ssyncset.done $0x0  }
0x4d: {  	[sflag:s26] =	ssyncadd.s32 $0xFFFFFFB0  }
0x4e: {  	[spmem:s2] =	stream.indirect.scatter.add.f32 [tilespmem:s22], [sflag:$0x5], $0x80, s20, s21, $0xb8;
	[tilespmem:$0x1B100] =	vst v63  }
0x4f: {  	_ =	swait.ge [sflag:s28], $0x2800  }
0x50: {  	[sflag:s28] =	ssyncset.done $0x0  }
0x51: {  	[sflag:s28] =	ssyncadd.s32 $0xFFFFD800  }
0x52: {  	_ =	swait.ge [sflag:s29], $0x2800  }
0x53: {  	[sflag:s29] =	ssyncset.done $0x0  }
0x54: {  	s7 =	simm.s32 $0x140;
	[sflag:s29] =	ssyncadd.s32 $0xFFFFD800  }
0x55: {  	[tilespmem:s22], [sflag:$0x1] =	stream.indirect.gather [hbm4b:s4+s21], $0x80, s7, s21, $0xb8;
	[tilespmem:$0x1B100] =	vst v63  }
0x56: {  	s8 =	sadd.s32 $0x0, s15  }
0x57: {  	[tilespmem:s20], [sflag:$0x3] =	stream.linear.gather [hbm4b:s8+s3], $0x50, $0x38;
	[tilespmem:$0x1B100] =	vst v63  }
0x58: {  	_ =	swait.ge [sflag:s31], $0x50  }
0x59: {  	[sflag:s31] =	ssyncset.done $0x0  }
0x5a: {  	s30 =	simm.s32 $0x14;
	s5 =	simm.s32 $0x1E0;
	[sflag:s31] =	ssyncadd.s32 $0xFFFFFFB0  }
.LBB2_2:
0x5b: {  	[spmem:s2] =	stream.indirect.scatter.add.f32 [tilespmem:s24], [sflag:$0x6], $0x80, s25, s21, $0xb8;
	[tilespmem:$0x1B100] =	vst v63  }
0x5c: {  	s7 =	smov.u32 s30  }
0x5d: {  	p1 =	sne.s32 s30, $0x4B0;
	s30 =	sadd.s32 $0x14, s30;
	_ =	swait.ge [sflag:s23], $0x2800  }
0x5e: {  	[sflag:s23] =	ssyncset.done $0x0  }
0x5f: {  	[sflag:s23] =	ssyncadd.s32 $0xFFFFD800  }
0x60: {  	_ =	swait.ge [sflag:s1], $0x2800  }
0x61: {  	[sflag:s1] =	ssyncset.done $0x0  }
0x62: {  	s8 =	sadd.s32 $0xFFFFFFB0, s5;
	[sflag:s1] =	ssyncadd.s32 $0xFFFFD800  }
0x63: {  	[tilespmem:s24], [sflag:$0x2] =	stream.indirect.gather [hbm4b:s4+s21], $0x80, s8, s21, $0xb8;
	[tilespmem:$0x1B100] =	vst v63  }
0x64: {  	s8 =	sadd.s32 s7, s16  }
0x65: {  	[tilespmem:s25], [sflag:$0x4] =	stream.linear.gather [hbm4b:s8+s3], $0x50, $0x38;
	[tilespmem:$0x1B100] =	vst v63  }
0x66: {  	_ =	swait.ge [sflag:s26], $0x50  }
0x67: {  	[sflag:s26] =	ssyncset.done $0x0  }
0x68: {  	[sflag:s26] =	ssyncadd.s32 $0xFFFFFFB0  }
0x69: {  	[spmem:s2] =	stream.indirect.scatter.add.f32 [tilespmem:s22], [sflag:$0x5], $0x80, s20, s21, $0xb8;
	[tilespmem:$0x1B100] =	vst v63  }
0x6a: {  	_ =	swait.ge [sflag:s28], $0x2800  }
0x6b: {  	[sflag:s28] =	ssyncset.done $0x0  }
0x6c: {  	[sflag:s28] =	ssyncadd.s32 $0xFFFFD800  }
0x6d: {  	_ =	swait.ge [sflag:s29], $0x2800  }
0x6e: {  	[sflag:s29] =	ssyncset.done $0x0  }
0x6f: {  	[sflag:s29] =	ssyncadd.s32 $0xFFFFD800  }
0x70: {  	[tilespmem:s22], [sflag:$0x1] =	stream.indirect.gather [hbm4b:s4+s21], $0x80, s5, s21, $0xb8;
	[tilespmem:$0x1B100] =	vst v63  }
.Ltmp0:
0x71: {  	s7 =	sadd.s32 s7, s15;
	(pc) =	sbr.rel @p1 .LBB2_2-.Ltmp0, $4  }
0x72: {  	[tilespmem:s20], [sflag:$0x3] =	stream.linear.gather [hbm4b:s7+s3], $0x50, $0x38;
	[tilespmem:$0x1B100] =	vst v63  }
0x73: {  	_ =	swait.ge [sflag:s31], $0x50  }
0x74: {  	[sflag:s31] =	ssyncset.done $0x0  }
0x75: {  	s5 =	sadd.s32 $0xA0, s5;
	[sflag:s31] =	ssyncadd.s32 $0xFFFFFFB0  }
0x76: {  	[spmem:s2] =	stream.indirect.scatter.add.f32 [tilespmem:s24], [sflag:$0x6], $0x80, s25, s21, $0xb8;
	[tilespmem:$0x1B100] =	vst v63  }
0x77: {  	_ =	swait.ge [sflag:s23], $0x2800  }
0x78: {  	[sflag:s23] =	ssyncset.done $0x0  }
0x79: {  	[sflag:s23] =	ssyncadd.s32 $0xFFFFD800  }
0x7a: {  	_ =	swait.ge [sflag:s1], $0x2800  }
0x7b: {  	[sflag:s1] =	ssyncset.done $0x0  }
0x7c: {  	[sflag:s1] =	ssyncadd.s32 $0xFFFFD800  }
0x7d: {  	_ =	swait.ge [sflag:s26], $0x50  }
0x7e: {  	[sflag:s26] =	ssyncset.done $0x0  }
0x7f: {  	[sflag:s26] =	ssyncadd.s32 $0xFFFFFFB0  }
0x80: {  	[spmem:s2] =	stream.indirect.scatter.add.f32 [tilespmem:s22], [sflag:$0x5], $0x80, s20, s21, $0xb8;
	[tilespmem:$0x1B100] =	vst v63  }
0x81: {  	_ =	swait.ge [sflag:s29], $0x2800  }
0x82: {  	[sflag:s29] =	ssyncset.done $0x0  }
0x83: {  	[sflag:s29] =	ssyncadd.s32 $0xFFFFD800  }
0x84: {  	[bflag:$0x0] =	sbarrier.arrive $0xFFFF  }
0x85: {  	[hbm:s11], [sflag:s6] =	dma.local [spmem:s17], $0x2700  }
0x86: {  	s0 =	sadd.s32 $0x1, s0;
	_ =	swait.ge [sflag:s18], $0x2700  }
0x87: {  	p1 =	sne.s32 s0, s13;
	[sflag:s18] =	ssyncset.done $0x0  }
.Ltmp1:
0x88: {  	s5 =	simm.s32 @!p0 $0x7;
	[sflag:s18] =	ssyncadd.s32 $0xFFFFD900;
	(pc) =	sbr.rel @p1 .LBB2_1-.Ltmp1, $4  }
0x89: {  	[hbm:s12], [sflag:s6] =	dma.local @!p0 [spmem:s19], $0x100  }
0x8a: {  	_ =	swait.ge @!p0 [sflag:s5], $0x100  }
0x8b: {  	[sflag:s5] =	ssyncset.done @!p0 $0x0  }
0x8c: {  	[sflag:s5] =	ssyncadd.s32 @!p0 $0xFFFFFF00  }
0x8d: {  	_ =	sfence.sel $0x180000  }
0x8e: {  	[bflag:$0x0] =	sbarrier.arrive $0xFFFF  }
0x8f: {  	_ =	strace $0x9000004D  }
0x90: {  	s0 =	stileid.u32;
	[bflag:$0x2] =	sbarrier.arrive $0xFFFF  }
0x91: {  	p0 =	sne.s32 s0, $0x0;
	s0 =	rddreg [dreg:$0x2]  }
0x92: {  	s0 =	sadd.s32 @!p0 $0x100000, s0  }
0x93: {  	[sflag:s0] =	ssyncadd.tile.s32 @!p0 $0x1;
	_ =	shalt  }
.Lfunc_end2:
_tile_overlayer_lowered:
.L_overlay_start_2:
0x94: {  	(tag) =	ssettag $0x2  }
0x95: {  	s0 =	rddreg [dreg:$0x0];
	s2 =	stileid.u32  }
0x96: {  	s1 =	rddreg [dreg:$0x1];
	p0 =	sne.s32 s2, $0x0  }
0x97: {  	s3 =	rddreg [dreg:$0x2];
	[bflag:$0x3] =	sbarrier.arrive $0xFFFF;
	s2 =	simm.s32 @!p0 $0x1C07  }
0x98: {  	[timem:s3], [sflag:s2] =	dma.local @!p0 [hbm:s0], s1  }
0x99: {  	s0 =	simm.s32 @!p0 $0x7  }
0x9a: {  	_ =	swait.ge @!p0 [sflag:s0], s1  }
0x9b: {  	s1 =	ssub.s32 @!p0 $0x0, s1;
	[sflag:s0] =	ssyncset.done @!p0 $0x0  }
0x9c: {  	[sflag:s0] =	ssyncadd.s32 @!p0 s1  }
0x9d: {  	[bflag:$0x3] =	sbarrier.arrive $0xFFFF  }
0x9e: {  	_ =	shalt  }

// kernel: kernel.8.cloned.1.call-start
scs
__scs_entry_jumppad:
0x0: {  	(pc) =	sbr.rel $0x88, $3  }
0x1: {  	(tag) =	ssettag $0x0;
	lr =	simm.s32 $0x1  }
0x2: {  	[smem:$0x3F8C] =	sst lr;
	_ =	strace $0xD0000000  }
0x3: {  	_ = 	snop  }
0x4: {  	_ = 	snop  }
0x5: {  	_ = 	snop  }
0x6: {  	_ = 	snop  }
0x7: {  	_ = 	snop  }
__scs_overlays_trampoline_lowered:
0x8: {  	[smem:$0x3F9B] =	sst s0  }
0x9: {  	[smem:$0x3F9C] =	sst s1  }
0xa: {  	[smem:$0x3F9D] =	sst s2  }
0xb: {  	[smem:$0x3F9E] =	sst s3  }
0xc: {  	[smem:$0x3F9F] =	sst s4  }
0xd: {  	[smem:$0x3FA0] =	sst s5  }
0xe: {  	[smem:$0x3FA1] =	sst s6  }
0xf: {  	[smem:$0x3FA2] =	sst s7  }
0x10: {  	[smem:$0x3FA3] =	sst s8  }
0x11: {  	[smem:$0x3FA4] =	sst s9;
	s0 =	simm.s32 @!p0 $0x0  }
0x12: {  	s1 =	sld [smem:$0x3F8A];
	s0 =	simm.s32 @p0 $0x1  }
0x13: {  	[smem:$0x3FA5] =	sst s0;
	s0 =	simm.s32 @!p1 $0x0  }
0x14: {  	s2 =	sld [smem:$0x3F89];
	s0 =	simm.s32 @p1 $0x1  }
0x15: {  	[smem:$0x3FA6] =	sst s0;
	s0 =	simm.s32 @!p2 $0x0  }
0x16: {  	s3 =	sld [smem:$0x3FDB];
	s0 =	simm.s32 @p2 $0x1  }
0x17: {  	s4 =	simm.s32 $0x1BF5;
	[smem:$0x3FA8] =	sst s0  }
0x18: {  	s0 =	sld [smem:$0x3F8B];
	_ =	swait.ge [sflag:s4], $0x0  }
0x19: {  	s7 =	sld [smem:$0x3F8C]  }
0x1a: {  	s8 =	sadd.s32 $0xFFFFE003, lr  }
0x1b: {  	s9 =	sadd.s32 $0xFFFFFEF7, lr;
	s5 =	simm.s32 $0xFFFFFFFF;
	p2 =	slt.u32 s8, $0xFFFFF086  }
0x1c: {  	p1 =	slt.u32 s9, $0xF7A;
	s5 =	simm.s32 @!p2 $0x0  }
0x1d: {  	s5 =	simm.s32 @p1 $0x1;
	p0 =	seq.s32 s7, s2  }
0x1e: {  	s7 =	smul.u32 @!p0 $0xF7A, s2;
	p2 =	seq.s32 @!p0 s5, $0x0  }
0x1f: {  	s9 =	smul.u32 $0xF7A, s1;
	s8 =	simm.s32 @!p0 $0x1BF5;
	p2 =	por !p2, p0  }
0x20: {  	[sflag:s8] =	ssyncset.s32 @!p0 $0xFFFFF086;
	s6 =	sadd.s32 @!p0 s3, s7;
	s7 =	simm.s32 @!p0 $0x108  }
0x21: {  	s3 =	sadd.s32 s3, s9;
	s6 =	sadd.s32 @!p0 $0x88, s6;
	s7 =	simm.s32 @p2 $0x1082  }
0x22: {  	[simem:s7], [sflag:s8] =	dma.local @!p0 [hbm:s6], $0xF7A  }
0x23: {  	s9 =	sor.u32 $0xD0000000, s2;
	s6 =	simm.s32 $0x108;
	_ =	swait.ge @!p0 [sflag:s8], $0x0  }
0x24: {  	s3 =	sadd.s32 $0x88, s3;
	s6 =	simm.s32 @!p1 $0x1082;
	[sflag:s4] =	ssyncset.s32 $0xFFFFF086  }
0x25: {  	[simem:s6], [sflag:s4] =	dma.local [hbm:s3], $0xF7A  }
0x26: {  	[smem:$0x3F8C] =	sst s1;
	(tag) =	ssettag s2;
	_ =	strace s9  }
0x27: {  	s1 =	sld [smem:$0x3F9C]  }
0x28: {  	s2 =	sld [smem:$0x3F9D]  }
0x29: {  	s4 =	sld [smem:$0x3F9F]  }
0x2a: {  	p0 =	seq.s32 s5, $0x0;
	s5 =	sld [smem:$0x3FA0]  }
0x2b: {  	s6 =	sld [smem:$0x3FA1]  }
0x2c: {  	s7 =	sld [smem:$0x3FA2]  }
0x2d: {  	s3 =	simm.s32 $0x108;
	s8 =	sld [smem:$0x3FA3]  }
0x2e: {  	s3 =	simm.s32 @!p0 $0x1082;
	s9 =	sld [smem:$0x3FA4]  }
0x2f: {  	lr =	sadd.s32 s0, s3;
	s0 =	sld [smem:$0x3F9B]  }
0x30: {  	s3 =	sld [smem:$0x3F9E]  }
0x31: {  	[smem:$0x3FA7] =	sst s10  }
0x32: {  	s10 =	sld [smem:$0x3FA5];
	_ =	sdelay $0x3  }
0x33: {  	p0 =	seq.s32 s10, $0x1;
	s10 =	sld [smem:$0x3FA7];
	_ =	sdelay $0x3  }
0x34: {  	[smem:$0x3FA7] =	sst s10  }
0x35: {  	s10 =	sld [smem:$0x3FA6];
	_ =	sdelay $0x3  }
0x36: {  	p1 =	seq.s32 s10, $0x1;
	s10 =	sld [smem:$0x3FA7];
	_ =	sdelay $0x3  }
0x37: {  	[smem:$0x3FA7] =	sst s10  }
0x38: {  	s10 =	sld [smem:$0x3FA8]  }
0x39: {  	_ = 	snop;
	(pc) =	sbr.ind lr, $3  }
0x3a: {  	_ = 	snop  }
0x3b: {  	_ = 	snop  }
0x3c: {  	p2 =	seq.s32 s10, $0x1;
	s10 =	sld [smem:$0x3FA7]  }
0x3d: {  	_ =	shalt  }
0x3e: {  	_ =	shalt  }
0x3f: {  	_ =	shalt  }
0x40: {  	_ =	shalt  }
0x41: {  	_ =	shalt  }
0x42: {  	_ =	shalt  }
0x43: {  	_ =	shalt  }
0x44: {  	_ =	shalt  }
0x45: {  	_ =	shalt  }
0x46: {  	_ =	shalt  }
0x47: {  	_ =	shalt  }
0x48: {  	_ =	shalt  }
0x49: {  	_ =	shalt  }
0x4a: {  	_ =	shalt  }
0x4b: {  	_ =	shalt  }
0x4c: {  	_ =	shalt  }
0x4d: {  	_ =	shalt  }
0x4e: {  	_ =	shalt  }
0x4f: {  	_ =	shalt  }
0x50: {  	_ =	shalt  }
0x51: {  	_ =	shalt  }
0x52: {  	_ =	shalt  }
0x53: {  	_ =	shalt  }
0x54: {  	_ =	shalt  }
0x55: {  	_ =	shalt  }
0x56: {  	_ =	shalt  }
0x57: {  	_ =	shalt  }
0x58: {  	_ =	shalt  }
0x59: {  	_ =	shalt  }
0x5a: {  	_ =	shalt  }
0x5b: {  	_ =	shalt  }
0x5c: {  	_ =	shalt  }
0x5d: {  	_ =	shalt  }
0x5e: {  	_ =	shalt  }
0x5f: {  	_ =	shalt  }
0x60: {  	_ =	shalt  }
0x61: {  	_ =	shalt  }
0x62: {  	_ =	shalt  }
0x63: {  	_ =	shalt  }
0x64: {  	_ =	shalt  }
0x65: {  	_ =	shalt  }
0x66: {  	_ =	shalt  }
0x67: {  	_ =	shalt  }
0x68: {  	_ =	shalt  }
0x69: {  	_ =	shalt  }
0x6a: {  	_ =	shalt  }
0x6b: {  	_ =	shalt  }
0x6c: {  	_ =	shalt  }
0x6d: {  	_ =	shalt  }
0x6e: {  	_ =	shalt  }
0x6f: {  	_ =	shalt  }
0x70: {  	_ =	shalt  }
0x71: {  	_ =	shalt  }
0x72: {  	_ =	shalt  }
0x73: {  	_ =	shalt  }
0x74: {  	_ =	shalt  }
0x75: {  	_ =	shalt  }
0x76: {  	_ =	shalt  }
0x77: {  	_ =	shalt  }
0x78: {  	_ =	shalt  }
0x79: {  	_ =	shalt  }
0x7a: {  	_ =	shalt  }
0x7b: {  	_ =	shalt  }
0x7c: {  	_ =	shalt  }
0x7d: {  	_ =	shalt  }
0x7e: {  	_ =	shalt  }
0x7f: {  	_ =	shalt  }
0x80: {  	_ =	shalt  }
0x81: {  	_ =	shalt  }
0x82: {  	_ =	shalt  }
0x83: {  	_ =	shalt  }
0x84: {  	_ =	shalt  }
0x85: {  	_ =	shalt  }
0x86: {  	_ =	shalt  }
0x87: {  	_ =	shalt  }
.Lfunc_end0:
.L_simem_size_0:
called_computation_lowered:
.L_overlay_start_0:
0x88: {  	s2 =	sld [smem:$0x3FD9]  }
0x89: {  	s3 =	sld [smem:$0x3FFE];
	_ =	sdelay $0x1  }
0x8a: {  	s1 =	srdreg.scid  }
0x8b: {  	s0 =	sand.u32 $0x1, s1  }
0x8c: {  	s17 =	sshll.u32 s0, $0xA;
	s2 =	sadd.s32 s3, s2  }
0x8d: {  	s2 =	sadd.s32 s2, s17  }
0x8e: {  	[smem:$0x3FB3] =	sst s2  }
0x8f: {  	_ = 	snop  }
0x90: {  	s2 =	sld [smem:$0x3FD0];
	(tm) =	ssettm $0x1  }
0x91: {  	s18 =	sld [smem:$0x3FFB];
	_ =	sdelay $0x3  }
0x92: {  	_ =	strace s18  }
0x93: {  	s3 =	sld [smem:$0x3FFC];
	_ =	sdelay $0x3  }
0x94: {  	_ =	strace s3  }
0x95: {  	s3 =	sld [smem:$0x3FFD];
	_ =	sdelay $0x3  }
0x96: {  	_ =	strace s3  }
0x97: {  	_ =	strace $0x8FFFFFFF  }
0x98: {  	s19 =	sld [smem:$0x3FDB];
	_ =	sdelay $0x1  }
0x99: {  	s4 =	simm.s32 $_scs_section_size  }
0x9a: {  	s5 =	simm.s32 $_size__tile_overlayer_lowered;
	s6 =	simm.s32 $_tile_overlayer_lowered  }
0x9b: {  	s22 =	simm.s32 $0x1BFF;
	s21 =	sshll.u32 s6, $0x1;
	s3 =	sadd.s32 s4, s19  }
0x9c: {  	s7 =	simm.s32 $0x0;
	s20 =	sshll.u32 s5, $0x1;
	s5 =	sadd.s32 s21, s3  }
0x9d: {  	[timem:s7], [sflag:s22] =	dma.local [hbm:s5], s20  }
0x9e: {  	_ =	swait.ge [sflag:s22], s20  }
0x9f: {  	s4 =	ssub.s32 $0x0, s20;
	[sflag:s22] =	ssyncset.done $0x0  }
0xa0: {  	[sflag:s22] =	ssyncadd.s32 s4;
	_ =	sdelay $0x1  }
0xa1: {  	s23 =	simm.s32 $0x1B8B  }
0xa2: {  	_ =	swait.ge [sflag:s23], $0x1  }
0xa3: {  	[sflag:s23] =	ssyncset.done $0x0  }
0xa4: {  	s25 =	simm.s32 $0x1B8E;
	s24 =	sld [smem:$0x3FFE];
	[sflag:s23] =	ssyncadd.s32 $0xFFFFFFFF  }
0xa5: {  	s26 =	simm.s32 $execute0_lowered;
	[smem:$0x3FD2] =	sst s25  }
0xa6: {  	s5 =	sshll.u32 s26, $0x1;
	_ =	strace $0x80000046;
	[dreg:$0x1] =	wrdreg $0xFFFFFFFF  }
0xa7: {  	s28 =	simm.s32 $_size_execute0_lowered;
	s3 =	sadd.s32 s3, s5;
	[dreg:$0x0] =	wrdreg $0x0  }
0xa8: {  	s5 =	sshll.u32 s28, $0x1;
	[dreg:$0x2] =	wrdreg s3  }
0xa9: {  	[dreg:$0x3] =	wrdreg s5  }
0xaa: {  	[dreg:$0x4] =	wrdreg $0xC0  }
0xab: {  	_ =	task [dreg:s7], $0x5FFFF  }
0xac: {  	[dreg:$0x1] =	wrdreg $0xFFFFFFFF  }
0xad: {  	[dreg:$0x0] =	wrdreg $0x60  }
0xae: {  	[dreg:$0x2] =	wrdreg s24  }
0xaf: {  	[dreg:$0x3] =	wrdreg s2  }
0xb0: {  	[dreg:$0x4] =	wrdreg $0x1000  }
0xb1: {  	[dreg:$0x5] =	wrdreg $0x9  }
0xb2: {  	_ =	task.clear_ibuf [dreg:s7], $0x6FFFF;
	_ =	strace $0x90000046  }
0xb3: {  	s29 =	simm.s32 $0x9;
	_ =	strace $0x80000048  }
0xb4: {  	_ =	swait.ge [sflag:s29], $0x1  }
0xb5: {  	[sflag:s29] =	ssyncadd.s32 $0xFFFFFFFF  }
0xb6: {  	_ =	strace $0x90000048  }
0xb7: {  	_ =	sfence  }
0xb8: {  	s30 =	sld [smem:$0x0];
	_ =	sdelay $0x2  }
0xb9: {  	s31 =	sshll.u32 s1, $0xD;
	s1 =	sshrl.u32 s1, $0x2  }
0xba: {  	s3 =	sand.u32 $0x4000, s31;
	s1 =	sadd.s32 s1, s30  }
0xbb: {  	s0 =	sor.u32 s3, s0;
	s1 =	sshll.u32 s1, $0x11  }
0xbc: {  	s0 =	sor.u32 s1, s0  }
0xbd: {  	s0 =	sadd.s32 $0x8F2B, s0  }
0xbe: {  	[sflag:s0] =	ssyncadd.remote.s32 $0x1  }
0xbf: {  	_ =	sfence.sel $0xFFFF  }
0xc0: {  	[dreg:$0x0] =	wrdreg $0xFFFFFFFF;
	(pc) =	sbr.abs _section_cstart, $3  }
0xc1: {  	[dreg:$0x1] =	wrdreg $0xFFFFFFFF  }
0xc2: {  	_ =	task.clear_ibuf [dreg:s7], $0x2FFFF;
	_ =	strace $0x9FFFFFFF  }
0xc3: {  	(tm) =	ssettm $0x7FFFFFFF  }
tec
execute0_lowered:
.L_overlay_start_1:
0x0: {  	(tag) =	ssettag $0x1  }
0x1: {  	s6 =	rddreg [dreg:$0x0]  }
0x2: {  	s0 =	srdreg.scid;
	s1 =	rddreg [dreg:$0x1]  }
0x3: {  	s11 =	stileid.u32;
	s2 =	rddreg [dreg:$0x2];
	s3 =	simm.s32 $0x0  }
0x4: {  	s12 =	simm.s32 $0x50;
	s7 =	sand.u32 $0x1, s0;
	s0 =	rddreg [dreg:$0x3]  }
0x5: {  	s16 =	simm.s32 $0x0;
	s4 =	smul.u32 $0x4E20, s11;
	[smem:$0x7FF] =	sst s3  }
0x6: {  	p0 =	seq.s32 s11, $0x0;
	s5 =	smul.u32 $0x2710, s7;
	_ =	strace $0x80000047  }
0x7: {  	s9 =	ssub.s32 $0x2, s7;
	p1 =	seq.s32 s7, $0x1;
	s31 =	sor.u32 s7, s11  }
0x8: {  	s10 =	sshrl.u32 s9, $0x1;
	p0 =	por !p0, !p1;
	p2 =	sne.s32 s31, $0x0  }
0x9: {  	s4 =	sadd.s32 s5, s4;
	s5 =	sadd.s32 $0x17A00, s6;
	s9 =	ssub.s32 s9, s10  }
0xa: {  	p1 =	por !p0, !p0;
	p0 =	sne.s32 s11, $0x0;
	s10 =	simm.s32 $0x1  }
0xb: {  	s13 =	sshll.u32 @!p2 s11, $0x6;
	s11 =	simm.s32 $0x80;
	s14 =	sshrl.u32 @!p2 s2, $0x3  }
0xc: {  	s4 =	sshrl.u32 s4, $0x3;
	s7 =	smax.u32 s9, $0x1;
	s9 =	sshrl.u32 @!p0 s2, $0x3  }
0xd: {  	s13 =	sor.u32 @!p2 $0x1C01, s13;
	s15 =	sshrl.u32 @p1 s2, $0x3;
	s8 =	sadd.s32 s4, s6  }
0xe: {  	s4 =	sadd.s32 $0x17400, s6;
	s6 =	sadd.s32 $0x18000, s6;
	s8 =	sadd.s32 $0xD600, s8  }
.LBB2_1:
0xf: {  	s17 =	simm.s32 @!p0 $0x1C01  }
0x10: {  	[spmem:s9], [sflag:s17] =	dma.local @!p0 [hbm:s4], $0x4F0  }
0x11: {  	s17 =	simm.s32 @!p0 $0x1  }
0x12: {  	_ =	swait.ge @!p0 [sflag:s17], $0x4F0  }
0x13: {  	[sflag:s17] =	ssyncset.done @!p0 $0x0  }
0x14: {  	[sflag:s17] =	ssyncadd.s32 @!p0 $0xFFFFFB10  }
0x15: {  	[tilespmem:s3], [sflag:$0x1] =	stream.linear.gather [hbm4b:s1+s3], $0x80, $0x38;
	[tilespmem:$0x378] =	vst v63  }
0x16: {  	_ =	swait.ge [sflag:s10], $0x80  }
0x17: {  	[sflag:s10] =	ssyncset.done $0x0  }
0x18: {  	[sflag:s10] =	ssyncadd.s32 $0xFFFFFF80  }
0x19: {  	s31 =	sadd.s32 $0x0, s8;
	[bflag:$0x0] =	sbarrier.arrive $0xFFFF  }
0x1a: {  	[tilespmem:s11], [sflag:$0x1] =	stream.linear.gather [hbm4b:s31+s3], $0x50, $0x38;
	[tilespmem:$0x378] =	vst v63  }
0x1b: {  	_ =	swait.ge [sflag:s10], $0x50  }
0x1c: {  	[sflag:s10] =	ssyncset.done $0x0  }
0x1d: {  	[sflag:s10] =	ssyncadd.s32 $0xFFFFFFB0  }
0x1e: {  	[spmem:s2] =	stream.indirect.scatter.add.f32 [tilespmem:s3], [sflag:$0x1], $0x1, s11, s12, $0xb8;
	[tilespmem:$0x378] =	vst v63  }
0x1f: {  	_ =	swait.ge [sflag:s10], $0x50  }
0x20: {  	s18 =	simm.s32 $0x14;
	s17 =	simm.s32 $0xA;
	[sflag:s10] =	ssyncset.done $0x0  }
.LBB2_2:
0x21: {  	s19 =	sadd.s32 s17, s8  }
0x22: {  	[sflag:s10] =	ssyncadd.s32 $0xFFFFFFB0;
	s17 =	smov.u32 s18;
	s20 =	sadd.s32 $0xA, s18  }
0x23: {  	[tilespmem:s11], [sflag:$0x1] =	stream.linear.gather [hbm4b:s19+s3], $0x50, $0x38;
	[tilespmem:$0x378] =	vst v63  }
0x24: {  	p3 =	sne.s32 s18, $0x4D8;
	_ =	swait.ge [sflag:s10], $0x50  }
.Ltmp0:
0x25: {  	[sflag:s10] =	ssyncset.done $0x0;
	(pc) =	sbr.rel @p3 .LBB2_2-.Ltmp0, $4  }
0x26: {  	[sflag:s10] =	ssyncadd.s32 $0xFFFFFFB0  }
0x27: {  	[spmem:s2] =	stream.indirect.scatter.add.f32 [tilespmem:s3], [sflag:$0x1], $0x1, s11, s12, $0xb8;
	[tilespmem:$0x378] =	vst v63  }
0x28: {  	_ =	swait.ge [sflag:s10], $0x50  }
0x29: {  	s18 =	smov.u32 s20;
	[sflag:s10] =	ssyncset.done $0x0  }
0x2a: {  	s17 =	sadd.s32 s17, s8;
	[sflag:s10] =	ssyncadd.s32 $0xFFFFFFB0  }
0x2b: {  	[tilespmem:s11], [sflag:$0x1] =	stream.linear.gather [hbm4b:s17+s3], $0x50, $0x38;
	[tilespmem:$0x378] =	vst v63  }
0x2c: {  	_ =	swait.ge [sflag:s10], $0x50  }
0x2d: {  	[sflag:s10] =	ssyncset.done $0x0  }
0x2e: {  	[sflag:s10] =	ssyncadd.s32 $0xFFFFFFB0  }
0x2f: {  	[spmem:s2] =	stream.indirect.scatter.add.f32 [tilespmem:s3], [sflag:$0x1], $0x1, s11, s12, $0xb8;
	[tilespmem:$0x378] =	vst v63  }
0x30: {  	_ =	swait.ge [sflag:s10], $0x50  }
0x31: {  	[sflag:s10] =	ssyncset.done $0x0  }
0x32: {  	[sflag:s10] =	ssyncadd.s32 $0xFFFFFFB0  }
0x33: {  	s17 =	simm.s32 @!p2 $0x1;
	[bflag:$0x0] =	sbarrier.arrive $0xFFFF  }
0x34: {  	[hbm:s5], [sflag:s13] =	dma.local @!p2 [spmem:s14], $0x4F0  }
0x35: {  	_ =	swait.ge @!p2 [sflag:s17], $0x4F0  }
0x36: {  	s16 =	sadd.s32 $0x1, s16;
	[sflag:s17] =	ssyncset.done @!p2 $0x0  }
0x37: {  	p3 =	sne.s32 s16, s7;
	[sflag:s17] =	ssyncadd.s32 @!p2 $0xFFFFFB10;
	s17 =	simm.s32 @p1 $0x1C01  }
0x38: {  	[hbm:s6], [sflag:s17] =	dma.local @p1 [spmem:s15], $0x4F0  }
.Ltmp1:
0x39: {  	_ = 	snop;
	(pc) =	sbr.rel @p3 .LBB2_1-.Ltmp1, $4  }
0x3a: {  	s17 =	simm.s32 @p1 $0x1  }
0x3b: {  	_ =	swait.ge @p1 [sflag:s17], $0x4F0  }
0x3c: {  	[sflag:s17] =	ssyncset.done @p1 $0x0  }
0x3d: {  	[sflag:s17] =	ssyncadd.s32 @p1 $0xFFFFFB10  }
0x3e: {  	_ =	sfence.sel $0x180000  }
0x3f: {  	[bflag:$0x0] =	sbarrier.arrive $0xFFFF  }
0x40: {  	_ =	strace $0x90000047  }
0x41: {  	s0 =	sadd.s32 @!p0 $0x100000, s0;
	[bflag:$0x2] =	sbarrier.arrive $0xFFFF  }
0x42: {  	[sflag:s0] =	ssyncadd.tile.s32 @!p0 $0x1;
	_ =	shalt  }
.Lfunc_end2:
_tile_overlayer_lowered:
.L_overlay_start_2:
0x43: {  	(tag) =	ssettag $0x2  }
0x44: {  	s0 =	rddreg [dreg:$0x0];
	s2 =	stileid.u32  }
0x45: {  	s1 =	rddreg [dreg:$0x1];
	p0 =	sne.s32 s2, $0x0  }
0x46: {  	s3 =	rddreg [dreg:$0x2];
	[bflag:$0x3] =	sbarrier.arrive $0xFFFF;
	s2 =	simm.s32 @!p0 $0x1C01  }
0x47: {  	[timem:s3], [sflag:s2] =	dma.local @!p0 [hbm:s0], s1  }
0x48: {  	s0 =	simm.s32 @!p0 $0x1  }
0x49: {  	_ =	swait.ge @!p0 [sflag:s0], s1  }
0x4a: {  	s1 =	ssub.s32 @!p0 $0x0, s1;
	[sflag:s0] =	ssyncset.done @!p0 $0x0  }
0x4b: {  	[sflag:s0] =	ssyncadd.s32 @!p0 s1  }
0x4c: {  	[bflag:$0x3] =	sbarrier.arrive $0xFFFF  }
0x4d: {  	_ =	shalt  }

</sc_bundles>
